<compile_context>
chip_gen: v7x
topology: tpu7x:2x2x1
jax: 0.10.2.dev20260603
libtpu: 0.0.44.dev20260713+nightly
codegen_flags: <defaults>
</compile_context>

<pallas_src>
import functools

import jax
import jax.numpy as jnp
from jax import lax
from jax.experimental import pallas as pl
from jax.experimental.pallas import tpu as pltpu
from jax.experimental.pallas import tpu_sc as plsc

DIM = 64
BATCH = 16384
NENT = 1000000

_KH = 8192
_NBLK = -(-NENT // (2 * _KH))
SPLITP = (_NBLK - 1) * _KH
_NROWS = _NBLK * _KH

_INFO = plsc.get_sparse_core_info()
_NC = _INFO.num_cores
_NS = _INFO.num_subcores
_NW = _NC * _NS
_PER_W = BATCH // _NW
_CHUNK = 256
_NCH = _PER_W // _CHUNK
_EPS = 1e-12


def _detile_body(x1_ref, x2_ref, o_ref):
    eye = jnp.eye(DIM, dtype=jnp.float32)
    dims = (((0,), (0,)), ((), ()))
    y1 = jax.lax.dot_general(x1_ref[...], eye, dims,
                             preferred_element_type=jnp.float32)
    y2 = jax.lax.dot_general(x2_ref[...], eye, dims,
                             preferred_element_type=jnp.float32)
    o_ref[...] = jnp.concatenate([y1, y2], axis=1)


def _tc_detile(entT):
    return pl.pallas_call(
        _detile_body,
        grid=(_NBLK,),
        in_specs=[pl.BlockSpec((DIM, _KH), lambda i: (0, i)),
                  pl.BlockSpec((DIM, _KH), lambda i: (0, i + _NBLK - 1))],
        out_specs=pl.BlockSpec((_KH, 2 * DIM), lambda i: (i, 0)),
        out_shape=jax.ShapeDtypeStruct((_NROWS, 2 * DIM), jnp.float32),
    )(entT, entT)


def _gather_body(hidx_hbm, ridx_hbm, tidx_hbm, ent_hbm, rel_hbm,
                 hrows_hbm, rrows_hbm, trows_hbm,
                 idxh_v, idxr_v, idxt_v, bufh_v, bufr_v, buft_v,
                 semh, semr, semt):
    wid = lax.axis_index("s") * _NC + lax.axis_index("c")
    base = wid * _PER_W

    pltpu.sync_copy(hidx_hbm.at[pl.ds(base, _PER_W)], idxh_v)
    pltpu.sync_copy(ridx_hbm.at[pl.ds(base, _PER_W)], idxr_v)
    pltpu.sync_copy(tidx_hbm.at[pl.ds(base, _PER_W)], idxt_v)

    def make_fire(idx_v, tab_hbm, buf_v, sem, off):
        def fire(g, carry):
            v = idx_v[pl.ds(off + g * 16, 16)]
            for i in range(16):
                pltpu.async_copy(tab_hbm.at[pl.ds(v[i], 1)],
                                 buf_v.at[pl.ds(g * 16 + i, 1)], sem)
            return carry
        return fire

    for j in range(_NCH):
        off = j * _CHUNK
        lax.fori_loop(0, _CHUNK // 16, make_fire(idxh_v, ent_hbm, bufh_v, semh, off), 0)
        lax.fori_loop(0, _CHUNK // 16, make_fire(idxt_v, ent_hbm, buft_v, semt, off), 0)
        lax.fori_loop(0, _CHUNK // 16, make_fire(idxr_v, rel_hbm, bufr_v, semr, off), 0)
        dst = pl.ds(base + off, _CHUNK)
        pltpu.make_async_copy(ent_hbm.at[pl.ds(0, _CHUNK)], bufh_v, semh).wait()
        pltpu.sync_copy(bufh_v, hrows_hbm.at[dst])
        pltpu.make_async_copy(ent_hbm.at[pl.ds(0, _CHUNK)], buft_v, semt).wait()
        pltpu.sync_copy(buft_v, trows_hbm.at[dst])
        pltpu.make_async_copy(rel_hbm.at[pl.ds(0, _CHUNK)], bufr_v, semr).wait()
        pltpu.sync_copy(bufr_v, rrows_hbm.at[dst])


def _sc_gather(hidx, ridx, tidx, ent2, rel_emb):
    mesh = plsc.VectorSubcoreMesh(core_axis_name="c", subcore_axis_name="s")
    line_t = jax.ShapeDtypeStruct((BATCH, 2 * DIM), jnp.float32)
    rows_t = jax.ShapeDtypeStruct((BATCH, DIM), jnp.float32)
    k = functools.partial(
        pl.kernel,
        mesh=mesh,
        out_type=[line_t, rows_t, line_t],
        scratch_types=[
            pltpu.VMEM((_PER_W,), jnp.int32),
            pltpu.VMEM((_PER_W,), jnp.int32),
            pltpu.VMEM((_PER_W,), jnp.int32),
            pltpu.VMEM((_CHUNK, 2 * DIM), jnp.float32),
            pltpu.VMEM((_CHUNK, DIM), jnp.float32),
            pltpu.VMEM((_CHUNK, 2 * DIM), jnp.float32),
            pltpu.SemaphoreType.DMA,
            pltpu.SemaphoreType.DMA,
            pltpu.SemaphoreType.DMA,
        ],
    )(_gather_body)
    return k(hidx, ridx, tidx, ent2, rel_emb)


def _score_body(h2_ref, r_ref, t2_ref, mh_ref, mt_ref, o_ref):
    h2 = h2_ref[...]
    t2 = t2_ref[...]
    r = r_ref[...]
    h = jnp.where(mh_ref[...] > 0, h2[:, DIM:], h2[:, :DIM])
    t = jnp.where(mt_ref[...] > 0, t2[:, DIM:], t2[:, :DIM])
    sh = jnp.maximum(jnp.sum(jnp.abs(h), axis=1, keepdims=True), _EPS)
    st = jnp.maximum(jnp.sum(jnp.abs(t), axis=1, keepdims=True), _EPS)
    d = jnp.abs(h / sh + r - t / st)
    o_ref[...] = -jnp.sum(d, axis=1)


def _tc_score(h2, r, t2, mh, mt):
    blk = 2048
    grid = BATCH // blk
    lspec = pl.BlockSpec((blk, 2 * DIM), lambda i: (i, 0))
    rspec = pl.BlockSpec((blk, DIM), lambda i: (i, 0))
    mspec = pl.BlockSpec((blk, 1), lambda i: (i, 0))
    return pl.pallas_call(
        _score_body,
        grid=(grid,),
        in_specs=[lspec, rspec, lspec, mspec, mspec],
        out_specs=pl.BlockSpec((blk,), lambda i: (i,)),
        out_shape=jax.ShapeDtypeStruct((BATCH,), jnp.float32),
    )(h2, r, t2, mh, mt)


def kernel(head_idxs, rel_idxs, tail_idxs, ent_emb, rel_emb):
    hidx = head_idxs.astype(jnp.int32)
    ridx = rel_idxs.astype(jnp.int32)
    tidx = tail_idxs.astype(jnp.int32)
    ent2 = _tc_detile(ent_emb.T)
    mh = hidx >= SPLITP
    mt = tidx >= SPLITP
    h2idx = jnp.where(mh, hidx - SPLITP, hidx)
    t2idx = jnp.where(mt, tidx - SPLITP, tidx)
    h2, rrows, t2rows = _sc_gather(h2idx, ridx, t2idx, ent2, rel_emb)
    return _tc_score(h2, rrows, t2rows,
                     mh.astype(jnp.int32).reshape(BATCH, 1),
                     mt.astype(jnp.int32).reshape(BATCH, 1))

# --- scband reference (transcript-rebuilt; emitter-appended) ---
"""Pipeline reference for scband-custom-trans-e-5935644803369 (READ-ONLY COPY).

The authoritative reference and input builder live on the scoring server;
editing this copy changes nothing except your own understanding.
"""

import jax, jax.numpy as jnp
import numpy as np
import math

NUM_ENTS = 1000000
NUM_RELS = 1000
DIM = 64
BATCH = 16384
NORM_P = 1.0


def _l1_normalize(x, eps=1e-12):
    denom = jnp.clip(jnp.sum(jnp.abs(x), axis=-1, keepdims=True), eps, None)
    return x / denom


def setup_inputs(seed: int = 0) -> dict:
    key = jax.random.key(seed)
    k1, k2, k3, k4, k5 = jax.random.split(key, 5)
    head_idxs = jax.random.randint(k1, (BATCH,), 0, NUM_ENTS, dtype=jnp.int64 if jax.config.jax_enable_x64 else jnp.int32)
    rel_idxs = jax.random.randint(k2, (BATCH,), 0, NUM_RELS, dtype=jnp.int64 if jax.config.jax_enable_x64 else jnp.int32)
    tail_idxs = jax.random.randint(k3, (BATCH,), 0, NUM_ENTS, dtype=jnp.int64 if jax.config.jax_enable_x64 else jnp.int32)
    bound = 6.0 / math.sqrt(DIM)
    ent_emb = jax.random.uniform(k4, (NUM_ENTS, DIM), dtype=jnp.float32, minval=-bound, maxval=bound)
    rel_emb = jax.random.uniform(k5, (NUM_RELS, DIM), dtype=jnp.float32, minval=-bound, maxval=bound)
    # rel_emb is L1-normalized at init time in the torch module
    rel_emb = _l1_normalize(rel_emb)
    return {"head_idxs": head_idxs, "rel_idxs": rel_idxs, "tail_idxs": tail_idxs,
            "ent_emb": ent_emb, "rel_emb": rel_emb}


def reference(head_idxs, rel_idxs, tail_idxs, ent_emb, rel_emb):
    head = jnp.take(ent_emb, head_idxs, axis=0)
    rel = jnp.take(rel_emb, rel_idxs, axis=0)
    tail = jnp.take(ent_emb, tail_idxs, axis=0)
    head = _l1_normalize(head)
    tail = _l1_normalize(tail)
    # p=1 norm of (head + rel - tail) along last dim, negated
    score = -jnp.sum(jnp.abs(head + rel - tail), axis=-1)
    return score

if __name__ == "__main__":
    import jax
    _d = setup_inputs()
    print(jax.jit(kernel)(*tuple(_d.values())))

</pallas_src>

<mosaic_0001>
#map = affine_map<(d0, d1) -> (0)>
#map1 = affine_map<(d0, d1) -> (0, 0)>
module attributes {stable_mosaic.version = 14 : i64} {
  func.func @_gather_body(%arg0: i32, %arg1: i32, %arg2: memref<16384xi32, #tpu.memory_space<hbm>>, %arg3: memref<16384xi32, #tpu.memory_space<hbm>>, %arg4: memref<16384xi32, #tpu.memory_space<hbm>>, %arg5: memref<507904x128xf32, #tpu.memory_space<hbm>>, %arg6: memref<1000x64xf32, #tpu.memory_space<hbm>>, %arg7: memref<16384x128xf32, #tpu.memory_space<hbm>>, %arg8: memref<16384x64xf32, #tpu.memory_space<hbm>>, %arg9: memref<16384x128xf32, #tpu.memory_space<hbm>>, %arg10: memref<512xi32, #tpu.memory_space<vmem>>, %arg11: memref<512xi32, #tpu.memory_space<vmem>>, %arg12: memref<512xi32, #tpu.memory_space<vmem>>, %arg13: memref<256x128xf32, #tpu.memory_space<vmem>>, %arg14: memref<256x64xf32, #tpu.memory_space<vmem>>, %arg15: memref<256x128xf32, #tpu.memory_space<vmem>>, %arg16: memref<!tpu.dma_semaphore, #tpu.memory_space<semaphore_mem>>, %arg17: memref<!tpu.dma_semaphore, #tpu.memory_space<semaphore_mem>>, %arg18: memref<!tpu.dma_semaphore, #tpu.memory_space<semaphore_mem>>) attributes {dimension_semantics = [#tpu.dimension_semantics<core_parallel>, #tpu.dimension_semantics<subcore_parallel>], iteration_bounds = array<i64: 2, 16>, scalar_prefetch = 0 : i64, scratch_operands = 9 : i64, tpu.core_type = #tpu.core_type<sc_vector_subcore>, window_params = [{transform_indices = #map}, {transform_indices = #map}, {transform_indices = #map}, {transform_indices = #map1}, {transform_indices = #map1}, {transform_indices = #map1}, {transform_indices = #map1}, {transform_indices = #map1}]} {
    %mul3A = arith.constant 2 : i32
    %mul3A_0 = arith.muli %arg1, %mul3A : i32
    %add3A = arith.addi %mul3A_0, %arg0 : i32
    %mul3A_1 = arith.constant 512 : i32
    %mul3A_2 = arith.muli %add3A, %mul3A_1 : i32
    "tpu.region"() ({
      %run_scoped3A = tpu.sem_alloc : memref<!tpu.dma_semaphore, #tpu.memory_space<semaphore_mem>>
      %dma_start3A = tpu.memref_slice %arg2[%mul3A_2] : memref<16384xi32, #tpu.memory_space<hbm>> -> memref<512xi32, #tpu.memory_space<hbm>>
      %dma_start3A_77 = tpu.memref_slice %arg2[%mul3A_2] : memref<16384xi32, #tpu.memory_space<hbm>> -> memref<512xi32, #tpu.memory_space<hbm>>
      tpu.enqueue_dma source(%dma_start3A_77 : memref<512xi32, #tpu.memory_space<hbm>>) target(%arg10 : memref<512xi32, #tpu.memory_space<vmem>>) target_semaphore(%run_scoped3A : memref<!tpu.dma_semaphore, #tpu.memory_space<semaphore_mem>>)
      %dma_wait3A_78 = tpu.memref_slice %arg2[%mul3A_2] : memref<16384xi32, #tpu.memory_space<hbm>> -> memref<512xi32, #tpu.memory_space<hbm>>
      %dma_wait3A_79 = tpu.memref_slice %arg2[%mul3A_2] : memref<16384xi32, #tpu.memory_space<hbm>> -> memref<512xi32, #tpu.memory_space<hbm>>
      tpu.wait_dma2 semaphore(%run_scoped3A : memref<!tpu.dma_semaphore, #tpu.memory_space<semaphore_mem>>) src(%dma_wait3A_79 : memref<512xi32, #tpu.memory_space<hbm>>) dst(%arg10 : memref<512xi32, #tpu.memory_space<vmem>>)
      tpu.yield
    }) : () -> ()
    "tpu.region"() ({
      %run_scoped3A = tpu.sem_alloc : memref<!tpu.dma_semaphore, #tpu.memory_space<semaphore_mem>>
      %dma_start3A = tpu.memref_slice %arg3[%mul3A_2] : memref<16384xi32, #tpu.memory_space<hbm>> -> memref<512xi32, #tpu.memory_space<hbm>>
      %dma_start3A_77 = tpu.memref_slice %arg3[%mul3A_2] : memref<16384xi32, #tpu.memory_space<hbm>> -> memref<512xi32, #tpu.memory_space<hbm>>
      tpu.enqueue_dma source(%dma_start3A_77 : memref<512xi32, #tpu.memory_space<hbm>>) target(%arg11 : memref<512xi32, #tpu.memory_space<vmem>>) target_semaphore(%run_scoped3A : memref<!tpu.dma_semaphore, #tpu.memory_space<semaphore_mem>>)
      %dma_wait3A_78 = tpu.memref_slice %arg3[%mul3A_2] : memref<16384xi32, #tpu.memory_space<hbm>> -> memref<512xi32, #tpu.memory_space<hbm>>
      %dma_wait3A_79 = tpu.memref_slice %arg3[%mul3A_2] : memref<16384xi32, #tpu.memory_space<hbm>> -> memref<512xi32, #tpu.memory_space<hbm>>
      tpu.wait_dma2 semaphore(%run_scoped3A : memref<!tpu.dma_semaphore, #tpu.memory_space<semaphore_mem>>) src(%dma_wait3A_79 : memref<512xi32, #tpu.memory_space<hbm>>) dst(%arg11 : memref<512xi32, #tpu.memory_space<vmem>>)
      tpu.yield
    }) : () -> ()
    "tpu.region"() ({
      %run_scoped3A = tpu.sem_alloc : memref<!tpu.dma_semaphore, #tpu.memory_space<semaphore_mem>>
      %dma_start3A = tpu.memref_slice %arg4[%mul3A_2] : memref<16384xi32, #tpu.memory_space<hbm>> -> memref<512xi32, #tpu.memory_space<hbm>>
      %dma_start3A_77 = tpu.memref_slice %arg4[%mul3A_2] : memref<16384xi32, #tpu.memory_space<hbm>> -> memref<512xi32, #tpu.memory_space<hbm>>
      tpu.enqueue_dma source(%dma_start3A_77 : memref<512xi32, #tpu.memory_space<hbm>>) target(%arg12 : memref<512xi32, #tpu.memory_space<vmem>>) target_semaphore(%run_scoped3A : memref<!tpu.dma_semaphore, #tpu.memory_space<semaphore_mem>>)
      %dma_wait3A_78 = tpu.memref_slice %arg4[%mul3A_2] : memref<16384xi32, #tpu.memory_space<hbm>> -> memref<512xi32, #tpu.memory_space<hbm>>
      %dma_wait3A_79 = tpu.memref_slice %arg4[%mul3A_2] : memref<16384xi32, #tpu.memory_space<hbm>> -> memref<512xi32, #tpu.memory_space<hbm>>
      tpu.wait_dma2 semaphore(%run_scoped3A : memref<!tpu.dma_semaphore, #tpu.memory_space<semaphore_mem>>) src(%dma_wait3A_79 : memref<512xi32, #tpu.memory_space<hbm>>) dst(%arg12 : memref<512xi32, #tpu.memory_space<vmem>>)
      tpu.yield
    }) : () -> ()
    %scan3A = arith.constant 0 : i32
    %scan3A_3 = arith.constant 0 : i32
    %scan3A_4 = arith.constant 16 : i32
    %scan3A_5 = arith.addi %scan3A_3, %scan3A_4 : i32
    %scan3A_6 = arith.constant 1 : i32
    scf.for %scan3A_77 = %scan3A_3 to %scan3A_5 step %scan3A_6  : i32 {
      %mul3A_78 = arith.constant 16 : i32
      %mul3A_79 = arith.muli %scan3A_77, %mul3A_78 : i32
      %add3A_80 = arith.constant 0 : i32
      %add3A_81 = arith.addi %add3A_80, %mul3A_79 : i32
      %get3A = arith.index_cast %add3A_81 : i32 to index
      %get3A_82 = tpu.vector_load %arg10[%get3A] {strides = array<i32>} : memref<512xi32, #tpu.memory_space<vmem>>, vector<16xi32>,
      %get3A_83 = vector.shape_cast %get3A_82 : vector<16xi32> to vector<16xi32>
      %slice3A = vector.extract_strided_slice %get3A_83 {offsets = [0], sizes = [1], strides = [1]} : vector<16xi32> to vector<1xi32>
      %squeeze3A = vector.extract %slice3A[0] : i32 from vector<1xi32>
      %mul3A_84 = arith.constant 16 : i32
      %mul3A_85 = arith.muli %scan3A_77, %mul3A_84 : i32
      %add3A_86 = arith.constant 0 : i32
      %add3A_87 = arith.addi %mul3A_85, %add3A_86 : i32
      %dma_start3A = arith.constant 0 : i32
      %dma_start3A_88 = tpu.memref_slice %arg13[%add3A_87, %dma_start3A] : memref<256x128xf32, #tpu.memory_space<vmem>> -> memref<1x128xf32, #tpu.memory_space<vmem>>
      %dma_start3A_89 = arith.constant 0 : i32
      %dma_start3A_90 = tpu.memref_slice %arg5[%squeeze3A, %dma_start3A_89] : memref<507904x128xf32, #tpu.memory_space<hbm>> -> memref<1x128xf32, #tpu.memory_space<hbm>>
      %dma_start3A_91 = arith.constant 0 : i32
      %dma_start3A_92 = tpu.memref_slice %arg13[%add3A_87, %dma_start3A_91] : memref<256x128xf32, #tpu.memory_space<vmem>> -> memref<1x128xf32, #tpu.memory_space<vmem>>
      %dma_start3A_93 = arith.constant 0 : i32
      %dma_start3A_94 = tpu.memref_slice %arg5[%squeeze3A, %dma_start3A_93] : memref<507904x128xf32, #tpu.memory_space<hbm>> -> memref<1x128xf32, #tpu.memory_space<hbm>>
      tpu.enqueue_dma source(%dma_start3A_94 : memref<1x128xf32, #tpu.memory_space<hbm>>) target(%dma_start3A_92 : memref<1x128xf32, #tpu.memory_space<vmem>>) target_semaphore(%arg16 : memref<!tpu.dma_semaphore, #tpu.memory_space<semaphore_mem>>)
      %slice3A_95 = vector.extract_strided_slice %get3A_83 {offsets = [1], sizes = [1], strides = [1]} : vector<16xi32> to vector<1xi32>
      %squeeze3A_96 = vector.extract %slice3A_95[0] : i32 from vector<1xi32>
      %mul3A_97 = arith.constant 16 : i32
      %mul3A_98 = arith.muli %scan3A_77, %mul3A_97 : i32
      %add3A_99 = arith.constant 1 : i32
      %add3A_100 = arith.addi %mul3A_98, %add3A_99 : i32
      %dma_start3A_101 = arith.constant 0 : i32
      %dma_start3A_102 = tpu.memref_slice %arg13[%add3A_100, %dma_start3A_101] : memref<256x128xf32, #tpu.memory_space<vmem>> -> memref<1x128xf32, #tpu.memory_space<vmem>>
      %dma_start3A_103 = arith.constant 0 : i32
      %dma_start3A_104 = tpu.memref_slice %arg5[%squeeze3A_96, %dma_start3A_103] : memref<507904x128xf32, #tpu.memory_space<hbm>> -> memref<1x128xf32, #tpu.memory_space<hbm>>
      %dma_start3A_105 = arith.constant 0 : i32
      %dma_start3A_106 = tpu.memref_slice %arg13[%add3A_100, %dma_start3A_105] : memref<256x128xf32, #tpu.memory_space<vmem>> -> memref<1x128xf32, #tpu.memory_space<vmem>>
      %dma_start3A_107 = arith.constant 0 : i32
      %dma_start3A_108 = tpu.memref_slice %arg5[%squeeze3A_96, %dma_start3A_107] : memref<507904x128xf32, #tpu.memory_space<hbm>> -> memref<1x128xf32, #tpu.memory_space<hbm>>
      tpu.enqueue_dma source(%dma_start3A_108 : memref<1x128xf32, #tpu.memory_space<hbm>>) target(%dma_start3A_106 : memref<1x128xf32, #tpu.memory_space<vmem>>) target_semaphore(%arg16 : memref<!tpu.dma_semaphore, #tpu.memory_space<semaphore_mem>>)
      %slice3A_109 = vector.extract_strided_slice %get3A_83 {offsets = [2], sizes = [1], strides = [1]} : vector<16xi32> to vector<1xi32>
      %squeeze3A_110 = vector.extract %slice3A_109[0] : i32 from vector<1xi32>
      %mul3A_111 = arith.constant 16 : i32
      %mul3A_112 = arith.muli %scan3A_77, %mul3A_111 : i32
      %add3A_113 = arith.constant 2 : i32
      %add3A_114 = arith.addi %mul3A_112, %add3A_113 : i32
      %dma_start3A_115 = arith.constant 0 : i32
      %dma_start3A_116 = tpu.memref_slice %arg13[%add3A_114, %dma_start3A_115] : memref<256x128xf32, #tpu.memory_space<vmem>> -> memref<1x128xf32, #tpu.memory_space<vmem>>
      %dma_start3A_117 = arith.constant 0 : i32
      %dma_start3A_118 = tpu.memref_slice %arg5[%squeeze3A_110, %dma_start3A_117] : memref<507904x128xf32, #tpu.memory_space<hbm>> -> memref<1x128xf32, #tpu.memory_space<hbm>>
      %dma_start3A_119 = arith.constant 0 : i32
      %dma_start3A_120 = tpu.memref_slice %arg13[%add3A_114, %dma_start3A_119] : memref<256x128xf32, #tpu.memory_space<vmem>> -> memref<1x128xf32, #tpu.memory_space<vmem>>
      %dma_start3A_121 = arith.constant 0 : i32
      %dma_start3A_122 = tpu.memref_slice %arg5[%squeeze3A_110, %dma_start3A_121] : memref<507904x128xf32, #tpu.memory_space<hbm>> -> memref<1x128xf32, #tpu.memory_space<hbm>>
      tpu.enqueue_dma source(%dma_start3A_122 : memref<1x128xf32, #tpu.memory_space<hbm>>) target(%dma_start3A_120 : memref<1x128xf32, #tpu.memory_space<vmem>>) target_semaphore(%arg16 : memref<!tpu.dma_semaphore, #tpu.memory_space<semaphore_mem>>)
      %slice3A_123 = vector.extract_strided_slice %get3A_83 {offsets = [3], sizes = [1], strides = [1]} : vector<16xi32> to vector<1xi32>
      %squeeze3A_124 = vector.extract %slice3A_123[0] : i32 from vector<1xi32>
      %mul3A_125 = arith.constant 16 : i32
      %mul3A_126 = arith.muli %scan3A_77, %mul3A_125 : i32
      %add3A_127 = arith.constant 3 : i32
      %add3A_128 = arith.addi %mul3A_126, %add3A_127 : i32
      %dma_start3A_129 = arith.constant 0 : i32
      %dma_start3A_130 = tpu.memref_slice %arg13[%add3A_128, %dma_start3A_129] : memref<256x128xf32, #tpu.memory_space<vmem>> -> memref<1x128xf32, #tpu.memory_space<vmem>>
      %dma_start3A_131 = arith.constant 0 : i32
      %dma_start3A_132 = tpu.memref_slice %arg5[%squeeze3A_124, %dma_start3A_131] : memref<507904x128xf32, #tpu.memory_space<hbm>> -> memref<1x128xf32, #tpu.memory_space<hbm>>
      %dma_start3A_133 = arith.constant 0 : i32
      %dma_start3A_134 = tpu.memref_slice %arg13[%add3A_128, %dma_start3A_133] : memref<256x128xf32, #tpu.memory_space<vmem>> -> memref<1x128xf32, #tpu.memory_space<vmem>>
      %dma_start3A_135 = arith.constant 0 : i32
      %dma_start3A_136 = tpu.memref_slice %arg5[%squeeze3A_124, %dma_start3A_135] : memref<507904x128xf32, #tpu.memory_space<hbm>> -> memref<1x128xf32, #tpu.memory_space<hbm>>
      tpu.enqueue_dma source(%dma_start3A_136 : memref<1x128xf32, #tpu.memory_space<hbm>>) target(%dma_start3A_134 : memref<1x128xf32, #tpu.memory_space<vmem>>) target_semaphore(%arg16 : memref<!tpu.dma_semaphore, #tpu.memory_space<semaphore_mem>>)
      %slice3A_137 = vector.extract_strided_slice %get3A_83 {offsets = [4], sizes = [1], strides = [1]} : vector<16xi32> to vector<1xi32>
      %squeeze3A_138 = vector.extract %slice3A_137[0] : i32 from vector<1xi32>
      %mul3A_139 = arith.constant 16 : i32
      %mul3A_140 = arith.muli %scan3A_77, %mul3A_139 : i32
      %add3A_141 = arith.constant 4 : i32
      %add3A_142 = arith.addi %mul3A_140, %add3A_141 : i32
      %dma_start3A_143 = arith.constant 0 : i32
      %dma_start3A_144 = tpu.memref_slice %arg13[%add3A_142, %dma_start3A_143] : memref<256x128xf32, #tpu.memory_space<vmem>> -> memref<1x128xf32, #tpu.memory_space<vmem>>
      %dma_start3A_145 = arith.constant 0 : i32
      %dma_start3A_146 = tpu.memref_slice %arg5[%squeeze3A_138, %dma_start3A_145] : memref<507904x128xf32, #tpu.memory_space<hbm>> -> memref<1x128xf32, #tpu.memory_space<hbm>>
      %dma_start3A_147 = arith.constant 0 : i32
      %dma_start3A_148 = tpu.memref_slice %arg13[%add3A_142, %dma_start3A_147] : memref<256x128xf32, #tpu.memory_space<vmem>> -> memref<1x128xf32, #tpu.memory_space<vmem>>
      %dma_start3A_149 = arith.constant 0 : i32
      %dma_start3A_150 = tpu.memref_slice %arg5[%squeeze3A_138, %dma_start3A_149] : memref<507904x128xf32, #tpu.memory_space<hbm>> -> memref<1x128xf32, #tpu.memory_space<hbm>>
      tpu.enqueue_dma source(%dma_start3A_150 : memref<1x128xf32, #tpu.memory_space<hbm>>) target(%dma_start3A_148 : memref<1x128xf32, #tpu.memory_space<vmem>>) target_semaphore(%arg16 : memref<!tpu.dma_semaphore, #tpu.memory_space<semaphore_mem>>)
      %slice3A_151 = vector.extract_strided_slice %get3A_83 {offsets = [5], sizes = [1], strides = [1]} : vector<16xi32> to vector<1xi32>
      %squeeze3A_152 = vector.extract %slice3A_151[0] : i32 from vector<1xi32>
      %mul3A_153 = arith.constant 16 : i32
      %mul3A_154 = arith.muli %scan3A_77, %mul3A_153 : i32
      %add3A_155 = arith.constant 5 : i32
      %add3A_156 = arith.addi %mul3A_154, %add3A_155 : i32
      %dma_start3A_157 = arith.constant 0 : i32
      %dma_start3A_158 = tpu.memref_slice %arg13[%add3A_156, %dma_start3A_157] : memref<256x128xf32, #tpu.memory_space<vmem>> -> memref<1x128xf32, #tpu.memory_space<vmem>>
      %dma_start3A_159 = arith.constant 0 : i32
      %dma_start3A_160 = tpu.memref_slice %arg5[%squeeze3A_152, %dma_start3A_159] : memref<507904x128xf32, #tpu.memory_space<hbm>> -> memref<1x128xf32, #tpu.memory_space<hbm>>
      %dma_start3A_161 = arith.constant 0 : i32
      %dma_start3A_162 = tpu.memref_slice %arg13[%add3A_156, %dma_start3A_161] : memref<256x128xf32, #tpu.memory_space<vmem>> -> memref<1x128xf32, #tpu.memory_space<vmem>>
      %dma_start3A_163 = arith.constant 0 : i32
      %dma_start3A_164 = tpu.memref_slice %arg5[%squeeze3A_152, %dma_start3A_163] : memref<507904x128xf32, #tpu.memory_space<hbm>> -> memref<1x128xf32, #tpu.memory_space<hbm>>
      tpu.enqueue_dma source(%dma_start3A_164 : memref<1x128xf32, #tpu.memory_space<hbm>>) target(%dma_start3A_162 : memref<1x128xf32, #tpu.memory_space<vmem>>) target_semaphore(%arg16 : memref<!tpu.dma_semaphore, #tpu.memory_space<semaphore_mem>>)
      %slice3A_165 = vector.extract_strided_slice %get3A_83 {offsets = [6], sizes = [1], strides = [1]} : vector<16xi32> to vector<1xi32>
      %squeeze3A_166 = vector.extract %slice3A_165[0] : i32 from vector<1xi32>
      %mul3A_167 = arith.constant 16 : i32
      %mul3A_168 = arith.muli %scan3A_77, %mul3A_167 : i32
      %add3A_169 = arith.constant 6 : i32
      %add3A_170 = arith.addi %mul3A_168, %add3A_169 : i32
      %dma_start3A_171 = arith.constant 0 : i32
      %dma_start3A_172 = tpu.memref_slice %arg13[%add3A_170, %dma_start3A_171] : memref<256x128xf32, #tpu.memory_space<vmem>> -> memref<1x128xf32, #tpu.memory_space<vmem>>
      %dma_start3A_173 = arith.constant 0 : i32
      %dma_start3A_174 = tpu.memref_slice %arg5[%squeeze3A_166, %dma_start3A_173] : memref<507904x128xf32, #tpu.memory_space<hbm>> -> memref<1x128xf32, #tpu.memory_space<hbm>>
      %dma_start3A_175 = arith.constant 0 : i32
      %dma_start3A_176 = tpu.memref_slice %arg13[%add3A_170, %dma_start3A_175] : memref<256x128xf32, #tpu.memory_space<vmem>> -> memref<1x128xf32, #tpu.memory_space<vmem>>
      %dma_start3A_177 = arith.constant 0 : i32
      %dma_start3A_178 = tpu.memref_slice %arg5[%squeeze3A_166, %dma_start3A_177] : memref<507904x128xf32, #tpu.memory_space<hbm>> -> memref<1x128xf32, #tpu.memory_space<hbm>>
      tpu.enqueue_dma source(%dma_start3A_178 : memref<1x128xf32, #tpu.memory_space<hbm>>) target(%dma_start3A_176 : memref<1x128xf32, #tpu.memory_space<vmem>>) target_semaphore(%arg16 : memref<!tpu.dma_semaphore, #tpu.memory_space<semaphore_mem>>)
      %slice3A_179 = vector.extract_strided_slice %get3A_83 {offsets = [7], sizes = [1], strides = [1]} : vector<16xi32> to vector<1xi32>
      %squeeze3A_180 = vector.extract %slice3A_179[0] : i32 from vector<1xi32>
      %mul3A_181 = arith.constant 16 : i32
      %mul3A_182 = arith.muli %scan3A_77, %mul3A_181 : i32
      %add3A_183 = arith.constant 7 : i32
      %add3A_184 = arith.addi %mul3A_182, %add3A_183 : i32
      %dma_start3A_185 = arith.constant 0 : i32
      %dma_start3A_186 = tpu.memref_slice %arg13[%add3A_184, %dma_start3A_185] : memref<256x128xf32, #tpu.memory_space<vmem>> -> memref<1x128xf32, #tpu.memory_space<vmem>>
      %dma_start3A_187 = arith.constant 0 : i32
      %dma_start3A_188 = tpu.memref_slice %arg5[%squeeze3A_180, %dma_start3A_187] : memref<507904x128xf32, #tpu.memory_space<hbm>> -> memref<1x128xf32, #tpu.memory_space<hbm>>
      %dma_start3A_189 = arith.constant 0 : i32
      %dma_start3A_190 = tpu.memref_slice %arg13[%add3A_184, %dma_start3A_189] : memref<256x128xf32, #tpu.memory_space<vmem>> -> memref<1x128xf32, #tpu.memory_space<vmem>>
      %dma_start3A_191 = arith.constant 0 : i32
      %dma_start3A_192 = tpu.memref_slice %arg5[%squeeze3A_180, %dma_start3A_191] : memref<507904x128xf32, #tpu.memory_space<hbm>> -> memref<1x128xf32, #tpu.memory_space<hbm>>
      tpu.enqueue_dma source(%dma_start3A_192 : memref<1x128xf32, #tpu.memory_space<hbm>>) target(%dma_start3A_190 : memref<1x128xf32, #tpu.memory_space<vmem>>) target_semaphore(%arg16 : memref<!tpu.dma_semaphore, #tpu.memory_space<semaphore_mem>>)
      %slice3A_193 = vector.extract_strided_slice %get3A_83 {offsets = [8], sizes = [1], strides = [1]} : vector<16xi32> to vector<1xi32>
      %squeeze3A_194 = vector.extract %slice3A_193[0] : i32 from vector<1xi32>
      %mul3A_195 = arith.constant 16 : i32
      %mul3A_196 = arith.muli %scan3A_77, %mul3A_195 : i32
      %add3A_197 = arith.constant 8 : i32
      %add3A_198 = arith.addi %mul3A_196, %add3A_197 : i32
      %dma_start3A_199 = arith.constant 0 : i32
      %dma_start3A_200 = tpu.memref_slice %arg13[%add3A_198, %dma_start3A_199] : memref<256x128xf32, #tpu.memory_space<vmem>> -> memref<1x128xf32, #tpu.memory_space<vmem>>
      %dma_start3A_201 = arith.constant 0 : i32
      %dma_start3A_202 = tpu.memref_slice %arg5[%squeeze3A_194, %dma_start3A_201] : memref<507904x128xf32, #tpu.memory_space<hbm>> -> memref<1x128xf32, #tpu.memory_space<hbm>>
      %dma_start3A_203 = arith.constant 0 : i32
      %dma_start3A_204 = tpu.memref_slice %arg13[%add3A_198, %dma_start3A_203] : memref<256x128xf32, #tpu.memory_space<vmem>> -> memref<1x128xf32, #tpu.memory_space<vmem>>
      %dma_start3A_205 = arith.constant 0 : i32
      %dma_start3A_206 = tpu.memref_slice %arg5[%squeeze3A_194, %dma_start3A_205] : memref<507904x128xf32, #tpu.memory_space<hbm>> -> memref<1x128xf32, #tpu.memory_space<hbm>>
      tpu.enqueue_dma source(%dma_start3A_206 : memref<1x128xf32, #tpu.memory_space<hbm>>) target(%dma_start3A_204 : memref<1x128xf32, #tpu.memory_space<vmem>>) target_semaphore(%arg16 : memref<!tpu.dma_semaphore, #tpu.memory_space<semaphore_mem>>)
      %slice3A_207 = vector.extract_strided_slice %get3A_83 {offsets = [9], sizes = [1], strides = [1]} : vector<16xi32> to vector<1xi32>
      %squeeze3A_208 = vector.extract %slice3A_207[0] : i32 from vector<1xi32>
      %mul3A_209 = arith.constant 16 : i32
      %mul3A_210 = arith.muli %scan3A_77, %mul3A_209 : i32
      %add3A_211 = arith.constant 9 : i32
      %add3A_212 = arith.addi %mul3A_210, %add3A_211 : i32
      %dma_start3A_213 = arith.constant 0 : i32
      %dma_start3A_214 = tpu.memref_slice %arg13[%add3A_212, %dma_start3A_213] : memref<256x128xf32, #tpu.memory_space<vmem>> -> memref<1x128xf32, #tpu.memory_space<vmem>>
      %dma_start3A_215 = arith.constant 0 : i32
      %dma_start3A_216 = tpu.memref_slice %arg5[%squeeze3A_208, %dma_start3A_215] : memref<507904x128xf32, #tpu.memory_space<hbm>> -> memref<1x128xf32, #tpu.memory_space<hbm>>
      %dma_start3A_217 = arith.constant 0 : i32
      %dma_start3A_218 = tpu.memref_slice %arg13[%add3A_212, %dma_start3A_217] : memref<256x128xf32, #tpu.memory_space<vmem>> -> memref<1x128xf32, #tpu.memory_space<vmem>>
      %dma_start3A_219 = arith.constant 0 : i32
      %dma_start3A_220 = tpu.memref_slice %arg5[%squeeze3A_208, %dma_start3A_219] : memref<507904x128xf32, #tpu.memory_space<hbm>> -> memref<1x128xf32, #tpu.memory_space<hbm>>
      tpu.enqueue_dma source(%dma_start3A_220 : memref<1x128xf32, #tpu.memory_space<hbm>>) target(%dma_start3A_218 : memref<1x128xf32, #tpu.memory_space<vmem>>) target_semaphore(%arg16 : memref<!tpu.dma_semaphore, #tpu.memory_space<semaphore_mem>>)
      %slice3A_221 = vector.extract_strided_slice %get3A_83 {offsets = [10], sizes = [1], strides = [1]} : vector<16xi32> to vector<1xi32>
      %squeeze3A_222 = vector.extract %slice3A_221[0] : i32 from vector<1xi32>
      %mul3A_223 = arith.constant 16 : i32
      %mul3A_224 = arith.muli %scan3A_77, %mul3A_223 : i32
      %add3A_225 = arith.constant 10 : i32
      %add3A_226 = arith.addi %mul3A_224, %add3A_225 : i32
      %dma_start3A_227 = arith.constant 0 : i32
      %dma_start3A_228 = tpu.memref_slice %arg13[%add3A_226, %dma_start3A_227] : memref<256x128xf32, #tpu.memory_space<vmem>> -> memref<1x128xf32, #tpu.memory_space<vmem>>
      %dma_start3A_229 = arith.constant 0 : i32
      %dma_start3A_230 = tpu.memref_slice %arg5[%squeeze3A_222, %dma_start3A_229] : memref<507904x128xf32, #tpu.memory_space<hbm>> -> memref<1x128xf32, #tpu.memory_space<hbm>>
      %dma_start3A_231 = arith.constant 0 : i32
      %dma_start3A_232 = tpu.memref_slice %arg13[%add3A_226, %dma_start3A_231] : memref<256x128xf32, #tpu.memory_space<vmem>> -> memref<1x128xf32, #tpu.memory_space<vmem>>
      %dma_start3A_233 = arith.constant 0 : i32
      %dma_start3A_234 = tpu.memref_slice %arg5[%squeeze3A_222, %dma_start3A_233] : memref<507904x128xf32, #tpu.memory_space<hbm>> -> memref<1x128xf32, #tpu.memory_space<hbm>>
      tpu.enqueue_dma source(%dma_start3A_234 : memref<1x128xf32, #tpu.memory_space<hbm>>) target(%dma_start3A_232 : memref<1x128xf32, #tpu.memory_space<vmem>>) target_semaphore(%arg16 : memref<!tpu.dma_semaphore, #tpu.memory_space<semaphore_mem>>)
      %slice3A_235 = vector.extract_strided_slice %get3A_83 {offsets = [11], sizes = [1], strides = [1]} : vector<16xi32> to vector<1xi32>
      %squeeze3A_236 = vector.extract %slice3A_235[0] : i32 from vector<1xi32>
      %mul3A_237 = arith.constant 16 : i32
      %mul3A_238 = arith.muli %scan3A_77, %mul3A_237 : i32
      %add3A_239 = arith.constant 11 : i32
      %add3A_240 = arith.addi %mul3A_238, %add3A_239 : i32
      %dma_start3A_241 = arith.constant 0 : i32
      %dma_start3A_242 = tpu.memref_slice %arg13[%add3A_240, %dma_start3A_241] : memref<256x128xf32, #tpu.memory_space<vmem>> -> memref<1x128xf32, #tpu.memory_space<vmem>>
      %dma_start3A_243 = arith.constant 0 : i32
      %dma_start3A_244 = tpu.memref_slice %arg5[%squeeze3A_236, %dma_start3A_243] : memref<507904x128xf32, #tpu.memory_space<hbm>> -> memref<1x128xf32, #tpu.memory_space<hbm>>
      %dma_start3A_245 = arith.constant 0 : i32
      %dma_start3A_246 = tpu.memref_slice %arg13[%add3A_240, %dma_start3A_245] : memref<256x128xf32, #tpu.memory_space<vmem>> -> memref<1x128xf32, #tpu.memory_space<vmem>>
      %dma_start3A_247 = arith.constant 0 : i32
      %dma_start3A_248 = tpu.memref_slice %arg5[%squeeze3A_236, %dma_start3A_247] : memref<507904x128xf32, #tpu.memory_space<hbm>> -> memref<1x128xf32, #tpu.memory_space<hbm>>
      tpu.enqueue_dma source(%dma_start3A_248 : memref<1x128xf32, #tpu.memory_space<hbm>>) target(%dma_start3A_246 : memref<1x128xf32, #tpu.memory_space<vmem>>) target_semaphore(%arg16 : memref<!tpu.dma_semaphore, #tpu.memory_space<semaphore_mem>>)
      %slice3A_249 = vector.extract_strided_slice %get3A_83 {offsets = [12], sizes = [1], strides = [1]} : vector<16xi32> to vector<1xi32>
      %squeeze3A_250 = vector.extract %slice3A_249[0] : i32 from vector<1xi32>
      %mul3A_251 = arith.constant 16 : i32
      %mul3A_252 = arith.muli %scan3A_77, %mul3A_251 : i32
      %add3A_253 = arith.constant 12 : i32
      %add3A_254 = arith.addi %mul3A_252, %add3A_253 : i32
      %dma_start3A_255 = arith.constant 0 : i32
      %dma_start3A_256 = tpu.memref_slice %arg13[%add3A_254, %dma_start3A_255] : memref<256x128xf32, #tpu.memory_space<vmem>> -> memref<1x128xf32, #tpu.memory_space<vmem>>
      %dma_start3A_257 = arith.constant 0 : i32
      %dma_start3A_258 = tpu.memref_slice %arg5[%squeeze3A_250, %dma_start3A_257] : memref<507904x128xf32, #tpu.memory_space<hbm>> -> memref<1x128xf32, #tpu.memory_space<hbm>>
      %dma_start3A_259 = arith.constant 0 : i32
      %dma_start3A_260 = tpu.memref_slice %arg13[%add3A_254, %dma_start3A_259] : memref<256x128xf32, #tpu.memory_space<vmem>> -> memref<1x128xf32, #tpu.memory_space<vmem>>
      %dma_start3A_261 = arith.constant 0 : i32
      %dma_start3A_262 = tpu.memref_slice %arg5[%squeeze3A_250, %dma_start3A_261] : memref<507904x128xf32, #tpu.memory_space<hbm>> -> memref<1x128xf32, #tpu.memory_space<hbm>>
      tpu.enqueue_dma source(%dma_start3A_262 : memref<1x128xf32, #tpu.memory_space<hbm>>) target(%dma_start3A_260 : memref<1x128xf32, #tpu.memory_space<vmem>>) target_semaphore(%arg16 : memref<!tpu.dma_semaphore, #tpu.memory_space<semaphore_mem>>)
      %slice3A_263 = vector.extract_strided_slice %get3A_83 {offsets = [13], sizes = [1], strides = [1]} : vector<16xi32> to vector<1xi32>
      %squeeze3A_264 = vector.extract %slice3A_263[0] : i32 from vector<1xi32>
      %mul3A_265 = arith.constant 16 : i32
      %mul3A_266 = arith.muli %scan3A_77, %mul3A_265 : i32
      %add3A_267 = arith.constant 13 : i32
      %add3A_268 = arith.addi %mul3A_266, %add3A_267 : i32
      %dma_start3A_269 = arith.constant 0 : i32
      %dma_start3A_270 = tpu.memref_slice %arg13[%add3A_268, %dma_start3A_269] : memref<256x128xf32, #tpu.memory_space<vmem>> -> memref<1x128xf32, #tpu.memory_space<vmem>>
      %dma_start3A_271 = arith.constant 0 : i32
      %dma_start3A_272 = tpu.memref_slice %arg5[%squeeze3A_264, %dma_start3A_271] : memref<507904x128xf32, #tpu.memory_space<hbm>> -> memref<1x128xf32, #tpu.memory_space<hbm>>
      %dma_start3A_273 = arith.constant 0 : i32
      %dma_start3A_274 = tpu.memref_slice %arg13[%add3A_268, %dma_start3A_273] : memref<256x128xf32, #tpu.memory_space<vmem>> -> memref<1x128xf32, #tpu.memory_space<vmem>>
      %dma_start3A_275 = arith.constant 0 : i32
      %dma_start3A_276 = tpu.memref_slice %arg5[%squeeze3A_264, %dma_start3A_275] : memref<507904x128xf32, #tpu.memory_space<hbm>> -> memref<1x128xf32, #tpu.memory_space<hbm>>
      tpu.enqueue_dma source(%dma_start3A_276 : memref<1x128xf32, #tpu.memory_space<hbm>>) target(%dma_start3A_274 : memref<1x128xf32, #tpu.memory_space<vmem>>) target_semaphore(%arg16 : memref<!tpu.dma_semaphore, #tpu.memory_space<semaphore_mem>>)
      %slice3A_277 = vector.extract_strided_slice %get3A_83 {offsets = [14], sizes = [1], strides = [1]} : vector<16xi32> to vector<1xi32>
      %squeeze3A_278 = vector.extract %slice3A_277[0] : i32 from vector<1xi32>
      %mul3A_279 = arith.constant 16 : i32
      %mul3A_280 = arith.muli %scan3A_77, %mul3A_279 : i32
      %add3A_281 = arith.constant 14 : i32
      %add3A_282 = arith.addi %mul3A_280, %add3A_281 : i32
      %dma_start3A_283 = arith.constant 0 : i32
      %dma_start3A_284 = tpu.memref_slice %arg13[%add3A_282, %dma_start3A_283] : memref<256x128xf32, #tpu.memory_space<vmem>> -> memref<1x128xf32, #tpu.memory_space<vmem>>
      %dma_start3A_285 = arith.constant 0 : i32
      %dma_start3A_286 = tpu.memref_slice %arg5[%squeeze3A_278, %dma_start3A_285] : memref<507904x128xf32, #tpu.memory_space<hbm>> -> memref<1x128xf32, #tpu.memory_space<hbm>>
      %dma_start3A_287 = arith.constant 0 : i32
      %dma_start3A_288 = tpu.memref_slice %arg13[%add3A_282, %dma_start3A_287] : memref<256x128xf32, #tpu.memory_space<vmem>> -> memref<1x128xf32, #tpu.memory_space<vmem>>
      %dma_start3A_289 = arith.constant 0 : i32
      %dma_start3A_290 = tpu.memref_slice %arg5[%squeeze3A_278, %dma_start3A_289] : memref<507904x128xf32, #tpu.memory_space<hbm>> -> memref<1x128xf32, #tpu.memory_space<hbm>>
      tpu.enqueue_dma source(%dma_start3A_290 : memref<1x128xf32, #tpu.memory_space<hbm>>) target(%dma_start3A_288 : memref<1x128xf32, #tpu.memory_space<vmem>>) target_semaphore(%arg16 : memref<!tpu.dma_semaphore, #tpu.memory_space<semaphore_mem>>)
      %slice3A_291 = vector.extract_strided_slice %get3A_83 {offsets = [15], sizes = [1], strides = [1]} : vector<16xi32> to vector<1xi32>
      %squeeze3A_292 = vector.extract %slice3A_291[0] : i32 from vector<1xi32>
      %mul3A_293 = arith.constant 16 : i32
      %mul3A_294 = arith.muli %scan3A_77, %mul3A_293 : i32
      %add3A_295 = arith.constant 15 : i32
      %add3A_296 = arith.addi %mul3A_294, %add3A_295 : i32
      %dma_start3A_297 = arith.constant 0 : i32
      %dma_start3A_298 = tpu.memref_slice %arg13[%add3A_296, %dma_start3A_297] : memref<256x128xf32, #tpu.memory_space<vmem>> -> memref<1x128xf32, #tpu.memory_space<vmem>>
      %dma_start3A_299 = arith.constant 0 : i32
      %dma_start3A_300 = tpu.memref_slice %arg5[%squeeze3A_292, %dma_start3A_299] : memref<507904x128xf32, #tpu.memory_space<hbm>> -> memref<1x128xf32, #tpu.memory_space<hbm>>
      %dma_start3A_301 = arith.constant 0 : i32
      %dma_start3A_302 = tpu.memref_slice %arg13[%add3A_296, %dma_start3A_301] : memref<256x128xf32, #tpu.memory_space<vmem>> -> memref<1x128xf32, #tpu.memory_space<vmem>>
      %dma_start3A_303 = arith.constant 0 : i32
      %dma_start3A_304 = tpu.memref_slice %arg5[%squeeze3A_292, %dma_start3A_303] : memref<507904x128xf32, #tpu.memory_space<hbm>> -> memref<1x128xf32, #tpu.memory_space<hbm>>
      tpu.enqueue_dma source(%dma_start3A_304 : memref<1x128xf32, #tpu.memory_space<hbm>>) target(%dma_start3A_302 : memref<1x128xf32, #tpu.memory_space<vmem>>) target_semaphore(%arg16 : memref<!tpu.dma_semaphore, #tpu.memory_space<semaphore_mem>>)
    }
    %scan3A_7 = arith.constant 16 : i32
    %scan3A_8 = arith.constant 0 : i32
    %scan3A_9 = arith.constant 0 : i32
    %scan3A_10 = arith.constant 16 : i32
    %scan3A_11 = arith.addi %scan3A_9, %scan3A_10 : i32
    %scan3A_12 = arith.constant 1 : i32
    scf.for %scan3A_77 = %scan3A_9 to %scan3A_11 step %scan3A_12  : i32 {
      %mul3A_78 = arith.constant 16 : i32
      %mul3A_79 = arith.muli %scan3A_77, %mul3A_78 : i32
      %add3A_80 = arith.constant 0 : i32
      %add3A_81 = arith.addi %add3A_80, %mul3A_79 : i32
      %get3A = arith.index_cast %add3A_81 : i32 to index
      %get3A_82 = tpu.vector_load %arg12[%get3A] {strides = array<i32>} : memref<512xi32, #tpu.memory_space<vmem>>, vector<16xi32>,
      %get3A_83 = vector.shape_cast %get3A_82 : vector<16xi32> to vector<16xi32>
      %slice3A = vector.extract_strided_slice %get3A_83 {offsets = [0], sizes = [1], strides = [1]} : vector<16xi32> to vector<1xi32>
      %squeeze3A = vector.extract %slice3A[0] : i32 from vector<1xi32>
      %mul3A_84 = arith.constant 16 : i32
      %mul3A_85 = arith.muli %scan3A_77, %mul3A_84 : i32
      %add3A_86 = arith.constant 0 : i32
      %add3A_87 = arith.addi %mul3A_85, %add3A_86 : i32
      %dma_start3A = arith.constant 0 : i32
      %dma_start3A_88 = tpu.memref_slice %arg15[%add3A_87, %dma_start3A] : memref<256x128xf32, #tpu.memory_space<vmem>> -> memref<1x128xf32, #tpu.memory_space<vmem>>
      %dma_start3A_89 = arith.constant 0 : i32
      %dma_start3A_90 = tpu.memref_slice %arg5[%squeeze3A, %dma_start3A_89] : memref<507904x128xf32, #tpu.memory_space<hbm>> -> memref<1x128xf32, #tpu.memory_space<hbm>>
      %dma_start3A_91 = arith.constant 0 : i32
      %dma_start3A_92 = tpu.memref_slice %arg15[%add3A_87, %dma_start3A_91] : memref<256x128xf32, #tpu.memory_space<vmem>> -> memref<1x128xf32, #tpu.memory_space<vmem>>
      %dma_start3A_93 = arith.constant 0 : i32
      %dma_start3A_94 = tpu.memref_slice %arg5[%squeeze3A, %dma_start3A_93] : memref<507904x128xf32, #tpu.memory_space<hbm>> -> memref<1x128xf32, #tpu.memory_space<hbm>>
      tpu.enqueue_dma source(%dma_start3A_94 : memref<1x128xf32, #tpu.memory_space<hbm>>) target(%dma_start3A_92 : memref<1x128xf32, #tpu.memory_space<vmem>>) target_semaphore(%arg18 : memref<!tpu.dma_semaphore, #tpu.memory_space<semaphore_mem>>)
      %slice3A_95 = vector.extract_strided_slice %get3A_83 {offsets = [1], sizes = [1], strides = [1]} : vector<16xi32> to vector<1xi32>
      %squeeze3A_96 = vector.extract %slice3A_95[0] : i32 from vector<1xi32>
      %mul3A_97 = arith.constant 16 : i32
      %mul3A_98 = arith.muli %scan3A_77, %mul3A_97 : i32
      %add3A_99 = arith.constant 1 : i32
      %add3A_100 = arith.addi %mul3A_98, %add3A_99 : i32
      %dma_start3A_101 = arith.constant 0 : i32
      %dma_start3A_102 = tpu.memref_slice %arg15[%add3A_100, %dma_start3A_101] : memref<256x128xf32, #tpu.memory_space<vmem>> -> memref<1x128xf32, #tpu.memory_space<vmem>>
      %dma_start3A_103 = arith.constant 0 : i32
      %dma_start3A_104 = tpu.memref_slice %arg5[%squeeze3A_96, %dma_start3A_103] : memref<507904x128xf32, #tpu.memory_space<hbm>> -> memref<1x128xf32, #tpu.memory_space<hbm>>
      %dma_start3A_105 = arith.constant 0 : i32
      %dma_start3A_106 = tpu.memref_slice %arg15[%add3A_100, %dma_start3A_105] : memref<256x128xf32, #tpu.memory_space<vmem>> -> memref<1x128xf32, #tpu.memory_space<vmem>>
      %dma_start3A_107 = arith.constant 0 : i32
      %dma_start3A_108 = tpu.memref_slice %arg5[%squeeze3A_96, %dma_start3A_107] : memref<507904x128xf32, #tpu.memory_space<hbm>> -> memref<1x128xf32, #tpu.memory_space<hbm>>
      tpu.enqueue_dma source(%dma_start3A_108 : memref<1x128xf32, #tpu.memory_space<hbm>>) target(%dma_start3A_106 : memref<1x128xf32, #tpu.memory_space<vmem>>) target_semaphore(%arg18 : memref<!tpu.dma_semaphore, #tpu.memory_space<semaphore_mem>>)
      %slice3A_109 = vector.extract_strided_slice %get3A_83 {offsets = [2], sizes = [1], strides = [1]} : vector<16xi32> to vector<1xi32>
      %squeeze3A_110 = vector.extract %slice3A_109[0] : i32 from vector<1xi32>
      %mul3A_111 = arith.constant 16 : i32
      %mul3A_112 = arith.muli %scan3A_77, %mul3A_111 : i32
      %add3A_113 = arith.constant 2 : i32
      %add3A_114 = arith.addi %mul3A_112, %add3A_113 : i32
      %dma_start3A_115 = arith.constant 0 : i32
      %dma_start3A_116 = tpu.memref_slice %arg15[%add3A_114, %dma_start3A_115] : memref<256x128xf32, #tpu.memory_space<vmem>> -> memref<1x128xf32, #tpu.memory_space<vmem>>
      %dma_start3A_117 = arith.constant 0 : i32
      %dma_start3A_118 = tpu.memref_slice %arg5[%squeeze3A_110, %dma_start3A_117] : memref<507904x128xf32, #tpu.memory_space<hbm>> -> memref<1x128xf32, #tpu.memory_space<hbm>>
      %dma_start3A_119 = arith.constant 0 : i32
      %dma_start3A_120 = tpu.memref_slice %arg15[%add3A_114, %dma_start3A_119] : memref<256x128xf32, #tpu.memory_space<vmem>> -> memref<1x128xf32, #tpu.memory_space<vmem>>
      %dma_start3A_121 = arith.constant 0 : i32
      %dma_start3A_122 = tpu.memref_slice %arg5[%squeeze3A_110, %dma_start3A_121] : memref<507904x128xf32, #tpu.memory_space<hbm>> -> memref<1x128xf32, #tpu.memory_space<hbm>>
      tpu.enqueue_dma source(%dma_start3A_122 : memref<1x128xf32, #tpu.memory_space<hbm>>) target(%dma_start3A_120 : memref<1x128xf32, #tpu.memory_space<vmem>>) target_semaphore(%arg18 : memref<!tpu.dma_semaphore, #tpu.memory_space<semaphore_mem>>)
      %slice3A_123 = vector.extract_strided_slice %get3A_83 {offsets = [3], sizes = [1], strides = [1]} : vector<16xi32> to vector<1xi32>
      %squeeze3A_124 = vector.extract %slice3A_123[0] : i32 from vector<1xi32>
      %mul3A_125 = arith.constant 16 : i32
      %mul3A_126 = arith.muli %scan3A_77, %mul3A_125 : i32
      %add3A_127 = arith.constant 3 : i32
      %add3A_128 = arith.addi %mul3A_126, %add3A_127 : i32
      %dma_start3A_129 = arith.constant 0 : i32
      %dma_start3A_130 = tpu.memref_slice %arg15[%add3A_128, %dma_start3A_129] : memref<256x128xf32, #tpu.memory_space<vmem>> -> memref<1x128xf32, #tpu.memory_space<vmem>>
      %dma_start3A_131 = arith.constant 0 : i32
      %dma_start3A_132 = tpu.memref_slice %arg5[%squeeze3A_124, %dma_start3A_131] : memref<507904x128xf32, #tpu.memory_space<hbm>> -> memref<1x128xf32, #tpu.memory_space<hbm>>
      %dma_start3A_133 = arith.constant 0 : i32
      %dma_start3A_134 = tpu.memref_slice %arg15[%add3A_128, %dma_start3A_133] : memref<256x128xf32, #tpu.memory_space<vmem>> -> memref<1x128xf32, #tpu.memory_space<vmem>>
      %dma_start3A_135 = arith.constant 0 : i32
      %dma_start3A_136 = tpu.memref_slice %arg5[%squeeze3A_124, %dma_start3A_135] : memref<507904x128xf32, #tpu.memory_space<hbm>> -> memref<1x128xf32, #tpu.memory_space<hbm>>
      tpu.enqueue_dma source(%dma_start3A_136 : memref<1x128xf32, #tpu.memory_space<hbm>>) target(%dma_start3A_134 : memref<1x128xf32, #tpu.memory_space<vmem>>) target_semaphore(%arg18 : memref<!tpu.dma_semaphore, #tpu.memory_space<semaphore_mem>>)
      %slice3A_137 = vector.extract_strided_slice %get3A_83 {offsets = [4], sizes = [1], strides = [1]} : vector<16xi32> to vector<1xi32>
      %squeeze3A_138 = vector.extract %slice3A_137[0] : i32 from vector<1xi32>
      %mul3A_139 = arith.constant 16 : i32
      %mul3A_140 = arith.muli %scan3A_77, %mul3A_139 : i32
      %add3A_141 = arith.constant 4 : i32
      %add3A_142 = arith.addi %mul3A_140, %add3A_141 : i32
      %dma_start3A_143 = arith.constant 0 : i32
      %dma_start3A_144 = tpu.memref_slice %arg15[%add3A_142, %dma_start3A_143] : memref<256x128xf32, #tpu.memory_space<vmem>> -> memref<1x128xf32, #tpu.memory_space<vmem>>
      %dma_start3A_145 = arith.constant 0 : i32
      %dma_start3A_146 = tpu.memref_slice %arg5[%squeeze3A_138, %dma_start3A_145] : memref<507904x128xf32, #tpu.memory_space<hbm>> -> memref<1x128xf32, #tpu.memory_space<hbm>>
      %dma_start3A_147 = arith.constant 0 : i32
      %dma_start3A_148 = tpu.memref_slice %arg15[%add3A_142, %dma_start3A_147] : memref<256x128xf32, #tpu.memory_space<vmem>> -> memref<1x128xf32, #tpu.memory_space<vmem>>
      %dma_start3A_149 = arith.constant 0 : i32
      %dma_start3A_150 = tpu.memref_slice %arg5[%squeeze3A_138, %dma_start3A_149] : memref<507904x128xf32, #tpu.memory_space<hbm>> -> memref<1x128xf32, #tpu.memory_space<hbm>>
      tpu.enqueue_dma source(%dma_start3A_150 : memref<1x128xf32, #tpu.memory_space<hbm>>) target(%dma_start3A_148 : memref<1x128xf32, #tpu.memory_space<vmem>>) target_semaphore(%arg18 : memref<!tpu.dma_semaphore, #tpu.memory_space<semaphore_mem>>)
      %slice3A_151 = vector.extract_strided_slice %get3A_83 {offsets = [5], sizes = [1], strides = [1]} : vector<16xi32> to vector<1xi32>
      %squeeze3A_152 = vector.extract %slice3A_151[0] : i32 from vector<1xi32>
      %mul3A_153 = arith.constant 16 : i32
      %mul3A_154 = arith.muli %scan3A_77, %mul3A_153 : i32
      %add3A_155 = arith.constant 5 : i32
      %add3A_156 = arith.addi %mul3A_154, %add3A_155 : i32
      %dma_start3A_157 = arith.constant 0 : i32
      %dma_start3A_158 = tpu.memref_slice %arg15[%add3A_156, %dma_start3A_157] : memref<256x128xf32, #tpu.memory_space<vmem>> -> memref<1x128xf32, #tpu.memory_space<vmem>>
      %dma_start3A_159 = arith.constant 0 : i32
      %dma_start3A_160 = tpu.memref_slice %arg5[%squeeze3A_152, %dma_start3A_159] : memref<507904x128xf32, #tpu.memory_space<hbm>> -> memref<1x128xf32, #tpu.memory_space<hbm>>
      %dma_start3A_161 = arith.constant 0 : i32
      %dma_start3A_162 = tpu.memref_slice %arg15[%add3A_156, %dma_start3A_161] : memref<256x128xf32, #tpu.memory_space<vmem>> -> memref<1x128xf32, #tpu.memory_space<vmem>>
      %dma_start3A_163 = arith.constant 0 : i32
      %dma_start3A_164 = tpu.memref_slice %arg5[%squeeze3A_152, %dma_start3A_163] : memref<507904x128xf32, #tpu.memory_space<hbm>> -> memref<1x128xf32, #tpu.memory_space<hbm>>
      tpu.enqueue_dma source(%dma_start3A_164 : memref<1x128xf32, #tpu.memory_space<hbm>>) target(%dma_start3A_162 : memref<1x128xf32, #tpu.memory_space<vmem>>) target_semaphore(%arg18 : memref<!tpu.dma_semaphore, #tpu.memory_space<semaphore_mem>>)
      %slice3A_165 = vector.extract_strided_slice %get3A_83 {offsets = [6], sizes = [1], strides = [1]} : vector<16xi32> to vector<1xi32>
      %squeeze3A_166 = vector.extract %slice3A_165[0] : i32 from vector<1xi32>
      %mul3A_167 = arith.constant 16 : i32
      %mul3A_168 = arith.muli %scan3A_77, %mul3A_167 : i32
      %add3A_169 = arith.constant 6 : i32
      %add3A_170 = arith.addi %mul3A_168, %add3A_169 : i32
      %dma_start3A_171 = arith.constant 0 : i32
      %dma_start3A_172 = tpu.memref_slice %arg15[%add3A_170, %dma_start3A_171] : memref<256x128xf32, #tpu.memory_space<vmem>> -> memref<1x128xf32, #tpu.memory_space<vmem>>
      %dma_start3A_173 = arith.constant 0 : i32
      %dma_start3A_174 = tpu.memref_slice %arg5[%squeeze3A_166, %dma_start3A_173] : memref<507904x128xf32, #tpu.memory_space<hbm>> -> memref<1x128xf32, #tpu.memory_space<hbm>>
      %dma_start3A_175 = arith.constant 0 : i32
      %dma_start3A_176 = tpu.memref_slice %arg15[%add3A_170, %dma_start3A_175] : memref<256x128xf32, #tpu.memory_space<vmem>> -> memref<1x128xf32, #tpu.memory_space<vmem>>
      %dma_start3A_177 = arith.constant 0 : i32
      %dma_start3A_178 = tpu.memref_slice %arg5[%squeeze3A_166, %dma_start3A_177] : memref<507904x128xf32, #tpu.memory_space<hbm>> -> memref<1x128xf32, #tpu.memory_space<hbm>>
      tpu.enqueue_dma source(%dma_start3A_178 : memref<1x128xf32, #tpu.memory_space<hbm>>) target(%dma_start3A_176 : memref<1x128xf32, #tpu.memory_space<vmem>>) target_semaphore(%arg18 : memref<!tpu.dma_semaphore, #tpu.memory_space<semaphore_mem>>)
      %slice3A_179 = vector.extract_strided_slice %get3A_83 {offsets = [7], sizes = [1], strides = [1]} : vector<16xi32> to vector<1xi32>
      %squeeze3A_180 = vector.extract %slice3A_179[0] : i32 from vector<1xi32>
      %mul3A_181 = arith.constant 16 : i32
      %mul3A_182 = arith.muli %scan3A_77, %mul3A_181 : i32
      %add3A_183 = arith.constant 7 : i32
      %add3A_184 = arith.addi %mul3A_182, %add3A_183 : i32
      %dma_start3A_185 = arith.constant 0 : i32
      %dma_start3A_186 = tpu.memref_slice %arg15[%add3A_184, %dma_start3A_185] : memref<256x128xf32, #tpu.memory_space<vmem>> -> memref<1x128xf32, #tpu.memory_space<vmem>>
      %dma_start3A_187 = arith.constant 0 : i32
      %dma_start3A_188 = tpu.memref_slice %arg5[%squeeze3A_180, %dma_start3A_187] : memref<507904x128xf32, #tpu.memory_space<hbm>> -> memref<1x128xf32, #tpu.memory_space<hbm>>
      %dma_start3A_189 = arith.constant 0 : i32
      %dma_start3A_190 = tpu.memref_slice %arg15[%add3A_184, %dma_start3A_189] : memref<256x128xf32, #tpu.memory_space<vmem>> -> memref<1x128xf32, #tpu.memory_space<vmem>>
      %dma_start3A_191 = arith.constant 0 : i32
      %dma_start3A_192 = tpu.memref_slice %arg5[%squeeze3A_180, %dma_start3A_191] : memref<507904x128xf32, #tpu.memory_space<hbm>> -> memref<1x128xf32, #tpu.memory_space<hbm>>
      tpu.enqueue_dma source(%dma_start3A_192 : memref<1x128xf32, #tpu.memory_space<hbm>>) target(%dma_start3A_190 : memref<1x128xf32, #tpu.memory_space<vmem>>) target_semaphore(%arg18 : memref<!tpu.dma_semaphore, #tpu.memory_space<semaphore_mem>>)
      %slice3A_193 = vector.extract_strided_slice %get3A_83 {offsets = [8], sizes = [1], strides = [1]} : vector<16xi32> to vector<1xi32>
      %squeeze3A_194 = vector.extract %slice3A_193[0] : i32 from vector<1xi32>
      %mul3A_195 = arith.constant 16 : i32
      %mul3A_196 = arith.muli %scan3A_77, %mul3A_195 : i32
      %add3A_197 = arith.constant 8 : i32
      %add3A_198 = arith.addi %mul3A_196, %add3A_197 : i32
      %dma_start3A_199 = arith.constant 0 : i32
      %dma_start3A_200 = tpu.memref_slice %arg15[%add3A_198, %dma_start3A_199] : memref<256x128xf32, #tpu.memory_space<vmem>> -> memref<1x128xf32, #tpu.memory_space<vmem>>
      %dma_start3A_201 = arith.constant 0 : i32
      %dma_start3A_202 = tpu.memref_slice %arg5[%squeeze3A_194, %dma_start3A_201] : memref<507904x128xf32, #tpu.memory_space<hbm>> -> memref<1x128xf32, #tpu.memory_space<hbm>>
      %dma_start3A_203 = arith.constant 0 : i32
      %dma_start3A_204 = tpu.memref_slice %arg15[%add3A_198, %dma_start3A_203] : memref<256x128xf32, #tpu.memory_space<vmem>> -> memref<1x128xf32, #tpu.memory_space<vmem>>
      %dma_start3A_205 = arith.constant 0 : i32
      %dma_start3A_206 = tpu.memref_slice %arg5[%squeeze3A_194, %dma_start3A_205] : memref<507904x128xf32, #tpu.memory_space<hbm>> -> memref<1x128xf32, #tpu.memory_space<hbm>>
      tpu.enqueue_dma source(%dma_start3A_206 : memref<1x128xf32, #tpu.memory_space<hbm>>) target(%dma_start3A_204 : memref<1x128xf32, #tpu.memory_space<vmem>>) target_semaphore(%arg18 : memref<!tpu.dma_semaphore, #tpu.memory_space<semaphore_mem>>)
      %slice3A_207 = vector.extract_strided_slice %get3A_83 {offsets = [9], sizes = [1], strides = [1]} : vector<16xi32> to vector<1xi32>
      %squeeze3A_208 = vector.extract %slice3A_207[0] : i32 from vector<1xi32>
      %mul3A_209 = arith.constant 16 : i32
      %mul3A_210 = arith.muli %scan3A_77, %mul3A_209 : i32
      %add3A_211 = arith.constant 9 : i32
      %add3A_212 = arith.addi %mul3A_210, %add3A_211 : i32
      %dma_start3A_213 = arith.constant 0 : i32
      %dma_start3A_214 = tpu.memref_slice %arg15[%add3A_212, %dma_start3A_213] : memref<256x128xf32, #tpu.memory_space<vmem>> -> memref<1x128xf32, #tpu.memory_space<vmem>>
      %dma_start3A_215 = arith.constant 0 : i32
      %dma_start3A_216 = tpu.memref_slice %arg5[%squeeze3A_208, %dma_start3A_215] : memref<507904x128xf32, #tpu.memory_space<hbm>> -> memref<1x128xf32, #tpu.memory_space<hbm>>
      %dma_start3A_217 = arith.constant 0 : i32
      %dma_start3A_218 = tpu.memref_slice %arg15[%add3A_212, %dma_start3A_217] : memref<256x128xf32, #tpu.memory_space<vmem>> -> memref<1x128xf32, #tpu.memory_space<vmem>>
      %dma_start3A_219 = arith.constant 0 : i32
      %dma_start3A_220 = tpu.memref_slice %arg5[%squeeze3A_208, %dma_start3A_219] : memref<507904x128xf32, #tpu.memory_space<hbm>> -> memref<1x128xf32, #tpu.memory_space<hbm>>
      tpu.enqueue_dma source(%dma_start3A_220 : memref<1x128xf32, #tpu.memory_space<hbm>>) target(%dma_start3A_218 : memref<1x128xf32, #tpu.memory_space<vmem>>) target_semaphore(%arg18 : memref<!tpu.dma_semaphore, #tpu.memory_space<semaphore_mem>>)
      %slice3A_221 = vector.extract_strided_slice %get3A_83 {offsets = [10], sizes = [1], strides = [1]} : vector<16xi32> to vector<1xi32>
      %squeeze3A_222 = vector.extract %slice3A_221[0] : i32 from vector<1xi32>
      %mul3A_223 = arith.constant 16 : i32
      %mul3A_224 = arith.muli %scan3A_77, %mul3A_223 : i32
      %add3A_225 = arith.constant 10 : i32
      %add3A_226 = arith.addi %mul3A_224, %add3A_225 : i32
      %dma_start3A_227 = arith.constant 0 : i32
      %dma_start3A_228 = tpu.memref_slice %arg15[%add3A_226, %dma_start3A_227] : memref<256x128xf32, #tpu.memory_space<vmem>> -> memref<1x128xf32, #tpu.memory_space<vmem>>
      %dma_start3A_229 = arith.constant 0 : i32
      %dma_start3A_230 = tpu.memref_slice %arg5[%squeeze3A_222, %dma_start3A_229] : memref<507904x128xf32, #tpu.memory_space<hbm>> -> memref<1x128xf32, #tpu.memory_space<hbm>>
      %dma_start3A_231 = arith.constant 0 : i32
      %dma_start3A_232 = tpu.memref_slice %arg15[%add3A_226, %dma_start3A_231] : memref<256x128xf32, #tpu.memory_space<vmem>> -> memref<1x128xf32, #tpu.memory_space<vmem>>
      %dma_start3A_233 = arith.constant 0 : i32
      %dma_start3A_234 = tpu.memref_slice %arg5[%squeeze3A_222, %dma_start3A_233] : memref<507904x128xf32, #tpu.memory_space<hbm>> -> memref<1x128xf32, #tpu.memory_space<hbm>>
      tpu.enqueue_dma source(%dma_start3A_234 : memref<1x128xf32, #tpu.memory_space<hbm>>) target(%dma_start3A_232 : memref<1x128xf32, #tpu.memory_space<vmem>>) target_semaphore(%arg18 : memref<!tpu.dma_semaphore, #tpu.memory_space<semaphore_mem>>)
      %slice3A_235 = vector.extract_strided_slice %get3A_83 {offsets = [11], sizes = [1], strides = [1]} : vector<16xi32> to vector<1xi32>
      %squeeze3A_236 = vector.extract %slice3A_235[0] : i32 from vector<1xi32>
      %mul3A_237 = arith.constant 16 : i32
      %mul3A_238 = arith.muli %scan3A_77, %mul3A_237 : i32
      %add3A_239 = arith.constant 11 : i32
      %add3A_240 = arith.addi %mul3A_238, %add3A_239 : i32
      %dma_start3A_241 = arith.constant 0 : i32
      %dma_start3A_242 = tpu.memref_slice %arg15[%add3A_240, %dma_start3A_241] : memref<256x128xf32, #tpu.memory_space<vmem>> -> memref<1x128xf32, #tpu.memory_space<vmem>>
      %dma_start3A_243 = arith.constant 0 : i32
      %dma_start3A_244 = tpu.memref_slice %arg5[%squeeze3A_236, %dma_start3A_243] : memref<507904x128xf32, #tpu.memory_space<hbm>> -> memref<1x128xf32, #tpu.memory_space<hbm>>
      %dma_start3A_245 = arith.constant 0 : i32
      %dma_start3A_246 = tpu.memref_slice %arg15[%add3A_240, %dma_start3A_245] : memref<256x128xf32, #tpu.memory_space<vmem>> -> memref<1x128xf32, #tpu.memory_space<vmem>>
      %dma_start3A_247 = arith.constant 0 : i32
      %dma_start3A_248 = tpu.memref_slice %arg5[%squeeze3A_236, %dma_start3A_247] : memref<507904x128xf32, #tpu.memory_space<hbm>> -> memref<1x128xf32, #tpu.memory_space<hbm>>
      tpu.enqueue_dma source(%dma_start3A_248 : memref<1x128xf32, #tpu.memory_space<hbm>>) target(%dma_start3A_246 : memref<1x128xf32, #tpu.memory_space<vmem>>) target_semaphore(%arg18 : memref<!tpu.dma_semaphore, #tpu.memory_space<semaphore_mem>>)
      %slice3A_249 = vector.extract_strided_slice %get3A_83 {offsets = [12], sizes = [1], strides = [1]} : vector<16xi32> to vector<1xi32>
      %squeeze3A_250 = vector.extract %slice3A_249[0] : i32 from vector<1xi32>
      %mul3A_251 = arith.constant 16 : i32
      %mul3A_252 = arith.muli %scan3A_77, %mul3A_251 : i32
      %add3A_253 = arith.constant 12 : i32
      %add3A_254 = arith.addi %mul3A_252, %add3A_253 : i32
      %dma_start3A_255 = arith.constant 0 : i32
      %dma_start3A_256 = tpu.memref_slice %arg15[%add3A_254, %dma_start3A_255] : memref<256x128xf32, #tpu.memory_space<vmem>> -> memref<1x128xf32, #tpu.memory_space<vmem>>
      %dma_start3A_257 = arith.constant 0 : i32
      %dma_start3A_258 = tpu.memref_slice %arg5[%squeeze3A_250, %dma_start3A_257] : memref<507904x128xf32, #tpu.memory_space<hbm>> -> memref<1x128xf32, #tpu.memory_space<hbm>>
      %dma_start3A_259 = arith.constant 0 : i32
      %dma_start3A_260 = tpu.memref_slice %arg15[%add3A_254, %dma_start3A_259] : memref<256x128xf32, #tpu.memory_space<vmem>> -> memref<1x128xf32, #tpu.memory_space<vmem>>
      %dma_start3A_261 = arith.constant 0 : i32
      %dma_start3A_262 = tpu.memref_slice %arg5[%squeeze3A_250, %dma_start3A_261] : memref<507904x128xf32, #tpu.memory_space<hbm>> -> memref<1x128xf32, #tpu.memory_space<hbm>>
      tpu.enqueue_dma source(%dma_start3A_262 : memref<1x128xf32, #tpu.memory_space<hbm>>) target(%dma_start3A_260 : memref<1x128xf32, #tpu.memory_space<vmem>>) target_semaphore(%arg18 : memref<!tpu.dma_semaphore, #tpu.memory_space<semaphore_mem>>)
      %slice3A_263 = vector.extract_strided_slice %get3A_83 {offsets = [13], sizes = [1], strides = [1]} : vector<16xi32> to vector<1xi32>
      %squeeze3A_264 = vector.extract %slice3A_263[0] : i32 from vector<1xi32>
      %mul3A_265 = arith.constant 16 : i32
      %mul3A_266 = arith.muli %scan3A_77, %mul3A_265 : i32
      %add3A_267 = arith.constant 13 : i32
      %add3A_268 = arith.addi %mul3A_266, %add3A_267 : i32
      %dma_start3A_269 = arith.constant 0 : i32
      %dma_start3A_270 = tpu.memref_slice %arg15[%add3A_268, %dma_start3A_269] : memref<256x128xf32, #tpu.memory_space<vmem>> -> memref<1x128xf32, #tpu.memory_space<vmem>>
      %dma_start3A_271 = arith.constant 0 : i32
      %dma_start3A_272 = tpu.memref_slice %arg5[%squeeze3A_264, %dma_start3A_271] : memref<507904x128xf32, #tpu.memory_space<hbm>> -> memref<1x128xf32, #tpu.memory_space<hbm>>
      %dma_start3A_273 = arith.constant 0 : i32
      %dma_start3A_274 = tpu.memref_slice %arg15[%add3A_268, %dma_start3A_273] : memref<256x128xf32, #tpu.memory_space<vmem>> -> memref<1x128xf32, #tpu.memory_space<vmem>>
      %dma_start3A_275 = arith.constant 0 : i32
      %dma_start3A_276 = tpu.memref_slice %arg5[%squeeze3A_264, %dma_start3A_275] : memref<507904x128xf32, #tpu.memory_space<hbm>> -> memref<1x128xf32, #tpu.memory_space<hbm>>
      tpu.enqueue_dma source(%dma_start3A_276 : memref<1x128xf32, #tpu.memory_space<hbm>>) target(%dma_start3A_274 : memref<1x128xf32, #tpu.memory_space<vmem>>) target_semaphore(%arg18 : memref<!tpu.dma_semaphore, #tpu.memory_space<semaphore_mem>>)
      %slice3A_277 = vector.extract_strided_slice %get3A_83 {offsets = [14], sizes = [1], strides = [1]} : vector<16xi32> to vector<1xi32>
      %squeeze3A_278 = vector.extract %slice3A_277[0] : i32 from vector<1xi32>
      %mul3A_279 = arith.constant 16 : i32
      %mul3A_280 = arith.muli %scan3A_77, %mul3A_279 : i32
      %add3A_281 = arith.constant 14 : i32
      %add3A_282 = arith.addi %mul3A_280, %add3A_281 : i32
      %dma_start3A_283 = arith.constant 0 : i32
      %dma_start3A_284 = tpu.memref_slice %arg15[%add3A_282, %dma_start3A_283] : memref<256x128xf32, #tpu.memory_space<vmem>> -> memref<1x128xf32, #tpu.memory_space<vmem>>
      %dma_start3A_285 = arith.constant 0 : i32
      %dma_start3A_286 = tpu.memref_slice %arg5[%squeeze3A_278, %dma_start3A_285] : memref<507904x128xf32, #tpu.memory_space<hbm>> -> memref<1x128xf32, #tpu.memory_space<hbm>>
      %dma_start3A_287 = arith.constant 0 : i32
      %dma_start3A_288 = tpu.memref_slice %arg15[%add3A_282, %dma_start3A_287] : memref<256x128xf32, #tpu.memory_space<vmem>> -> memref<1x128xf32, #tpu.memory_space<vmem>>
      %dma_start3A_289 = arith.constant 0 : i32
      %dma_start3A_290 = tpu.memref_slice %arg5[%squeeze3A_278, %dma_start3A_289] : memref<507904x128xf32, #tpu.memory_space<hbm>> -> memref<1x128xf32, #tpu.memory_space<hbm>>
      tpu.enqueue_dma source(%dma_start3A_290 : memref<1x128xf32, #tpu.memory_space<hbm>>) target(%dma_start3A_288 : memref<1x128xf32, #tpu.memory_space<vmem>>) target_semaphore(%arg18 : memref<!tpu.dma_semaphore, #tpu.memory_space<semaphore_mem>>)
      %slice3A_291 = vector.extract_strided_slice %get3A_83 {offsets = [15], sizes = [1], strides = [1]} : vector<16xi32> to vector<1xi32>
      %squeeze3A_292 = vector.extract %slice3A_291[0] : i32 from vector<1xi32>
      %mul3A_293 = arith.constant 16 : i32
      %mul3A_294 = arith.muli %scan3A_77, %mul3A_293 : i32
      %add3A_295 = arith.constant 15 : i32
      %add3A_296 = arith.addi %mul3A_294, %add3A_295 : i32
      %dma_start3A_297 = arith.constant 0 : i32
      %dma_start3A_298 = tpu.memref_slice %arg15[%add3A_296, %dma_start3A_297] : memref<256x128xf32, #tpu.memory_space<vmem>> -> memref<1x128xf32, #tpu.memory_space<vmem>>
      %dma_start3A_299 = arith.constant 0 : i32
      %dma_start3A_300 = tpu.memref_slice %arg5[%squeeze3A_292, %dma_start3A_299] : memref<507904x128xf32, #tpu.memory_space<hbm>> -> memref<1x128xf32, #tpu.memory_space<hbm>>
      %dma_start3A_301 = arith.constant 0 : i32
      %dma_start3A_302 = tpu.memref_slice %arg15[%add3A_296, %dma_start3A_301] : memref<256x128xf32, #tpu.memory_space<vmem>> -> memref<1x128xf32, #tpu.memory_space<vmem>>
      %dma_start3A_303 = arith.constant 0 : i32
      %dma_start3A_304 = tpu.memref_slice %arg5[%squeeze3A_292, %dma_start3A_303] : memref<507904x128xf32, #tpu.memory_space<hbm>> -> memref<1x128xf32, #tpu.memory_space<hbm>>
      tpu.enqueue_dma source(%dma_start3A_304 : memref<1x128xf32, #tpu.memory_space<hbm>>) target(%dma_start3A_302 : memref<1x128xf32, #tpu.memory_space<vmem>>) target_semaphore(%arg18 : memref<!tpu.dma_semaphore, #tpu.memory_space<semaphore_mem>>)
    }
    %scan3A_13 = arith.constant 16 : i32
    %scan3A_14 = arith.constant 0 : i32
    %scan3A_15 = arith.constant 0 : i32
    %scan3A_16 = arith.constant 16 : i32
    %scan3A_17 = arith.addi %scan3A_15, %scan3A_16 : i32
    %scan3A_18 = arith.constant 1 : i32
    scf.for %scan3A_77 = %scan3A_15 to %scan3A_17 step %scan3A_18  : i32 {
      %mul3A_78 = arith.constant 16 : i32
      %mul3A_79 = arith.muli %scan3A_77, %mul3A_78 : i32
      %add3A_80 = arith.constant 0 : i32
      %add3A_81 = arith.addi %add3A_80, %mul3A_79 : i32
      %get3A = arith.index_cast %add3A_81 : i32 to index
      %get3A_82 = tpu.vector_load %arg11[%get3A] {strides = array<i32>} : memref<512xi32, #tpu.memory_space<vmem>>, vector<16xi32>,
      %get3A_83 = vector.shape_cast %get3A_82 : vector<16xi32> to vector<16xi32>
      %slice3A = vector.extract_strided_slice %get3A_83 {offsets = [0], sizes = [1], strides = [1]} : vector<16xi32> to vector<1xi32>
      %squeeze3A = vector.extract %slice3A[0] : i32 from vector<1xi32>
      %mul3A_84 = arith.constant 16 : i32
      %mul3A_85 = arith.muli %scan3A_77, %mul3A_84 : i32
      %add3A_86 = arith.constant 0 : i32
      %add3A_87 = arith.addi %mul3A_85, %add3A_86 : i32
      %dma_start3A = arith.constant 0 : i32
      %dma_start3A_88 = tpu.memref_slice %arg14[%add3A_87, %dma_start3A] : memref<256x64xf32, #tpu.memory_space<vmem>> -> memref<1x64xf32, #tpu.memory_space<vmem>>
      %dma_start3A_89 = arith.constant 0 : i32
      %dma_start3A_90 = tpu.memref_slice %arg6[%squeeze3A, %dma_start3A_89] : memref<1000x64xf32, #tpu.memory_space<hbm>> -> memref<1x64xf32, #tpu.memory_space<hbm>>
      %dma_start3A_91 = arith.constant 0 : i32
      %dma_start3A_92 = tpu.memref_slice %arg14[%add3A_87, %dma_start3A_91] : memref<256x64xf32, #tpu.memory_space<vmem>> -> memref<1x64xf32, #tpu.memory_space<vmem>>
      %dma_start3A_93 = arith.constant 0 : i32
      %dma_start3A_94 = tpu.memref_slice %arg6[%squeeze3A, %dma_start3A_93] : memref<1000x64xf32, #tpu.memory_space<hbm>> -> memref<1x64xf32, #tpu.memory_space<hbm>>
      tpu.enqueue_dma source(%dma_start3A_94 : memref<1x64xf32, #tpu.memory_space<hbm>>) target(%dma_start3A_92 : memref<1x64xf32, #tpu.memory_space<vmem>>) target_semaphore(%arg17 : memref<!tpu.dma_semaphore, #tpu.memory_space<semaphore_mem>>)
      %slice3A_95 = vector.extract_strided_slice %get3A_83 {offsets = [1], sizes = [1], strides = [1]} : vector<16xi32> to vector<1xi32>
      %squeeze3A_96 = vector.extract %slice3A_95[0] : i32 from vector<1xi32>
      %mul3A_97 = arith.constant 16 : i32
      %mul3A_98 = arith.muli %scan3A_77, %mul3A_97 : i32
      %add3A_99 = arith.constant 1 : i32
      %add3A_100 = arith.addi %mul3A_98, %add3A_99 : i32
      %dma_start3A_101 = arith.constant 0 : i32
      %dma_start3A_102 = tpu.memref_slice %arg14[%add3A_100, %dma_start3A_101] : memref<256x64xf32, #tpu.memory_space<vmem>> -> memref<1x64xf32, #tpu.memory_space<vmem>>
      %dma_start3A_103 = arith.constant 0 : i32
      %dma_start3A_104 = tpu.memref_slice %arg6[%squeeze3A_96, %dma_start3A_103] : memref<1000x64xf32, #tpu.memory_space<hbm>> -> memref<1x64xf32, #tpu.memory_space<hbm>>
      %dma_start3A_105 = arith.constant 0 : i32
      %dma_start3A_106 = tpu.memref_slice %arg14[%add3A_100, %dma_start3A_105] : memref<256x64xf32, #tpu.memory_space<vmem>> -> memref<1x64xf32, #tpu.memory_space<vmem>>
      %dma_start3A_107 = arith.constant 0 : i32
      %dma_start3A_108 = tpu.memref_slice %arg6[%squeeze3A_96, %dma_start3A_107] : memref<1000x64xf32, #tpu.memory_space<hbm>> -> memref<1x64xf32, #tpu.memory_space<hbm>>
      tpu.enqueue_dma source(%dma_start3A_108 : memref<1x64xf32, #tpu.memory_space<hbm>>) target(%dma_start3A_106 : memref<1x64xf32, #tpu.memory_space<vmem>>) target_semaphore(%arg17 : memref<!tpu.dma_semaphore, #tpu.memory_space<semaphore_mem>>)
      %slice3A_109 = vector.extract_strided_slice %get3A_83 {offsets = [2], sizes = [1], strides = [1]} : vector<16xi32> to vector<1xi32>
      %squeeze3A_110 = vector.extract %slice3A_109[0] : i32 from vector<1xi32>
      %mul3A_111 = arith.constant 16 : i32
      %mul3A_112 = arith.muli %scan3A_77, %mul3A_111 : i32
      %add3A_113 = arith.constant 2 : i32
      %add3A_114 = arith.addi %mul3A_112, %add3A_113 : i32
      %dma_start3A_115 = arith.constant 0 : i32
      %dma_start3A_116 = tpu.memref_slice %arg14[%add3A_114, %dma_start3A_115] : memref<256x64xf32, #tpu.memory_space<vmem>> -> memref<1x64xf32, #tpu.memory_space<vmem>>
      %dma_start3A_117 = arith.constant 0 : i32
      %dma_start3A_118 = tpu.memref_slice %arg6[%squeeze3A_110, %dma_start3A_117] : memref<1000x64xf32, #tpu.memory_space<hbm>> -> memref<1x64xf32, #tpu.memory_space<hbm>>
      %dma_start3A_119 = arith.constant 0 : i32
      %dma_start3A_120 = tpu.memref_slice %arg14[%add3A_114, %dma_start3A_119] : memref<256x64xf32, #tpu.memory_space<vmem>> -> memref<1x64xf32, #tpu.memory_space<vmem>>
      %dma_start3A_121 = arith.constant 0 : i32
      %dma_start3A_122 = tpu.memref_slice %arg6[%squeeze3A_110, %dma_start3A_121] : memref<1000x64xf32, #tpu.memory_space<hbm>> -> memref<1x64xf32, #tpu.memory_space<hbm>>
      tpu.enqueue_dma source(%dma_start3A_122 : memref<1x64xf32, #tpu.memory_space<hbm>>) target(%dma_start3A_120 : memref<1x64xf32, #tpu.memory_space<vmem>>) target_semaphore(%arg17 : memref<!tpu.dma_semaphore, #tpu.memory_space<semaphore_mem>>)
      %slice3A_123 = vector.extract_strided_slice %get3A_83 {offsets = [3], sizes = [1], strides = [1]} : vector<16xi32> to vector<1xi32>
      %squeeze3A_124 = vector.extract %slice3A_123[0] : i32 from vector<1xi32>
      %mul3A_125 = arith.constant 16 : i32
      %mul3A_126 = arith.muli %scan3A_77, %mul3A_125 : i32
      %add3A_127 = arith.constant 3 : i32
      %add3A_128 = arith.addi %mul3A_126, %add3A_127 : i32
      %dma_start3A_129 = arith.constant 0 : i32
      %dma_start3A_130 = tpu.memref_slice %arg14[%add3A_128, %dma_start3A_129] : memref<256x64xf32, #tpu.memory_space<vmem>> -> memref<1x64xf32, #tpu.memory_space<vmem>>
      %dma_start3A_131 = arith.constant 0 : i32
      %dma_start3A_132 = tpu.memref_slice %arg6[%squeeze3A_124, %dma_start3A_131] : memref<1000x64xf32, #tpu.memory_space<hbm>> -> memref<1x64xf32, #tpu.memory_space<hbm>>
      %dma_start3A_133 = arith.constant 0 : i32
      %dma_start3A_134 = tpu.memref_slice %arg14[%add3A_128, %dma_start3A_133] : memref<256x64xf32, #tpu.memory_space<vmem>> -> memref<1x64xf32, #tpu.memory_space<vmem>>
      %dma_start3A_135 = arith.constant 0 : i32
      %dma_start3A_136 = tpu.memref_slice %arg6[%squeeze3A_124, %dma_start3A_135] : memref<1000x64xf32, #tpu.memory_space<hbm>> -> memref<1x64xf32, #tpu.memory_space<hbm>>
      tpu.enqueue_dma source(%dma_start3A_136 : memref<1x64xf32, #tpu.memory_space<hbm>>) target(%dma_start3A_134 : memref<1x64xf32, #tpu.memory_space<vmem>>) target_semaphore(%arg17 : memref<!tpu.dma_semaphore, #tpu.memory_space<semaphore_mem>>)
      %slice3A_137 = vector.extract_strided_slice %get3A_83 {offsets = [4], sizes = [1], strides = [1]} : vector<16xi32> to vector<1xi32>
      %squeeze3A_138 = vector.extract %slice3A_137[0] : i32 from vector<1xi32>
      %mul3A_139 = arith.constant 16 : i32
      %mul3A_140 = arith.muli %scan3A_77, %mul3A_139 : i32
      %add3A_141 = arith.constant 4 : i32
      %add3A_142 = arith.addi %mul3A_140, %add3A_141 : i32
      %dma_start3A_143 = arith.constant 0 : i32
      %dma_start3A_144 = tpu.memref_slice %arg14[%add3A_142, %dma_start3A_143] : memref<256x64xf32, #tpu.memory_space<vmem>> -> memref<1x64xf32, #tpu.memory_space<vmem>>
      %dma_start3A_145 = arith.constant 0 : i32
      %dma_start3A_146 = tpu.memref_slice %arg6[%squeeze3A_138, %dma_start3A_145] : memref<1000x64xf32, #tpu.memory_space<hbm>> -> memref<1x64xf32, #tpu.memory_space<hbm>>
      %dma_start3A_147 = arith.constant 0 : i32
      %dma_start3A_148 = tpu.memref_slice %arg14[%add3A_142, %dma_start3A_147] : memref<256x64xf32, #tpu.memory_space<vmem>> -> memref<1x64xf32, #tpu.memory_space<vmem>>
      %dma_start3A_149 = arith.constant 0 : i32
      %dma_start3A_150 = tpu.memref_slice %arg6[%squeeze3A_138, %dma_start3A_149] : memref<1000x64xf32, #tpu.memory_space<hbm>> -> memref<1x64xf32, #tpu.memory_space<hbm>>
      tpu.enqueue_dma source(%dma_start3A_150 : memref<1x64xf32, #tpu.memory_space<hbm>>) target(%dma_start3A_148 : memref<1x64xf32, #tpu.memory_space<vmem>>) target_semaphore(%arg17 : memref<!tpu.dma_semaphore, #tpu.memory_space<semaphore_mem>>)
      %slice3A_151 = vector.extract_strided_slice %get3A_83 {offsets = [5], sizes = [1], strides = [1]} : vector<16xi32> to vector<1xi32>
      %squeeze3A_152 = vector.extract %slice3A_151[0] : i32 from vector<1xi32>
      %mul3A_153 = arith.constant 16 : i32
      %mul3A_154 = arith.muli %scan3A_77, %mul3A_153 : i32
      %add3A_155 = arith.constant 5 : i32
      %add3A_156 = arith.addi %mul3A_154, %add3A_155 : i32
      %dma_start3A_157 = arith.constant 0 : i32
      %dma_start3A_158 = tpu.memref_slice %arg14[%add3A_156, %dma_start3A_157] : memref<256x64xf32, #tpu.memory_space<vmem>> -> memref<1x64xf32, #tpu.memory_space<vmem>>
      %dma_start3A_159 = arith.constant 0 : i32
      %dma_start3A_160 = tpu.memref_slice %arg6[%squeeze3A_152, %dma_start3A_159] : memref<1000x64xf32, #tpu.memory_space<hbm>> -> memref<1x64xf32, #tpu.memory_space<hbm>>
      %dma_start3A_161 = arith.constant 0 : i32
      %dma_start3A_162 = tpu.memref_slice %arg14[%add3A_156, %dma_start3A_161] : memref<256x64xf32, #tpu.memory_space<vmem>> -> memref<1x64xf32, #tpu.memory_space<vmem>>
      %dma_start3A_163 = arith.constant 0 : i32
      %dma_start3A_164 = tpu.memref_slice %arg6[%squeeze3A_152, %dma_start3A_163] : memref<1000x64xf32, #tpu.memory_space<hbm>> -> memref<1x64xf32, #tpu.memory_space<hbm>>
      tpu.enqueue_dma source(%dma_start3A_164 : memref<1x64xf32, #tpu.memory_space<hbm>>) target(%dma_start3A_162 : memref<1x64xf32, #tpu.memory_space<vmem>>) target_semaphore(%arg17 : memref<!tpu.dma_semaphore, #tpu.memory_space<semaphore_mem>>)
      %slice3A_165 = vector.extract_strided_slice %get3A_83 {offsets = [6], sizes = [1], strides = [1]} : vector<16xi32> to vector<1xi32>
      %squeeze3A_166 = vector.extract %slice3A_165[0] : i32 from vector<1xi32>
      %mul3A_167 = arith.constant 16 : i32
      %mul3A_168 = arith.muli %scan3A_77, %mul3A_167 : i32
      %add3A_169 = arith.constant 6 : i32
      %add3A_170 = arith.addi %mul3A_168, %add3A_169 : i32
      %dma_start3A_171 = arith.constant 0 : i32
      %dma_start3A_172 = tpu.memref_slice %arg14[%add3A_170, %dma_start3A_171] : memref<256x64xf32, #tpu.memory_space<vmem>> -> memref<1x64xf32, #tpu.memory_space<vmem>>
      %dma_start3A_173 = arith.constant 0 : i32
      %dma_start3A_174 = tpu.memref_slice %arg6[%squeeze3A_166, %dma_start3A_173] : memref<1000x64xf32, #tpu.memory_space<hbm>> -> memref<1x64xf32, #tpu.memory_space<hbm>>
      %dma_start3A_175 = arith.constant 0 : i32
      %dma_start3A_176 = tpu.memref_slice %arg14[%add3A_170, %dma_start3A_175] : memref<256x64xf32, #tpu.memory_space<vmem>> -> memref<1x64xf32, #tpu.memory_space<vmem>>
      %dma_start3A_177 = arith.constant 0 : i32
      %dma_start3A_178 = tpu.memref_slice %arg6[%squeeze3A_166, %dma_start3A_177] : memref<1000x64xf32, #tpu.memory_space<hbm>> -> memref<1x64xf32, #tpu.memory_space<hbm>>
      tpu.enqueue_dma source(%dma_start3A_178 : memref<1x64xf32, #tpu.memory_space<hbm>>) target(%dma_start3A_176 : memref<1x64xf32, #tpu.memory_space<vmem>>) target_semaphore(%arg17 : memref<!tpu.dma_semaphore, #tpu.memory_space<semaphore_mem>>)
      %slice3A_179 = vector.extract_strided_slice %get3A_83 {offsets = [7], sizes = [1], strides = [1]} : vector<16xi32> to vector<1xi32>
      %squeeze3A_180 = vector.extract %slice3A_179[0] : i32 from vector<1xi32>
      %mul3A_181 = arith.constant 16 : i32
      %mul3A_182 = arith.muli %scan3A_77, %mul3A_181 : i32
      %add3A_183 = arith.constant 7 : i32
      %add3A_184 = arith.addi %mul3A_182, %add3A_183 : i32
      %dma_start3A_185 = arith.constant 0 : i32
      %dma_start3A_186 = tpu.memref_slice %arg14[%add3A_184, %dma_start3A_185] : memref<256x64xf32, #tpu.memory_space<vmem>> -> memref<1x64xf32, #tpu.memory_space<vmem>>
      %dma_start3A_187 = arith.constant 0 : i32
      %dma_start3A_188 = tpu.memref_slice %arg6[%squeeze3A_180, %dma_start3A_187] : memref<1000x64xf32, #tpu.memory_space<hbm>> -> memref<1x64xf32, #tpu.memory_space<hbm>>
      %dma_start3A_189 = arith.constant 0 : i32
      %dma_start3A_190 = tpu.memref_slice %arg14[%add3A_184, %dma_start3A_189] : memref<256x64xf32, #tpu.memory_space<vmem>> -> memref<1x64xf32, #tpu.memory_space<vmem>>
      %dma_start3A_191 = arith.constant 0 : i32
      %dma_start3A_192 = tpu.memref_slice %arg6[%squeeze3A_180, %dma_start3A_191] : memref<1000x64xf32, #tpu.memory_space<hbm>> -> memref<1x64xf32, #tpu.memory_space<hbm>>
      tpu.enqueue_dma source(%dma_start3A_192 : memref<1x64xf32, #tpu.memory_space<hbm>>) target(%dma_start3A_190 : memref<1x64xf32, #tpu.memory_space<vmem>>) target_semaphore(%arg17 : memref<!tpu.dma_semaphore, #tpu.memory_space<semaphore_mem>>)
      %slice3A_193 = vector.extract_strided_slice %get3A_83 {offsets = [8], sizes = [1], strides = [1]} : vector<16xi32> to vector<1xi32>
      %squeeze3A_194 = vector.extract %slice3A_193[0] : i32 from vector<1xi32>
      %mul3A_195 = arith.constant 16 : i32
      %mul3A_196 = arith.muli %scan3A_77, %mul3A_195 : i32
      %add3A_197 = arith.constant 8 : i32
      %add3A_198 = arith.addi %mul3A_196, %add3A_197 : i32
      %dma_start3A_199 = arith.constant 0 : i32
      %dma_start3A_200 = tpu.memref_slice %arg14[%add3A_198, %dma_start3A_199] : memref<256x64xf32, #tpu.memory_space<vmem>> -> memref<1x64xf32, #tpu.memory_space<vmem>>
      %dma_start3A_201 = arith.constant 0 : i32
      %dma_start3A_202 = tpu.memref_slice %arg6[%squeeze3A_194, %dma_start3A_201] : memref<1000x64xf32, #tpu.memory_space<hbm>> -> memref<1x64xf32, #tpu.memory_space<hbm>>
      %dma_start3A_203 = arith.constant 0 : i32
      %dma_start3A_204 = tpu.memref_slice %arg14[%add3A_198, %dma_start3A_203] : memref<256x64xf32, #tpu.memory_space<vmem>> -> memref<1x64xf32, #tpu.memory_space<vmem>>
      %dma_start3A_205 = arith.constant 0 : i32
      %dma_start3A_206 = tpu.memref_slice %arg6[%squeeze3A_194, %dma_start3A_205] : memref<1000x64xf32, #tpu.memory_space<hbm>> -> memref<1x64xf32, #tpu.memory_space<hbm>>
      tpu.enqueue_dma source(%dma_start3A_206 : memref<1x64xf32, #tpu.memory_space<hbm>>) target(%dma_start3A_204 : memref<1x64xf32, #tpu.memory_space<vmem>>) target_semaphore(%arg17 : memref<!tpu.dma_semaphore, #tpu.memory_space<semaphore_mem>>)
      %slice3A_207 = vector.extract_strided_slice %get3A_83 {offsets = [9], sizes = [1], strides = [1]} : vector<16xi32> to vector<1xi32>
      %squeeze3A_208 = vector.extract %slice3A_207[0] : i32 from vector<1xi32>
      %mul3A_209 = arith.constant 16 : i32
      %mul3A_210 = arith.muli %scan3A_77, %mul3A_209 : i32
      %add3A_211 = arith.constant 9 : i32
      %add3A_212 = arith.addi %mul3A_210, %add3A_211 : i32
      %dma_start3A_213 = arith.constant 0 : i32
      %dma_start3A_214 = tpu.memref_slice %arg14[%add3A_212, %dma_start3A_213] : memref<256x64xf32, #tpu.memory_space<vmem>> -> memref<1x64xf32, #tpu.memory_space<vmem>>
      %dma_start3A_215 = arith.constant 0 : i32
      %dma_start3A_216 = tpu.memref_slice %arg6[%squeeze3A_208, %dma_start3A_215] : memref<1000x64xf32, #tpu.memory_space<hbm>> -> memref<1x64xf32, #tpu.memory_space<hbm>>
      %dma_start3A_217 = arith.constant 0 : i32
      %dma_start3A_218 = tpu.memref_slice %arg14[%add3A_212, %dma_start3A_217] : memref<256x64xf32, #tpu.memory_space<vmem>> -> memref<1x64xf32, #tpu.memory_space<vmem>>
      %dma_start3A_219 = arith.constant 0 : i32
      %dma_start3A_220 = tpu.memref_slice %arg6[%squeeze3A_208, %dma_start3A_219] : memref<1000x64xf32, #tpu.memory_space<hbm>> -> memref<1x64xf32, #tpu.memory_space<hbm>>
      tpu.enqueue_dma source(%dma_start3A_220 : memref<1x64xf32, #tpu.memory_space<hbm>>) target(%dma_start3A_218 : memref<1x64xf32, #tpu.memory_space<vmem>>) target_semaphore(%arg17 : memref<!tpu.dma_semaphore, #tpu.memory_space<semaphore_mem>>)
      %slice3A_221 = vector.extract_strided_slice %get3A_83 {offsets = [10], sizes = [1], strides = [1]} : vector<16xi32> to vector<1xi32>
      %squeeze3A_222 = vector.extract %slice3A_221[0] : i32 from vector<1xi32>
      %mul3A_223 = arith.constant 16 : i32
      %mul3A_224 = arith.muli %scan3A_77, %mul3A_223 : i32
      %add3A_225 = arith.constant 10 : i32
      %add3A_226 = arith.addi %mul3A_224, %add3A_225 : i32
      %dma_start3A_227 = arith.constant 0 : i32
      %dma_start3A_228 = tpu.memref_slice %arg14[%add3A_226, %dma_start3A_227] : memref<256x64xf32, #tpu.memory_space<vmem>> -> memref<1x64xf32, #tpu.memory_space<vmem>>
      %dma_start3A_229 = arith.constant 0 : i32
      %dma_start3A_230 = tpu.memref_slice %arg6[%squeeze3A_222, %dma_start3A_229] : memref<1000x64xf32, #tpu.memory_space<hbm>> -> memref<1x64xf32, #tpu.memory_space<hbm>>
      %dma_start3A_231 = arith.constant 0 : i32
      %dma_start3A_232 = tpu.memref_slice %arg14[%add3A_226, %dma_start3A_231] : memref<256x64xf32, #tpu.memory_space<vmem>> -> memref<1x64xf32, #tpu.memory_space<vmem>>
      %dma_start3A_233 = arith.constant 0 : i32
      %dma_start3A_234 = tpu.memref_slice %arg6[%squeeze3A_222, %dma_start3A_233] : memref<1000x64xf32, #tpu.memory_space<hbm>> -> memref<1x64xf32, #tpu.memory_space<hbm>>
      tpu.enqueue_dma source(%dma_start3A_234 : memref<1x64xf32, #tpu.memory_space<hbm>>) target(%dma_start3A_232 : memref<1x64xf32, #tpu.memory_space<vmem>>) target_semaphore(%arg17 : memref<!tpu.dma_semaphore, #tpu.memory_space<semaphore_mem>>)
      %slice3A_235 = vector.extract_strided_slice %get3A_83 {offsets = [11], sizes = [1], strides = [1]} : vector<16xi32> to vector<1xi32>
      %squeeze3A_236 = vector.extract %slice3A_235[0] : i32 from vector<1xi32>
      %mul3A_237 = arith.constant 16 : i32
      %mul3A_238 = arith.muli %scan3A_77, %mul3A_237 : i32
      %add3A_239 = arith.constant 11 : i32
      %add3A_240 = arith.addi %mul3A_238, %add3A_239 : i32
      %dma_start3A_241 = arith.constant 0 : i32
      %dma_start3A_242 = tpu.memref_slice %arg14[%add3A_240, %dma_start3A_241] : memref<256x64xf32, #tpu.memory_space<vmem>> -> memref<1x64xf32, #tpu.memory_space<vmem>>
      %dma_start3A_243 = arith.constant 0 : i32
      %dma_start3A_244 = tpu.memref_slice %arg6[%squeeze3A_236, %dma_start3A_243] : memref<1000x64xf32, #tpu.memory_space<hbm>> -> memref<1x64xf32, #tpu.memory_space<hbm>>
      %dma_start3A_245 = arith.constant 0 : i32
      %dma_start3A_246 = tpu.memref_slice %arg14[%add3A_240, %dma_start3A_245] : memref<256x64xf32, #tpu.memory_space<vmem>> -> memref<1x64xf32, #tpu.memory_space<vmem>>
      %dma_start3A_247 = arith.constant 0 : i32
      %dma_start3A_248 = tpu.memref_slice %arg6[%squeeze3A_236, %dma_start3A_247] : memref<1000x64xf32, #tpu.memory_space<hbm>> -> memref<1x64xf32, #tpu.memory_space<hbm>>
      tpu.enqueue_dma source(%dma_start3A_248 : memref<1x64xf32, #tpu.memory_space<hbm>>) target(%dma_start3A_246 : memref<1x64xf32, #tpu.memory_space<vmem>>) target_semaphore(%arg17 : memref<!tpu.dma_semaphore, #tpu.memory_space<semaphore_mem>>)
      %slice3A_249 = vector.extract_strided_slice %get3A_83 {offsets = [12], sizes = [1], strides = [1]} : vector<16xi32> to vector<1xi32>
      %squeeze3A_250 = vector.extract %slice3A_249[0] : i32 from vector<1xi32>
      %mul3A_251 = arith.constant 16 : i32
      %mul3A_252 = arith.muli %scan3A_77, %mul3A_251 : i32
      %add3A_253 = arith.constant 12 : i32
      %add3A_254 = arith.addi %mul3A_252, %add3A_253 : i32
      %dma_start3A_255 = arith.constant 0 : i32
      %dma_start3A_256 = tpu.memref_slice %arg14[%add3A_254, %dma_start3A_255] : memref<256x64xf32, #tpu.memory_space<vmem>> -> memref<1x64xf32, #tpu.memory_space<vmem>>
      %dma_start3A_257 = arith.constant 0 : i32
      %dma_start3A_258 = tpu.memref_slice %arg6[%squeeze3A_250, %dma_start3A_257] : memref<1000x64xf32, #tpu.memory_space<hbm>> -> memref<1x64xf32, #tpu.memory_space<hbm>>
      %dma_start3A_259 = arith.constant 0 : i32
      %dma_start3A_260 = tpu.memref_slice %arg14[%add3A_254, %dma_start3A_259] : memref<256x64xf32, #tpu.memory_space<vmem>> -> memref<1x64xf32, #tpu.memory_space<vmem>>
      %dma_start3A_261 = arith.constant 0 : i32
      %dma_start3A_262 = tpu.memref_slice %arg6[%squeeze3A_250, %dma_start3A_261] : memref<1000x64xf32, #tpu.memory_space<hbm>> -> memref<1x64xf32, #tpu.memory_space<hbm>>
      tpu.enqueue_dma source(%dma_start3A_262 : memref<1x64xf32, #tpu.memory_space<hbm>>) target(%dma_start3A_260 : memref<1x64xf32, #tpu.memory_space<vmem>>) target_semaphore(%arg17 : memref<!tpu.dma_semaphore, #tpu.memory_space<semaphore_mem>>)
      %slice3A_263 = vector.extract_strided_slice %get3A_83 {offsets = [13], sizes = [1], strides = [1]} : vector<16xi32> to vector<1xi32>
      %squeeze3A_264 = vector.extract %slice3A_263[0] : i32 from vector<1xi32>
      %mul3A_265 = arith.constant 16 : i32
      %mul3A_266 = arith.muli %scan3A_77, %mul3A_265 : i32
      %add3A_267 = arith.constant 13 : i32
      %add3A_268 = arith.addi %mul3A_266, %add3A_267 : i32
      %dma_start3A_269 = arith.constant 0 : i32
      %dma_start3A_270 = tpu.memref_slice %arg14[%add3A_268, %dma_start3A_269] : memref<256x64xf32, #tpu.memory_space<vmem>> -> memref<1x64xf32, #tpu.memory_space<vmem>>
      %dma_start3A_271 = arith.constant 0 : i32
      %dma_start3A_272 = tpu.memref_slice %arg6[%squeeze3A_264, %dma_start3A_271] : memref<1000x64xf32, #tpu.memory_space<hbm>> -> memref<1x64xf32, #tpu.memory_space<hbm>>
      %dma_start3A_273 = arith.constant 0 : i32
      %dma_start3A_274 = tpu.memref_slice %arg14[%add3A_268, %dma_start3A_273] : memref<256x64xf32, #tpu.memory_space<vmem>> -> memref<1x64xf32, #tpu.memory_space<vmem>>
      %dma_start3A_275 = arith.constant 0 : i32
      %dma_start3A_276 = tpu.memref_slice %arg6[%squeeze3A_264, %dma_start3A_275] : memref<1000x64xf32, #tpu.memory_space<hbm>> -> memref<1x64xf32, #tpu.memory_space<hbm>>
      tpu.enqueue_dma source(%dma_start3A_276 : memref<1x64xf32, #tpu.memory_space<hbm>>) target(%dma_start3A_274 : memref<1x64xf32, #tpu.memory_space<vmem>>) target_semaphore(%arg17 : memref<!tpu.dma_semaphore, #tpu.memory_space<semaphore_mem>>)
      %slice3A_277 = vector.extract_strided_slice %get3A_83 {offsets = [14], sizes = [1], strides = [1]} : vector<16xi32> to vector<1xi32>
      %squeeze3A_278 = vector.extract %slice3A_277[0] : i32 from vector<1xi32>
      %mul3A_279 = arith.constant 16 : i32
      %mul3A_280 = arith.muli %scan3A_77, %mul3A_279 : i32
      %add3A_281 = arith.constant 14 : i32
      %add3A_282 = arith.addi %mul3A_280, %add3A_281 : i32
      %dma_start3A_283 = arith.constant 0 : i32
      %dma_start3A_284 = tpu.memref_slice %arg14[%add3A_282, %dma_start3A_283] : memref<256x64xf32, #tpu.memory_space<vmem>> -> memref<1x64xf32, #tpu.memory_space<vmem>>
      %dma_start3A_285 = arith.constant 0 : i32
      %dma_start3A_286 = tpu.memref_slice %arg6[%squeeze3A_278, %dma_start3A_285] : memref<1000x64xf32, #tpu.memory_space<hbm>> -> memref<1x64xf32, #tpu.memory_space<hbm>>
      %dma_start3A_287 = arith.constant 0 : i32
      %dma_start3A_288 = tpu.memref_slice %arg14[%add3A_282, %dma_start3A_287] : memref<256x64xf32, #tpu.memory_space<vmem>> -> memref<1x64xf32, #tpu.memory_space<vmem>>
      %dma_start3A_289 = arith.constant 0 : i32
      %dma_start3A_290 = tpu.memref_slice %arg6[%squeeze3A_278, %dma_start3A_289] : memref<1000x64xf32, #tpu.memory_space<hbm>> -> memref<1x64xf32, #tpu.memory_space<hbm>>
      tpu.enqueue_dma source(%dma_start3A_290 : memref<1x64xf32, #tpu.memory_space<hbm>>) target(%dma_start3A_288 : memref<1x64xf32, #tpu.memory_space<vmem>>) target_semaphore(%arg17 : memref<!tpu.dma_semaphore, #tpu.memory_space<semaphore_mem>>)
      %slice3A_291 = vector.extract_strided_slice %get3A_83 {offsets = [15], sizes = [1], strides = [1]} : vector<16xi32> to vector<1xi32>
      %squeeze3A_292 = vector.extract %slice3A_291[0] : i32 from vector<1xi32>
      %mul3A_293 = arith.constant 16 : i32
      %mul3A_294 = arith.muli %scan3A_77, %mul3A_293 : i32
      %add3A_295 = arith.constant 15 : i32
      %add3A_296 = arith.addi %mul3A_294, %add3A_295 : i32
      %dma_start3A_297 = arith.constant 0 : i32
      %dma_start3A_298 = tpu.memref_slice %arg14[%add3A_296, %dma_start3A_297] : memref<256x64xf32, #tpu.memory_space<vmem>> -> memref<1x64xf32, #tpu.memory_space<vmem>>
      %dma_start3A_299 = arith.constant 0 : i32
      %dma_start3A_300 = tpu.memref_slice %arg6[%squeeze3A_292, %dma_start3A_299] : memref<1000x64xf32, #tpu.memory_space<hbm>> -> memref<1x64xf32, #tpu.memory_space<hbm>>
      %dma_start3A_301 = arith.constant 0 : i32
      %dma_start3A_302 = tpu.memref_slice %arg14[%add3A_296, %dma_start3A_301] : memref<256x64xf32, #tpu.memory_space<vmem>> -> memref<1x64xf32, #tpu.memory_space<vmem>>
      %dma_start3A_303 = arith.constant 0 : i32
      %dma_start3A_304 = tpu.memref_slice %arg6[%squeeze3A_292, %dma_start3A_303] : memref<1000x64xf32, #tpu.memory_space<hbm>> -> memref<1x64xf32, #tpu.memory_space<hbm>>
      tpu.enqueue_dma source(%dma_start3A_304 : memref<1x64xf32, #tpu.memory_space<hbm>>) target(%dma_start3A_302 : memref<1x64xf32, #tpu.memory_space<vmem>>) target_semaphore(%arg17 : memref<!tpu.dma_semaphore, #tpu.memory_space<semaphore_mem>>)
    }
    %scan3A_19 = arith.constant 16 : i32
    %add3A_20 = arith.constant 0 : i32
    %add3A_21 = arith.addi %mul3A_2, %add3A_20 : i32
    %dma_wait3A = arith.constant 0 : i32
    %dma_wait3A_22 = arith.constant 0 : i32
    %dma_wait3A_23 = tpu.memref_slice %arg5[%dma_wait3A, %dma_wait3A_22] : memref<507904x128xf32, #tpu.memory_space<hbm>> -> memref<256x128xf32, #tpu.memory_space<hbm>>
    %dma_wait3A_24 = arith.constant 0 : i32
    %dma_wait3A_25 = arith.constant 0 : i32
    %dma_wait3A_26 = tpu.memref_slice %arg5[%dma_wait3A_24, %dma_wait3A_25] : memref<507904x128xf32, #tpu.memory_space<hbm>> -> memref<256x128xf32, #tpu.memory_space<hbm>>
    tpu.wait_dma2 semaphore(%arg16 : memref<!tpu.dma_semaphore, #tpu.memory_space<semaphore_mem>>) src(%dma_wait3A_26 : memref<256x128xf32, #tpu.memory_space<hbm>>) dst(%arg13 : memref<256x128xf32, #tpu.memory_space<vmem>>)
    "tpu.region"() ({
      %run_scoped3A = tpu.sem_alloc : memref<!tpu.dma_semaphore, #tpu.memory_space<semaphore_mem>>
      %dma_start3A = arith.constant 0 : i32
      %dma_start3A_77 = tpu.memref_slice %arg7[%add3A_21, %dma_start3A] : memref<16384x128xf32, #tpu.memory_space<hbm>> -> memref<256x128xf32, #tpu.memory_space<hbm>>
      %dma_start3A_78 = arith.constant 0 : i32
      %dma_start3A_79 = tpu.memref_slice %arg7[%add3A_21, %dma_start3A_78] : memref<16384x128xf32, #tpu.memory_space<hbm>> -> memref<256x128xf32, #tpu.memory_space<hbm>>
      tpu.enqueue_dma source(%arg13 : memref<256x128xf32, #tpu.memory_space<vmem>>) target(%dma_start3A_79 : memref<256x128xf32, #tpu.memory_space<hbm>>) target_semaphore(%run_scoped3A : memref<!tpu.dma_semaphore, #tpu.memory_space<semaphore_mem>>)
      %dma_wait3A_80 = arith.constant 0 : i32
      %dma_wait3A_81 = tpu.memref_slice %arg7[%add3A_21, %dma_wait3A_80] : memref<16384x128xf32, #tpu.memory_space<hbm>> -> memref<256x128xf32, #tpu.memory_space<hbm>>
      %dma_wait3A_82 = arith.constant 0 : i32
      %dma_wait3A_83 = tpu.memref_slice %arg7[%add3A_21, %dma_wait3A_82] : memref<16384x128xf32, #tpu.memory_space<hbm>> -> memref<256x128xf32, #tpu.memory_space<hbm>>
      tpu.wait_dma2 semaphore(%run_scoped3A : memref<!tpu.dma_semaphore, #tpu.memory_space<semaphore_mem>>) src(%arg13 : memref<256x128xf32, #tpu.memory_space<vmem>>) dst(%dma_wait3A_83 : memref<256x128xf32, #tpu.memory_space<hbm>>)
      tpu.yield
    }) : () -> ()
    %dma_wait3A_27 = arith.constant 0 : i32
    %dma_wait3A_28 = arith.constant 0 : i32
    %dma_wait3A_29 = tpu.memref_slice %arg5[%dma_wait3A_27, %dma_wait3A_28] : memref<507904x128xf32, #tpu.memory_space<hbm>> -> memref<256x128xf32, #tpu.memory_space<hbm>>
    %dma_wait3A_30 = arith.constant 0 : i32
    %dma_wait3A_31 = arith.constant 0 : i32
    %dma_wait3A_32 = tpu.memref_slice %arg5[%dma_wait3A_30, %dma_wait3A_31] : memref<507904x128xf32, #tpu.memory_space<hbm>> -> memref<256x128xf32, #tpu.memory_space<hbm>>
    tpu.wait_dma2 semaphore(%arg18 : memref<!tpu.dma_semaphore, #tpu.memory_space<semaphore_mem>>) src(%dma_wait3A_32 : memref<256x128xf32, #tpu.memory_space<hbm>>) dst(%arg15 : memref<256x128xf32, #tpu.memory_space<vmem>>)
    "tpu.region"() ({
      %run_scoped3A = tpu.sem_alloc : memref<!tpu.dma_semaphore, #tpu.memory_space<semaphore_mem>>
      %dma_start3A = arith.constant 0 : i32
      %dma_start3A_77 = tpu.memref_slice %arg9[%add3A_21, %dma_start3A] : memref<16384x128xf32, #tpu.memory_space<hbm>> -> memref<256x128xf32, #tpu.memory_space<hbm>>
      %dma_start3A_78 = arith.constant 0 : i32
      %dma_start3A_79 = tpu.memref_slice %arg9[%add3A_21, %dma_start3A_78] : memref<16384x128xf32, #tpu.memory_space<hbm>> -> memref<256x128xf32, #tpu.memory_space<hbm>>
      tpu.enqueue_dma source(%arg15 : memref<256x128xf32, #tpu.memory_space<vmem>>) target(%dma_start3A_79 : memref<256x128xf32, #tpu.memory_space<hbm>>) target_semaphore(%run_scoped3A : memref<!tpu.dma_semaphore, #tpu.memory_space<semaphore_mem>>)
      %dma_wait3A_80 = arith.constant 0 : i32
      %dma_wait3A_81 = tpu.memref_slice %arg9[%add3A_21, %dma_wait3A_80] : memref<16384x128xf32, #tpu.memory_space<hbm>> -> memref<256x128xf32, #tpu.memory_space<hbm>>
      %dma_wait3A_82 = arith.constant 0 : i32
      %dma_wait3A_83 = tpu.memref_slice %arg9[%add3A_21, %dma_wait3A_82] : memref<16384x128xf32, #tpu.memory_space<hbm>> -> memref<256x128xf32, #tpu.memory_space<hbm>>
      tpu.wait_dma2 semaphore(%run_scoped3A : memref<!tpu.dma_semaphore, #tpu.memory_space<semaphore_mem>>) src(%arg15 : memref<256x128xf32, #tpu.memory_space<vmem>>) dst(%dma_wait3A_83 : memref<256x128xf32, #tpu.memory_space<hbm>>)
      tpu.yield
    }) : () -> ()
    %dma_wait3A_33 = arith.constant 0 : i32
    %dma_wait3A_34 = arith.constant 0 : i32
    %dma_wait3A_35 = tpu.memref_slice %arg6[%dma_wait3A_33, %dma_wait3A_34] : memref<1000x64xf32, #tpu.memory_space<hbm>> -> memref<256x64xf32, #tpu.memory_space<hbm>>
    %dma_wait3A_36 = arith.constant 0 : i32
    %dma_wait3A_37 = arith.constant 0 : i32
    %dma_wait3A_38 = tpu.memref_slice %arg6[%dma_wait3A_36, %dma_wait3A_37] : memref<1000x64xf32, #tpu.memory_space<hbm>> -> memref<256x64xf32, #tpu.memory_space<hbm>>
    tpu.wait_dma2 semaphore(%arg17 : memref<!tpu.dma_semaphore, #tpu.memory_space<semaphore_mem>>) src(%dma_wait3A_38 : memref<256x64xf32, #tpu.memory_space<hbm>>) dst(%arg14 : memref<256x64xf32, #tpu.memory_space<vmem>>)
    "tpu.region"() ({
      %run_scoped3A = tpu.sem_alloc : memref<!tpu.dma_semaphore, #tpu.memory_space<semaphore_mem>>
      %dma_start3A = arith.constant 0 : i32
      %dma_start3A_77 = tpu.memref_slice %arg8[%add3A_21, %dma_start3A] : memref<16384x64xf32, #tpu.memory_space<hbm>> -> memref<256x64xf32, #tpu.memory_space<hbm>>
      %dma_start3A_78 = arith.constant 0 : i32
      %dma_start3A_79 = tpu.memref_slice %arg8[%add3A_21, %dma_start3A_78] : memref<16384x64xf32, #tpu.memory_space<hbm>> -> memref<256x64xf32, #tpu.memory_space<hbm>>
      tpu.enqueue_dma source(%arg14 : memref<256x64xf32, #tpu.memory_space<vmem>>) target(%dma_start3A_79 : memref<256x64xf32, #tpu.memory_space<hbm>>) target_semaphore(%run_scoped3A : memref<!tpu.dma_semaphore, #tpu.memory_space<semaphore_mem>>)
      %dma_wait3A_80 = arith.constant 0 : i32
      %dma_wait3A_81 = tpu.memref_slice %arg8[%add3A_21, %dma_wait3A_80] : memref<16384x64xf32, #tpu.memory_space<hbm>> -> memref<256x64xf32, #tpu.memory_space<hbm>>
      %dma_wait3A_82 = arith.constant 0 : i32
      %dma_wait3A_83 = tpu.memref_slice %arg8[%add3A_21, %dma_wait3A_82] : memref<16384x64xf32, #tpu.memory_space<hbm>> -> memref<256x64xf32, #tpu.memory_space<hbm>>
      tpu.wait_dma2 semaphore(%run_scoped3A : memref<!tpu.dma_semaphore, #tpu.memory_space<semaphore_mem>>) src(%arg14 : memref<256x64xf32, #tpu.memory_space<vmem>>) dst(%dma_wait3A_83 : memref<256x64xf32, #tpu.memory_space<hbm>>)
      tpu.yield
    }) : () -> ()
    %scan3A_39 = arith.constant 0 : i32
    %scan3A_40 = arith.constant 0 : i32
    %scan3A_41 = arith.constant 16 : i32
    %scan3A_42 = arith.addi %scan3A_40, %scan3A_41 : i32
    %scan3A_43 = arith.constant 1 : i32
    scf.for %scan3A_77 = %scan3A_40 to %scan3A_42 step %scan3A_43  : i32 {
      %mul3A_78 = arith.constant 16 : i32
      %mul3A_79 = arith.muli %scan3A_77, %mul3A_78 : i32
      %add3A_80 = arith.constant 256 : i32
      %add3A_81 = arith.addi %add3A_80, %mul3A_79 : i32
      %get3A = arith.index_cast %add3A_81 : i32 to index
      %get3A_82 = tpu.vector_load %arg10[%get3A] {strides = array<i32>} : memref<512xi32, #tpu.memory_space<vmem>>, vector<16xi32>,
      %get3A_83 = vector.shape_cast %get3A_82 : vector<16xi32> to vector<16xi32>
      %slice3A = vector.extract_strided_slice %get3A_83 {offsets = [0], sizes = [1], strides = [1]} : vector<16xi32> to vector<1xi32>
      %squeeze3A = vector.extract %slice3A[0] : i32 from vector<1xi32>
      %mul3A_84 = arith.constant 16 : i32
      %mul3A_85 = arith.muli %scan3A_77, %mul3A_84 : i32
      %add3A_86 = arith.constant 0 : i32
      %add3A_87 = arith.addi %mul3A_85, %add3A_86 : i32
      %dma_start3A = arith.constant 0 : i32
      %dma_start3A_88 = tpu.memref_slice %arg13[%add3A_87, %dma_start3A] : memref<256x128xf32, #tpu.memory_space<vmem>> -> memref<1x128xf32, #tpu.memory_space<vmem>>
      %dma_start3A_89 = arith.constant 0 : i32
      %dma_start3A_90 = tpu.memref_slice %arg5[%squeeze3A, %dma_start3A_89] : memref<507904x128xf32, #tpu.memory_space<hbm>> -> memref<1x128xf32, #tpu.memory_space<hbm>>
      %dma_start3A_91 = arith.constant 0 : i32
      %dma_start3A_92 = tpu.memref_slice %arg13[%add3A_87, %dma_start3A_91] : memref<256x128xf32, #tpu.memory_space<vmem>> -> memref<1x128xf32, #tpu.memory_space<vmem>>
      %dma_start3A_93 = arith.constant 0 : i32
      %dma_start3A_94 = tpu.memref_slice %arg5[%squeeze3A, %dma_start3A_93] : memref<507904x128xf32, #tpu.memory_space<hbm>> -> memref<1x128xf32, #tpu.memory_space<hbm>>
      tpu.enqueue_dma source(%dma_start3A_94 : memref<1x128xf32, #tpu.memory_space<hbm>>) target(%dma_start3A_92 : memref<1x128xf32, #tpu.memory_space<vmem>>) target_semaphore(%arg16 : memref<!tpu.dma_semaphore, #tpu.memory_space<semaphore_mem>>)
      %slice3A_95 = vector.extract_strided_slice %get3A_83 {offsets = [1], sizes = [1], strides = [1]} : vector<16xi32> to vector<1xi32>
      %squeeze3A_96 = vector.extract %slice3A_95[0] : i32 from vector<1xi32>
      %mul3A_97 = arith.constant 16 : i32
      %mul3A_98 = arith.muli %scan3A_77, %mul3A_97 : i32
      %add3A_99 = arith.constant 1 : i32
      %add3A_100 = arith.addi %mul3A_98, %add3A_99 : i32
      %dma_start3A_101 = arith.constant 0 : i32
      %dma_start3A_102 = tpu.memref_slice %arg13[%add3A_100, %dma_start3A_101] : memref<256x128xf32, #tpu.memory_space<vmem>> -> memref<1x128xf32, #tpu.memory_space<vmem>>
      %dma_start3A_103 = arith.constant 0 : i32
      %dma_start3A_104 = tpu.memref_slice %arg5[%squeeze3A_96, %dma_start3A_103] : memref<507904x128xf32, #tpu.memory_space<hbm>> -> memref<1x128xf32, #tpu.memory_space<hbm>>
      %dma_start3A_105 = arith.constant 0 : i32
      %dma_start3A_106 = tpu.memref_slice %arg13[%add3A_100, %dma_start3A_105] : memref<256x128xf32, #tpu.memory_space<vmem>> -> memref<1x128xf32, #tpu.memory_space<vmem>>
      %dma_start3A_107 = arith.constant 0 : i32
      %dma_start3A_108 = tpu.memref_slice %arg5[%squeeze3A_96, %dma_start3A_107] : memref<507904x128xf32, #tpu.memory_space<hbm>> -> memref<1x128xf32, #tpu.memory_space<hbm>>
      tpu.enqueue_dma source(%dma_start3A_108 : memref<1x128xf32, #tpu.memory_space<hbm>>) target(%dma_start3A_106 : memref<1x128xf32, #tpu.memory_space<vmem>>) target_semaphore(%arg16 : memref<!tpu.dma_semaphore, #tpu.memory_space<semaphore_mem>>)
      %slice3A_109 = vector.extract_strided_slice %get3A_83 {offsets = [2], sizes = [1], strides = [1]} : vector<16xi32> to vector<1xi32>
      %squeeze3A_110 = vector.extract %slice3A_109[0] : i32 from vector<1xi32>
      %mul3A_111 = arith.constant 16 : i32
      %mul3A_112 = arith.muli %scan3A_77, %mul3A_111 : i32
      %add3A_113 = arith.constant 2 : i32
      %add3A_114 = arith.addi %mul3A_112, %add3A_113 : i32
      %dma_start3A_115 = arith.constant 0 : i32
      %dma_start3A_116 = tpu.memref_slice %arg13[%add3A_114, %dma_start3A_115] : memref<256x128xf32, #tpu.memory_space<vmem>> -> memref<1x128xf32, #tpu.memory_space<vmem>>
      %dma_start3A_117 = arith.constant 0 : i32
      %dma_start3A_118 = tpu.memref_slice %arg5[%squeeze3A_110, %dma_start3A_117] : memref<507904x128xf32, #tpu.memory_space<hbm>> -> memref<1x128xf32, #tpu.memory_space<hbm>>
      %dma_start3A_119 = arith.constant 0 : i32
      %dma_start3A_120 = tpu.memref_slice %arg13[%add3A_114, %dma_start3A_119] : memref<256x128xf32, #tpu.memory_space<vmem>> -> memref<1x128xf32, #tpu.memory_space<vmem>>
      %dma_start3A_121 = arith.constant 0 : i32
      %dma_start3A_122 = tpu.memref_slice %arg5[%squeeze3A_110, %dma_start3A_121] : memref<507904x128xf32, #tpu.memory_space<hbm>> -> memref<1x128xf32, #tpu.memory_space<hbm>>
      tpu.enqueue_dma source(%dma_start3A_122 : memref<1x128xf32, #tpu.memory_space<hbm>>) target(%dma_start3A_120 : memref<1x128xf32, #tpu.memory_space<vmem>>) target_semaphore(%arg16 : memref<!tpu.dma_semaphore, #tpu.memory_space<semaphore_mem>>)
      %slice3A_123 = vector.extract_strided_slice %get3A_83 {offsets = [3], sizes = [1], strides = [1]} : vector<16xi32> to vector<1xi32>
      %squeeze3A_124 = vector.extract %slice3A_123[0] : i32 from vector<1xi32>
      %mul3A_125 = arith.constant 16 : i32
      %mul3A_126 = arith.muli %scan3A_77, %mul3A_125 : i32
      %add3A_127 = arith.constant 3 : i32
      %add3A_128 = arith.addi %mul3A_126, %add3A_127 : i32
      %dma_start3A_129 = arith.constant 0 : i32
      %dma_start3A_130 = tpu.memref_slice %arg13[%add3A_128, %dma_start3A_129] : memref<256x128xf32, #tpu.memory_space<vmem>> -> memref<1x128xf32, #tpu.memory_space<vmem>>
      %dma_start3A_131 = arith.constant 0 : i32
      %dma_start3A_132 = tpu.memref_slice %arg5[%squeeze3A_124, %dma_start3A_131] : memref<507904x128xf32, #tpu.memory_space<hbm>> -> memref<1x128xf32, #tpu.memory_space<hbm>>
      %dma_start3A_133 = arith.constant 0 : i32
      %dma_start3A_134 = tpu.memref_slice %arg13[%add3A_128, %dma_start3A_133] : memref<256x128xf32, #tpu.memory_space<vmem>> -> memref<1x128xf32, #tpu.memory_space<vmem>>
      %dma_start3A_135 = arith.constant 0 : i32
      %dma_start3A_136 = tpu.memref_slice %arg5[%squeeze3A_124, %dma_start3A_135] : memref<507904x128xf32, #tpu.memory_space<hbm>> -> memref<1x128xf32, #tpu.memory_space<hbm>>
      tpu.enqueue_dma source(%dma_start3A_136 : memref<1x128xf32, #tpu.memory_space<hbm>>) target(%dma_start3A_134 : memref<1x128xf32, #tpu.memory_space<vmem>>) target_semaphore(%arg16 : memref<!tpu.dma_semaphore, #tpu.memory_space<semaphore_mem>>)
      %slice3A_137 = vector.extract_strided_slice %get3A_83 {offsets = [4], sizes = [1], strides = [1]} : vector<16xi32> to vector<1xi32>
      %squeeze3A_138 = vector.extract %slice3A_137[0] : i32 from vector<1xi32>
      %mul3A_139 = arith.constant 16 : i32
      %mul3A_140 = arith.muli %scan3A_77, %mul3A_139 : i32
      %add3A_141 = arith.constant 4 : i32
      %add3A_142 = arith.addi %mul3A_140, %add3A_141 : i32
      %dma_start3A_143 = arith.constant 0 : i32
      %dma_start3A_144 = tpu.memref_slice %arg13[%add3A_142, %dma_start3A_143] : memref<256x128xf32, #tpu.memory_space<vmem>> -> memref<1x128xf32, #tpu.memory_space<vmem>>
      %dma_start3A_145 = arith.constant 0 : i32
      %dma_start3A_146 = tpu.memref_slice %arg5[%squeeze3A_138, %dma_start3A_145] : memref<507904x128xf32, #tpu.memory_space<hbm>> -> memref<1x128xf32, #tpu.memory_space<hbm>>
      %dma_start3A_147 = arith.constant 0 : i32
      %dma_start3A_148 = tpu.memref_slice %arg13[%add3A_142, %dma_start3A_147] : memref<256x128xf32, #tpu.memory_space<vmem>> -> memref<1x128xf32, #tpu.memory_space<vmem>>
      %dma_start3A_149 = arith.constant 0 : i32
      %dma_start3A_150 = tpu.memref_slice %arg5[%squeeze3A_138, %dma_start3A_149] : memref<507904x128xf32, #tpu.memory_space<hbm>> -> memref<1x128xf32, #tpu.memory_space<hbm>>
      tpu.enqueue_dma source(%dma_start3A_150 : memref<1x128xf32, #tpu.memory_space<hbm>>) target(%dma_start3A_148 : memref<1x128xf32, #tpu.memory_space<vmem>>) target_semaphore(%arg16 : memref<!tpu.dma_semaphore, #tpu.memory_space<semaphore_mem>>)
      %slice3A_151 = vector.extract_strided_slice %get3A_83 {offsets = [5], sizes = [1], strides = [1]} : vector<16xi32> to vector<1xi32>
      %squeeze3A_152 = vector.extract %slice3A_151[0] : i32 from vector<1xi32>
      %mul3A_153 = arith.constant 16 : i32
      %mul3A_154 = arith.muli %scan3A_77, %mul3A_153 : i32
      %add3A_155 = arith.constant 5 : i32
      %add3A_156 = arith.addi %mul3A_154, %add3A_155 : i32
      %dma_start3A_157 = arith.constant 0 : i32
      %dma_start3A_158 = tpu.memref_slice %arg13[%add3A_156, %dma_start3A_157] : memref<256x128xf32, #tpu.memory_space<vmem>> -> memref<1x128xf32, #tpu.memory_space<vmem>>
      %dma_start3A_159 = arith.constant 0 : i32
      %dma_start3A_160 = tpu.memref_slice %arg5[%squeeze3A_152, %dma_start3A_159] : memref<507904x128xf32, #tpu.memory_space<hbm>> -> memref<1x128xf32, #tpu.memory_space<hbm>>
      %dma_start3A_161 = arith.constant 0 : i32
      %dma_start3A_162 = tpu.memref_slice %arg13[%add3A_156, %dma_start3A_161] : memref<256x128xf32, #tpu.memory_space<vmem>> -> memref<1x128xf32, #tpu.memory_space<vmem>>
      %dma_start3A_163 = arith.constant 0 : i32
      %dma_start3A_164 = tpu.memref_slice %arg5[%squeeze3A_152, %dma_start3A_163] : memref<507904x128xf32, #tpu.memory_space<hbm>> -> memref<1x128xf32, #tpu.memory_space<hbm>>
      tpu.enqueue_dma source(%dma_start3A_164 : memref<1x128xf32, #tpu.memory_space<hbm>>) target(%dma_start3A_162 : memref<1x128xf32, #tpu.memory_space<vmem>>) target_semaphore(%arg16 : memref<!tpu.dma_semaphore, #tpu.memory_space<semaphore_mem>>)
      %slice3A_165 = vector.extract_strided_slice %get3A_83 {offsets = [6], sizes = [1], strides = [1]} : vector<16xi32> to vector<1xi32>
      %squeeze3A_166 = vector.extract %slice3A_165[0] : i32 from vector<1xi32>
      %mul3A_167 = arith.constant 16 : i32
      %mul3A_168 = arith.muli %scan3A_77, %mul3A_167 : i32
      %add3A_169 = arith.constant 6 : i32
      %add3A_170 = arith.addi %mul3A_168, %add3A_169 : i32
      %dma_start3A_171 = arith.constant 0 : i32
      %dma_start3A_172 = tpu.memref_slice %arg13[%add3A_170, %dma_start3A_171] : memref<256x128xf32, #tpu.memory_space<vmem>> -> memref<1x128xf32, #tpu.memory_space<vmem>>
      %dma_start3A_173 = arith.constant 0 : i32
      %dma_start3A_174 = tpu.memref_slice %arg5[%squeeze3A_166, %dma_start3A_173] : memref<507904x128xf32, #tpu.memory_space<hbm>> -> memref<1x128xf32, #tpu.memory_space<hbm>>
      %dma_start3A_175 = arith.constant 0 : i32
      %dma_start3A_176 = tpu.memref_slice %arg13[%add3A_170, %dma_start3A_175] : memref<256x128xf32, #tpu.memory_space<vmem>> -> memref<1x128xf32, #tpu.memory_space<vmem>>
      %dma_start3A_177 = arith.constant 0 : i32
      %dma_start3A_178 = tpu.memref_slice %arg5[%squeeze3A_166, %dma_start3A_177] : memref<507904x128xf32, #tpu.memory_space<hbm>> -> memref<1x128xf32, #tpu.memory_space<hbm>>
      tpu.enqueue_dma source(%dma_start3A_178 : memref<1x128xf32, #tpu.memory_space<hbm>>) target(%dma_start3A_176 : memref<1x128xf32, #tpu.memory_space<vmem>>) target_semaphore(%arg16 : memref<!tpu.dma_semaphore, #tpu.memory_space<semaphore_mem>>)
      %slice3A_179 = vector.extract_strided_slice %get3A_83 {offsets = [7], sizes = [1], strides = [1]} : vector<16xi32> to vector<1xi32>
      %squeeze3A_180 = vector.extract %slice3A_179[0] : i32 from vector<1xi32>
      %mul3A_181 = arith.constant 16 : i32
      %mul3A_182 = arith.muli %scan3A_77, %mul3A_181 : i32
      %add3A_183 = arith.constant 7 : i32
      %add3A_184 = arith.addi %mul3A_182, %add3A_183 : i32
      %dma_start3A_185 = arith.constant 0 : i32
      %dma_start3A_186 = tpu.memref_slice %arg13[%add3A_184, %dma_start3A_185] : memref<256x128xf32, #tpu.memory_space<vmem>> -> memref<1x128xf32, #tpu.memory_space<vmem>>
      %dma_start3A_187 = arith.constant 0 : i32
      %dma_start3A_188 = tpu.memref_slice %arg5[%squeeze3A_180, %dma_start3A_187] : memref<507904x128xf32, #tpu.memory_space<hbm>> -> memref<1x128xf32, #tpu.memory_space<hbm>>
      %dma_start3A_189 = arith.constant 0 : i32
      %dma_start3A_190 = tpu.memref_slice %arg13[%add3A_184, %dma_start3A_189] : memref<256x128xf32, #tpu.memory_space<vmem>> -> memref<1x128xf32, #tpu.memory_space<vmem>>
      %dma_start3A_191 = arith.constant 0 : i32
      %dma_start3A_192 = tpu.memref_slice %arg5[%squeeze3A_180, %dma_start3A_191] : memref<507904x128xf32, #tpu.memory_space<hbm>> -> memref<1x128xf32, #tpu.memory_space<hbm>>
      tpu.enqueue_dma source(%dma_start3A_192 : memref<1x128xf32, #tpu.memory_space<hbm>>) target(%dma_start3A_190 : memref<1x128xf32, #tpu.memory_space<vmem>>) target_semaphore(%arg16 : memref<!tpu.dma_semaphore, #tpu.memory_space<semaphore_mem>>)
      %slice3A_193 = vector.extract_strided_slice %get3A_83 {offsets = [8], sizes = [1], strides = [1]} : vector<16xi32> to vector<1xi32>
      %squeeze3A_194 = vector.extract %slice3A_193[0] : i32 from vector<1xi32>
      %mul3A_195 = arith.constant 16 : i32
      %mul3A_196 = arith.muli %scan3A_77, %mul3A_195 : i32
      %add3A_197 = arith.constant 8 : i32
      %add3A_198 = arith.addi %mul3A_196, %add3A_197 : i32
      %dma_start3A_199 = arith.constant 0 : i32
      %dma_start3A_200 = tpu.memref_slice %arg13[%add3A_198, %dma_start3A_199] : memref<256x128xf32, #tpu.memory_space<vmem>> -> memref<1x128xf32, #tpu.memory_space<vmem>>
      %dma_start3A_201 = arith.constant 0 : i32
      %dma_start3A_202 = tpu.memref_slice %arg5[%squeeze3A_194, %dma_start3A_201] : memref<507904x128xf32, #tpu.memory_space<hbm>> -> memref<1x128xf32, #tpu.memory_space<hbm>>
      %dma_start3A_203 = arith.constant 0 : i32
      %dma_start3A_204 = tpu.memref_slice %arg13[%add3A_198, %dma_start3A_203] : memref<256x128xf32, #tpu.memory_space<vmem>> -> memref<1x128xf32, #tpu.memory_space<vmem>>
      %dma_start3A_205 = arith.constant 0 : i32
      %dma_start3A_206 = tpu.memref_slice %arg5[%squeeze3A_194, %dma_start3A_205] : memref<507904x128xf32, #tpu.memory_space<hbm>> -> memref<1x128xf32, #tpu.memory_space<hbm>>
      tpu.enqueue_dma source(%dma_start3A_206 : memref<1x128xf32, #tpu.memory_space<hbm>>) target(%dma_start3A_204 : memref<1x128xf32, #tpu.memory_space<vmem>>) target_semaphore(%arg16 : memref<!tpu.dma_semaphore, #tpu.memory_space<semaphore_mem>>)
      %slice3A_207 = vector.extract_strided_slice %get3A_83 {offsets = [9], sizes = [1], strides = [1]} : vector<16xi32> to vector<1xi32>
      %squeeze3A_208 = vector.extract %slice3A_207[0] : i32 from vector<1xi32>
      %mul3A_209 = arith.constant 16 : i32
      %mul3A_210 = arith.muli %scan3A_77, %mul3A_209 : i32
      %add3A_211 = arith.constant 9 : i32
      %add3A_212 = arith.addi %mul3A_210, %add3A_211 : i32
      %dma_start3A_213 = arith.constant 0 : i32
      %dma_start3A_214 = tpu.memref_slice %arg13[%add3A_212, %dma_start3A_213] : memref<256x128xf32, #tpu.memory_space<vmem>> -> memref<1x128xf32, #tpu.memory_space<vmem>>
      %dma_start3A_215 = arith.constant 0 : i32
      %dma_start3A_216 = tpu.memref_slice %arg5[%squeeze3A_208, %dma_start3A_215] : memref<507904x128xf32, #tpu.memory_space<hbm>> -> memref<1x128xf32, #tpu.memory_space<hbm>>
      %dma_start3A_217 = arith.constant 0 : i32
      %dma_start3A_218 = tpu.memref_slice %arg13[%add3A_212, %dma_start3A_217] : memref<256x128xf32, #tpu.memory_space<vmem>> -> memref<1x128xf32, #tpu.memory_space<vmem>>
      %dma_start3A_219 = arith.constant 0 : i32
      %dma_start3A_220 = tpu.memref_slice %arg5[%squeeze3A_208, %dma_start3A_219] : memref<507904x128xf32, #tpu.memory_space<hbm>> -> memref<1x128xf32, #tpu.memory_space<hbm>>
      tpu.enqueue_dma source(%dma_start3A_220 : memref<1x128xf32, #tpu.memory_space<hbm>>) target(%dma_start3A_218 : memref<1x128xf32, #tpu.memory_space<vmem>>) target_semaphore(%arg16 : memref<!tpu.dma_semaphore, #tpu.memory_space<semaphore_mem>>)
      %slice3A_221 = vector.extract_strided_slice %get3A_83 {offsets = [10], sizes = [1], strides = [1]} : vector<16xi32> to vector<1xi32>
      %squeeze3A_222 = vector.extract %slice3A_221[0] : i32 from vector<1xi32>
      %mul3A_223 = arith.constant 16 : i32
      %mul3A_224 = arith.muli %scan3A_77, %mul3A_223 : i32
      %add3A_225 = arith.constant 10 : i32
      %add3A_226 = arith.addi %mul3A_224, %add3A_225 : i32
      %dma_start3A_227 = arith.constant 0 : i32
      %dma_start3A_228 = tpu.memref_slice %arg13[%add3A_226, %dma_start3A_227] : memref<256x128xf32, #tpu.memory_space<vmem>> -> memref<1x128xf32, #tpu.memory_space<vmem>>
      %dma_start3A_229 = arith.constant 0 : i32
      %dma_start3A_230 = tpu.memref_slice %arg5[%squeeze3A_222, %dma_start3A_229] : memref<507904x128xf32, #tpu.memory_space<hbm>> -> memref<1x128xf32, #tpu.memory_space<hbm>>
      %dma_start3A_231 = arith.constant 0 : i32
      %dma_start3A_232 = tpu.memref_slice %arg13[%add3A_226, %dma_start3A_231] : memref<256x128xf32, #tpu.memory_space<vmem>> -> memref<1x128xf32, #tpu.memory_space<vmem>>
      %dma_start3A_233 = arith.constant 0 : i32
      %dma_start3A_234 = tpu.memref_slice %arg5[%squeeze3A_222, %dma_start3A_233] : memref<507904x128xf32, #tpu.memory_space<hbm>> -> memref<1x128xf32, #tpu.memory_space<hbm>>
      tpu.enqueue_dma source(%dma_start3A_234 : memref<1x128xf32, #tpu.memory_space<hbm>>) target(%dma_start3A_232 : memref<1x128xf32, #tpu.memory_space<vmem>>) target_semaphore(%arg16 : memref<!tpu.dma_semaphore, #tpu.memory_space<semaphore_mem>>)
      %slice3A_235 = vector.extract_strided_slice %get3A_83 {offsets = [11], sizes = [1], strides = [1]} : vector<16xi32> to vector<1xi32>
      %squeeze3A_236 = vector.extract %slice3A_235[0] : i32 from vector<1xi32>
      %mul3A_237 = arith.constant 16 : i32
      %mul3A_238 = arith.muli %scan3A_77, %mul3A_237 : i32
      %add3A_239 = arith.constant 11 : i32
      %add3A_240 = arith.addi %mul3A_238, %add3A_239 : i32
      %dma_start3A_241 = arith.constant 0 : i32
      %dma_start3A_242 = tpu.memref_slice %arg13[%add3A_240, %dma_start3A_241] : memref<256x128xf32, #tpu.memory_space<vmem>> -> memref<1x128xf32, #tpu.memory_space<vmem>>
      %dma_start3A_243 = arith.constant 0 : i32
      %dma_start3A_244 = tpu.memref_slice %arg5[%squeeze3A_236, %dma_start3A_243] : memref<507904x128xf32, #tpu.memory_space<hbm>> -> memref<1x128xf32, #tpu.memory_space<hbm>>
      %dma_start3A_245 = arith.constant 0 : i32
      %dma_start3A_246 = tpu.memref_slice %arg13[%add3A_240, %dma_start3A_245] : memref<256x128xf32, #tpu.memory_space<vmem>> -> memref<1x128xf32, #tpu.memory_space<vmem>>
      %dma_start3A_247 = arith.constant 0 : i32
      %dma_start3A_248 = tpu.memref_slice %arg5[%squeeze3A_236, %dma_start3A_247] : memref<507904x128xf32, #tpu.memory_space<hbm>> -> memref<1x128xf32, #tpu.memory_space<hbm>>
      tpu.enqueue_dma source(%dma_start3A_248 : memref<1x128xf32, #tpu.memory_space<hbm>>) target(%dma_start3A_246 : memref<1x128xf32, #tpu.memory_space<vmem>>) target_semaphore(%arg16 : memref<!tpu.dma_semaphore, #tpu.memory_space<semaphore_mem>>)
      %slice3A_249 = vector.extract_strided_slice %get3A_83 {offsets = [12], sizes = [1], strides = [1]} : vector<16xi32> to vector<1xi32>
      %squeeze3A_250 = vector.extract %slice3A_249[0] : i32 from vector<1xi32>
      %mul3A_251 = arith.constant 16 : i32
      %mul3A_252 = arith.muli %scan3A_77, %mul3A_251 : i32
      %add3A_253 = arith.constant 12 : i32
      %add3A_254 = arith.addi %mul3A_252, %add3A_253 : i32
      %dma_start3A_255 = arith.constant 0 : i32
      %dma_start3A_256 = tpu.memref_slice %arg13[%add3A_254, %dma_start3A_255] : memref<256x128xf32, #tpu.memory_space<vmem>> -> memref<1x128xf32, #tpu.memory_space<vmem>>
      %dma_start3A_257 = arith.constant 0 : i32
      %dma_start3A_258 = tpu.memref_slice %arg5[%squeeze3A_250, %dma_start3A_257] : memref<507904x128xf32, #tpu.memory_space<hbm>> -> memref<1x128xf32, #tpu.memory_space<hbm>>
      %dma_start3A_259 = arith.constant 0 : i32
      %dma_start3A_260 = tpu.memref_slice %arg13[%add3A_254, %dma_start3A_259] : memref<256x128xf32, #tpu.memory_space<vmem>> -> memref<1x128xf32, #tpu.memory_space<vmem>>
      %dma_start3A_261 = arith.constant 0 : i32
      %dma_start3A_262 = tpu.memref_slice %arg5[%squeeze3A_250, %dma_start3A_261] : memref<507904x128xf32, #tpu.memory_space<hbm>> -> memref<1x128xf32, #tpu.memory_space<hbm>>
      tpu.enqueue_dma source(%dma_start3A_262 : memref<1x128xf32, #tpu.memory_space<hbm>>) target(%dma_start3A_260 : memref<1x128xf32, #tpu.memory_space<vmem>>) target_semaphore(%arg16 : memref<!tpu.dma_semaphore, #tpu.memory_space<semaphore_mem>>)
      %slice3A_263 = vector.extract_strided_slice %get3A_83 {offsets = [13], sizes = [1], strides = [1]} : vector<16xi32> to vector<1xi32>
      %squeeze3A_264 = vector.extract %slice3A_263[0] : i32 from vector<1xi32>
      %mul3A_265 = arith.constant 16 : i32
      %mul3A_266 = arith.muli %scan3A_77, %mul3A_265 : i32
      %add3A_267 = arith.constant 13 : i32
      %add3A_268 = arith.addi %mul3A_266, %add3A_267 : i32
      %dma_start3A_269 = arith.constant 0 : i32
      %dma_start3A_270 = tpu.memref_slice %arg13[%add3A_268, %dma_start3A_269] : memref<256x128xf32, #tpu.memory_space<vmem>> -> memref<1x128xf32, #tpu.memory_space<vmem>>
      %dma_start3A_271 = arith.constant 0 : i32
      %dma_start3A_272 = tpu.memref_slice %arg5[%squeeze3A_264, %dma_start3A_271] : memref<507904x128xf32, #tpu.memory_space<hbm>> -> memref<1x128xf32, #tpu.memory_space<hbm>>
      %dma_start3A_273 = arith.constant 0 : i32
      %dma_start3A_274 = tpu.memref_slice %arg13[%add3A_268, %dma_start3A_273] : memref<256x128xf32, #tpu.memory_space<vmem>> -> memref<1x128xf32, #tpu.memory_space<vmem>>
      %dma_start3A_275 = arith.constant 0 : i32
      %dma_start3A_276 = tpu.memref_slice %arg5[%squeeze3A_264, %dma_start3A_275] : memref<507904x128xf32, #tpu.memory_space<hbm>> -> memref<1x128xf32, #tpu.memory_space<hbm>>
      tpu.enqueue_dma source(%dma_start3A_276 : memref<1x128xf32, #tpu.memory_space<hbm>>) target(%dma_start3A_274 : memref<1x128xf32, #tpu.memory_space<vmem>>) target_semaphore(%arg16 : memref<!tpu.dma_semaphore, #tpu.memory_space<semaphore_mem>>)
      %slice3A_277 = vector.extract_strided_slice %get3A_83 {offsets = [14], sizes = [1], strides = [1]} : vector<16xi32> to vector<1xi32>
      %squeeze3A_278 = vector.extract %slice3A_277[0] : i32 from vector<1xi32>
      %mul3A_279 = arith.constant 16 : i32
      %mul3A_280 = arith.muli %scan3A_77, %mul3A_279 : i32
      %add3A_281 = arith.constant 14 : i32
      %add3A_282 = arith.addi %mul3A_280, %add3A_281 : i32
      %dma_start3A_283 = arith.constant 0 : i32
      %dma_start3A_284 = tpu.memref_slice %arg13[%add3A_282, %dma_start3A_283] : memref<256x128xf32, #tpu.memory_space<vmem>> -> memref<1x128xf32, #tpu.memory_space<vmem>>
      %dma_start3A_285 = arith.constant 0 : i32
      %dma_start3A_286 = tpu.memref_slice %arg5[%squeeze3A_278, %dma_start3A_285] : memref<507904x128xf32, #tpu.memory_space<hbm>> -> memref<1x128xf32, #tpu.memory_space<hbm>>
      %dma_start3A_287 = arith.constant 0 : i32
      %dma_start3A_288 = tpu.memref_slice %arg13[%add3A_282, %dma_start3A_287] : memref<256x128xf32, #tpu.memory_space<vmem>> -> memref<1x128xf32, #tpu.memory_space<vmem>>
      %dma_start3A_289 = arith.constant 0 : i32
      %dma_start3A_290 = tpu.memref_slice %arg5[%squeeze3A_278, %dma_start3A_289] : memref<507904x128xf32, #tpu.memory_space<hbm>> -> memref<1x128xf32, #tpu.memory_space<hbm>>
      tpu.enqueue_dma source(%dma_start3A_290 : memref<1x128xf32, #tpu.memory_space<hbm>>) target(%dma_start3A_288 : memref<1x128xf32, #tpu.memory_space<vmem>>) target_semaphore(%arg16 : memref<!tpu.dma_semaphore, #tpu.memory_space<semaphore_mem>>)
      %slice3A_291 = vector.extract_strided_slice %get3A_83 {offsets = [15], sizes = [1], strides = [1]} : vector<16xi32> to vector<1xi32>
      %squeeze3A_292 = vector.extract %slice3A_291[0] : i32 from vector<1xi32>
      %mul3A_293 = arith.constant 16 : i32
      %mul3A_294 = arith.muli %scan3A_77, %mul3A_293 : i32
      %add3A_295 = arith.constant 15 : i32
      %add3A_296 = arith.addi %mul3A_294, %add3A_295 : i32
      %dma_start3A_297 = arith.constant 0 : i32
      %dma_start3A_298 = tpu.memref_slice %arg13[%add3A_296, %dma_start3A_297] : memref<256x128xf32, #tpu.memory_space<vmem>> -> memref<1x128xf32, #tpu.memory_space<vmem>>
      %dma_start3A_299 = arith.constant 0 : i32
      %dma_start3A_300 = tpu.memref_slice %arg5[%squeeze3A_292, %dma_start3A_299] : memref<507904x128xf32, #tpu.memory_space<hbm>> -> memref<1x128xf32, #tpu.memory_space<hbm>>
      %dma_start3A_301 = arith.constant 0 : i32
      %dma_start3A_302 = tpu.memref_slice %arg13[%add3A_296, %dma_start3A_301] : memref<256x128xf32, #tpu.memory_space<vmem>> -> memref<1x128xf32, #tpu.memory_space<vmem>>
      %dma_start3A_303 = arith.constant 0 : i32
      %dma_start3A_304 = tpu.memref_slice %arg5[%squeeze3A_292, %dma_start3A_303] : memref<507904x128xf32, #tpu.memory_space<hbm>> -> memref<1x128xf32, #tpu.memory_space<hbm>>
      tpu.enqueue_dma source(%dma_start3A_304 : memref<1x128xf32, #tpu.memory_space<hbm>>) target(%dma_start3A_302 : memref<1x128xf32, #tpu.memory_space<vmem>>) target_semaphore(%arg16 : memref<!tpu.dma_semaphore, #tpu.memory_space<semaphore_mem>>)
    }
    %scan3A_44 = arith.constant 16 : i32
    %scan3A_45 = arith.constant 0 : i32
    %scan3A_46 = arith.constant 0 : i32
    %scan3A_47 = arith.constant 16 : i32
    %scan3A_48 = arith.addi %scan3A_46, %scan3A_47 : i32
    %scan3A_49 = arith.constant 1 : i32
    scf.for %scan3A_77 = %scan3A_46 to %scan3A_48 step %scan3A_49  : i32 {
      %mul3A_78 = arith.constant 16 : i32
      %mul3A_79 = arith.muli %scan3A_77, %mul3A_78 : i32
      %add3A_80 = arith.constant 256 : i32
      %add3A_81 = arith.addi %add3A_80, %mul3A_79 : i32
      %get3A = arith.index_cast %add3A_81 : i32 to index
      %get3A_82 = tpu.vector_load %arg12[%get3A] {strides = array<i32>} : memref<512xi32, #tpu.memory_space<vmem>>, vector<16xi32>,
      %get3A_83 = vector.shape_cast %get3A_82 : vector<16xi32> to vector<16xi32>
      %slice3A = vector.extract_strided_slice %get3A_83 {offsets = [0], sizes = [1], strides = [1]} : vector<16xi32> to vector<1xi32>
      %squeeze3A = vector.extract %slice3A[0] : i32 from vector<1xi32>
      %mul3A_84 = arith.constant 16 : i32
      %mul3A_85 = arith.muli %scan3A_77, %mul3A_84 : i32
      %add3A_86 = arith.constant 0 : i32
      %add3A_87 = arith.addi %mul3A_85, %add3A_86 : i32
      %dma_start3A = arith.constant 0 : i32
      %dma_start3A_88 = tpu.memref_slice %arg15[%add3A_87, %dma_start3A] : memref<256x128xf32, #tpu.memory_space<vmem>> -> memref<1x128xf32, #tpu.memory_space<vmem>>
      %dma_start3A_89 = arith.constant 0 : i32
      %dma_start3A_90 = tpu.memref_slice %arg5[%squeeze3A, %dma_start3A_89] : memref<507904x128xf32, #tpu.memory_space<hbm>> -> memref<1x128xf32, #tpu.memory_space<hbm>>
      %dma_start3A_91 = arith.constant 0 : i32
      %dma_start3A_92 = tpu.memref_slice %arg15[%add3A_87, %dma_start3A_91] : memref<256x128xf32, #tpu.memory_space<vmem>> -> memref<1x128xf32, #tpu.memory_space<vmem>>
      %dma_start3A_93 = arith.constant 0 : i32
      %dma_start3A_94 = tpu.memref_slice %arg5[%squeeze3A, %dma_start3A_93] : memref<507904x128xf32, #tpu.memory_space<hbm>> -> memref<1x128xf32, #tpu.memory_space<hbm>>
      tpu.enqueue_dma source(%dma_start3A_94 : memref<1x128xf32, #tpu.memory_space<hbm>>) target(%dma_start3A_92 : memref<1x128xf32, #tpu.memory_space<vmem>>) target_semaphore(%arg18 : memref<!tpu.dma_semaphore, #tpu.memory_space<semaphore_mem>>)
      %slice3A_95 = vector.extract_strided_slice %get3A_83 {offsets = [1], sizes = [1], strides = [1]} : vector<16xi32> to vector<1xi32>
      %squeeze3A_96 = vector.extract %slice3A_95[0] : i32 from vector<1xi32>
      %mul3A_97 = arith.constant 16 : i32
      %mul3A_98 = arith.muli %scan3A_77, %mul3A_97 : i32
      %add3A_99 = arith.constant 1 : i32
      %add3A_100 = arith.addi %mul3A_98, %add3A_99 : i32
      %dma_start3A_101 = arith.constant 0 : i32
      %dma_start3A_102 = tpu.memref_slice %arg15[%add3A_100, %dma_start3A_101] : memref<256x128xf32, #tpu.memory_space<vmem>> -> memref<1x128xf32, #tpu.memory_space<vmem>>
      %dma_start3A_103 = arith.constant 0 : i32
      %dma_start3A_104 = tpu.memref_slice %arg5[%squeeze3A_96, %dma_start3A_103] : memref<507904x128xf32, #tpu.memory_space<hbm>> -> memref<1x128xf32, #tpu.memory_space<hbm>>
      %dma_start3A_105 = arith.constant 0 : i32
      %dma_start3A_106 = tpu.memref_slice %arg15[%add3A_100, %dma_start3A_105] : memref<256x128xf32, #tpu.memory_space<vmem>> -> memref<1x128xf32, #tpu.memory_space<vmem>>
      %dma_start3A_107 = arith.constant 0 : i32
      %dma_start3A_108 = tpu.memref_slice %arg5[%squeeze3A_96, %dma_start3A_107] : memref<507904x128xf32, #tpu.memory_space<hbm>> -> memref<1x128xf32, #tpu.memory_space<hbm>>
      tpu.enqueue_dma source(%dma_start3A_108 : memref<1x128xf32, #tpu.memory_space<hbm>>) target(%dma_start3A_106 : memref<1x128xf32, #tpu.memory_space<vmem>>) target_semaphore(%arg18 : memref<!tpu.dma_semaphore, #tpu.memory_space<semaphore_mem>>)
      %slice3A_109 = vector.extract_strided_slice %get3A_83 {offsets = [2], sizes = [1], strides = [1]} : vector<16xi32> to vector<1xi32>
      %squeeze3A_110 = vector.extract %slice3A_109[0] : i32 from vector<1xi32>
      %mul3A_111 = arith.constant 16 : i32
      %mul3A_112 = arith.muli %scan3A_77, %mul3A_111 : i32
      %add3A_113 = arith.constant 2 : i32
      %add3A_114 = arith.addi %mul3A_112, %add3A_113 : i32
      %dma_start3A_115 = arith.constant 0 : i32
      %dma_start3A_116 = tpu.memref_slice %arg15[%add3A_114, %dma_start3A_115] : memref<256x128xf32, #tpu.memory_space<vmem>> -> memref<1x128xf32, #tpu.memory_space<vmem>>
      %dma_start3A_117 = arith.constant 0 : i32
      %dma_start3A_118 = tpu.memref_slice %arg5[%squeeze3A_110, %dma_start3A_117] : memref<507904x128xf32, #tpu.memory_space<hbm>> -> memref<1x128xf32, #tpu.memory_space<hbm>>
      %dma_start3A_119 = arith.constant 0 : i32
      %dma_start3A_120 = tpu.memref_slice %arg15[%add3A_114, %dma_start3A_119] : memref<256x128xf32, #tpu.memory_space<vmem>> -> memref<1x128xf32, #tpu.memory_space<vmem>>
      %dma_start3A_121 = arith.constant 0 : i32
      %dma_start3A_122 = tpu.memref_slice %arg5[%squeeze3A_110, %dma_start3A_121] : memref<507904x128xf32, #tpu.memory_space<hbm>> -> memref<1x128xf32, #tpu.memory_space<hbm>>
      tpu.enqueue_dma source(%dma_start3A_122 : memref<1x128xf32, #tpu.memory_space<hbm>>) target(%dma_start3A_120 : memref<1x128xf32, #tpu.memory_space<vmem>>) target_semaphore(%arg18 : memref<!tpu.dma_semaphore, #tpu.memory_space<semaphore_mem>>)
      %slice3A_123 = vector.extract_strided_slice %get3A_83 {offsets = [3], sizes = [1], strides = [1]} : vector<16xi32> to vector<1xi32>
      %squeeze3A_124 = vector.extract %slice3A_123[0] : i32 from vector<1xi32>
      %mul3A_125 = arith.constant 16 : i32
      %mul3A_126 = arith.muli %scan3A_77, %mul3A_125 : i32
      %add3A_127 = arith.constant 3 : i32
      %add3A_128 = arith.addi %mul3A_126, %add3A_127 : i32
      %dma_start3A_129 = arith.constant 0 : i32
      %dma_start3A_130 = tpu.memref_slice %arg15[%add3A_128, %dma_start3A_129] : memref<256x128xf32, #tpu.memory_space<vmem>> -> memref<1x128xf32, #tpu.memory_space<vmem>>
      %dma_start3A_131 = arith.constant 0 : i32
      %dma_start3A_132 = tpu.memref_slice %arg5[%squeeze3A_124, %dma_start3A_131] : memref<507904x128xf32, #tpu.memory_space<hbm>> -> memref<1x128xf32, #tpu.memory_space<hbm>>
      %dma_start3A_133 = arith.constant 0 : i32
      %dma_start3A_134 = tpu.memref_slice %arg15[%add3A_128, %dma_start3A_133] : memref<256x128xf32, #tpu.memory_space<vmem>> -> memref<1x128xf32, #tpu.memory_space<vmem>>
      %dma_start3A_135 = arith.constant 0 : i32
      %dma_start3A_136 = tpu.memref_slice %arg5[%squeeze3A_124, %dma_start3A_135] : memref<507904x128xf32, #tpu.memory_space<hbm>> -> memref<1x128xf32, #tpu.memory_space<hbm>>
      tpu.enqueue_dma source(%dma_start3A_136 : memref<1x128xf32, #tpu.memory_space<hbm>>) target(%dma_start3A_134 : memref<1x128xf32, #tpu.memory_space<vmem>>) target_semaphore(%arg18 : memref<!tpu.dma_semaphore, #tpu.memory_space<semaphore_mem>>)
      %slice3A_137 = vector.extract_strided_slice %get3A_83 {offsets = [4], sizes = [1], strides = [1]} : vector<16xi32> to vector<1xi32>
      %squeeze3A_138 = vector.extract %slice3A_137[0] : i32 from vector<1xi32>
      %mul3A_139 = arith.constant 16 : i32
      %mul3A_140 = arith.muli %scan3A_77, %mul3A_139 : i32
      %add3A_141 = arith.constant 4 : i32
      %add3A_142 = arith.addi %mul3A_140, %add3A_141 : i32
      %dma_start3A_143 = arith.constant 0 : i32
      %dma_start3A_144 = tpu.memref_slice %arg15[%add3A_142, %dma_start3A_143] : memref<256x128xf32, #tpu.memory_space<vmem>> -> memref<1x128xf32, #tpu.memory_space<vmem>>
      %dma_start3A_145 = arith.constant 0 : i32
      %dma_start3A_146 = tpu.memref_slice %arg5[%squeeze3A_138, %dma_start3A_145] : memref<507904x128xf32, #tpu.memory_space<hbm>> -> memref<1x128xf32, #tpu.memory_space<hbm>>
      %dma_start3A_147 = arith.constant 0 : i32
      %dma_start3A_148 = tpu.memref_slice %arg15[%add3A_142, %dma_start3A_147] : memref<256x128xf32, #tpu.memory_space<vmem>> -> memref<1x128xf32, #tpu.memory_space<vmem>>
      %dma_start3A_149 = arith.constant 0 : i32
      %dma_start3A_150 = tpu.memref_slice %arg5[%squeeze3A_138, %dma_start3A_149] : memref<507904x128xf32, #tpu.memory_space<hbm>> -> memref<1x128xf32, #tpu.memory_space<hbm>>
      tpu.enqueue_dma source(%dma_start3A_150 : memref<1x128xf32, #tpu.memory_space<hbm>>) target(%dma_start3A_148 : memref<1x128xf32, #tpu.memory_space<vmem>>) target_semaphore(%arg18 : memref<!tpu.dma_semaphore, #tpu.memory_space<semaphore_mem>>)
      %slice3A_151 = vector.extract_strided_slice %get3A_83 {offsets = [5], sizes = [1], strides = [1]} : vector<16xi32> to vector<1xi32>
      %squeeze3A_152 = vector.extract %slice3A_151[0] : i32 from vector<1xi32>
      %mul3A_153 = arith.constant 16 : i32
      %mul3A_154 = arith.muli %scan3A_77, %mul3A_153 : i32
      %add3A_155 = arith.constant 5 : i32
      %add3A_156 = arith.addi %mul3A_154, %add3A_155 : i32
      %dma_start3A_157 = arith.constant 0 : i32
      %dma_start3A_158 = tpu.memref_slice %arg15[%add3A_156, %dma_start3A_157] : memref<256x128xf32, #tpu.memory_space<vmem>> -> memref<1x128xf32, #tpu.memory_space<vmem>>
      %dma_start3A_159 = arith.constant 0 : i32
      %dma_start3A_160 = tpu.memref_slice %arg5[%squeeze3A_152, %dma_start3A_159] : memref<507904x128xf32, #tpu.memory_space<hbm>> -> memref<1x128xf32, #tpu.memory_space<hbm>>
      %dma_start3A_161 = arith.constant 0 : i32
      %dma_start3A_162 = tpu.memref_slice %arg15[%add3A_156, %dma_start3A_161] : memref<256x128xf32, #tpu.memory_space<vmem>> -> memref<1x128xf32, #tpu.memory_space<vmem>>
      %dma_start3A_163 = arith.constant 0 : i32
      %dma_start3A_164 = tpu.memref_slice %arg5[%squeeze3A_152, %dma_start3A_163] : memref<507904x128xf32, #tpu.memory_space<hbm>> -> memref<1x128xf32, #tpu.memory_space<hbm>>
      tpu.enqueue_dma source(%dma_start3A_164 : memref<1x128xf32, #tpu.memory_space<hbm>>) target(%dma_start3A_162 : memref<1x128xf32, #tpu.memory_space<vmem>>) target_semaphore(%arg18 : memref<!tpu.dma_semaphore, #tpu.memory_space<semaphore_mem>>)
      %slice3A_165 = vector.extract_strided_slice %get3A_83 {offsets = [6], sizes = [1], strides = [1]} : vector<16xi32> to vector<1xi32>
      %squeeze3A_166 = vector.extract %slice3A_165[0] : i32 from vector<1xi32>
      %mul3A_167 = arith.constant 16 : i32
      %mul3A_168 = arith.muli %scan3A_77, %mul3A_167 : i32
      %add3A_169 = arith.constant 6 : i32
      %add3A_170 = arith.addi %mul3A_168, %add3A_169 : i32
      %dma_start3A_171 = arith.constant 0 : i32
      %dma_start3A_172 = tpu.memref_slice %arg15[%add3A_170, %dma_start3A_171] : memref<256x128xf32, #tpu.memory_space<vmem>> -> memref<1x128xf32, #tpu.memory_space<vmem>>
      %dma_start3A_173 = arith.constant 0 : i32
      %dma_start3A_174 = tpu.memref_slice %arg5[%squeeze3A_166, %dma_start3A_173] : memref<507904x128xf32, #tpu.memory_space<hbm>> -> memref<1x128xf32, #tpu.memory_space<hbm>>
      %dma_start3A_175 = arith.constant 0 : i32
      %dma_start3A_176 = tpu.memref_slice %arg15[%add3A_170, %dma_start3A_175] : memref<256x128xf32, #tpu.memory_space<vmem>> -> memref<1x128xf32, #tpu.memory_space<vmem>>
      %dma_start3A_177 = arith.constant 0 : i32
      %dma_start3A_178 = tpu.memref_slice %arg5[%squeeze3A_166, %dma_start3A_177] : memref<507904x128xf32, #tpu.memory_space<hbm>> -> memref<1x128xf32, #tpu.memory_space<hbm>>
      tpu.enqueue_dma source(%dma_start3A_178 : memref<1x128xf32, #tpu.memory_space<hbm>>) target(%dma_start3A_176 : memref<1x128xf32, #tpu.memory_space<vmem>>) target_semaphore(%arg18 : memref<!tpu.dma_semaphore, #tpu.memory_space<semaphore_mem>>)
      %slice3A_179 = vector.extract_strided_slice %get3A_83 {offsets = [7], sizes = [1], strides = [1]} : vector<16xi32> to vector<1xi32>
      %squeeze3A_180 = vector.extract %slice3A_179[0] : i32 from vector<1xi32>
      %mul3A_181 = arith.constant 16 : i32
      %mul3A_182 = arith.muli %scan3A_77, %mul3A_181 : i32
      %add3A_183 = arith.constant 7 : i32
      %add3A_184 = arith.addi %mul3A_182, %add3A_183 : i32
      %dma_start3A_185 = arith.constant 0 : i32
      %dma_start3A_186 = tpu.memref_slice %arg15[%add3A_184, %dma_start3A_185] : memref<256x128xf32, #tpu.memory_space<vmem>> -> memref<1x128xf32, #tpu.memory_space<vmem>>
      %dma_start3A_187 = arith.constant 0 : i32
      %dma_start3A_188 = tpu.memref_slice %arg5[%squeeze3A_180, %dma_start3A_187] : memref<507904x128xf32, #tpu.memory_space<hbm>> -> memref<1x128xf32, #tpu.memory_space<hbm>>
      %dma_start3A_189 = arith.constant 0 : i32
      %dma_start3A_190 = tpu.memref_slice %arg15[%add3A_184, %dma_start3A_189] : memref<256x128xf32, #tpu.memory_space<vmem>> -> memref<1x128xf32, #tpu.memory_space<vmem>>
      %dma_start3A_191 = arith.constant 0 : i32
      %dma_start3A_192 = tpu.memref_slice %arg5[%squeeze3A_180, %dma_start3A_191] : memref<507904x128xf32, #tpu.memory_space<hbm>> -> memref<1x128xf32, #tpu.memory_space<hbm>>
      tpu.enqueue_dma source(%dma_start3A_192 : memref<1x128xf32, #tpu.memory_space<hbm>>) target(%dma_start3A_190 : memref<1x128xf32, #tpu.memory_space<vmem>>) target_semaphore(%arg18 : memref<!tpu.dma_semaphore, #tpu.memory_space<semaphore_mem>>)
      %slice3A_193 = vector.extract_strided_slice %get3A_83 {offsets = [8], sizes = [1], strides = [1]} : vector<16xi32> to vector<1xi32>
      %squeeze3A_194 = vector.extract %slice3A_193[0] : i32 from vector<1xi32>
      %mul3A_195 = arith.constant 16 : i32
      %mul3A_196 = arith.muli %scan3A_77, %mul3A_195 : i32
      %add3A_197 = arith.constant 8 : i32
      %add3A_198 = arith.addi %mul3A_196, %add3A_197 : i32
      %dma_start3A_199 = arith.constant 0 : i32
      %dma_start3A_200 = tpu.memref_slice %arg15[%add3A_198, %dma_start3A_199] : memref<256x128xf32, #tpu.memory_space<vmem>> -> memref<1x128xf32, #tpu.memory_space<vmem>>
      %dma_start3A_201 = arith.constant 0 : i32
      %dma_start3A_202 = tpu.memref_slice %arg5[%squeeze3A_194, %dma_start3A_201] : memref<507904x128xf32, #tpu.memory_space<hbm>> -> memref<1x128xf32, #tpu.memory_space<hbm>>
      %dma_start3A_203 = arith.constant 0 : i32
      %dma_start3A_204 = tpu.memref_slice %arg15[%add3A_198, %dma_start3A_203] : memref<256x128xf32, #tpu.memory_space<vmem>> -> memref<1x128xf32, #tpu.memory_space<vmem>>
      %dma_start3A_205 = arith.constant 0 : i32
      %dma_start3A_206 = tpu.memref_slice %arg5[%squeeze3A_194, %dma_start3A_205] : memref<507904x128xf32, #tpu.memory_space<hbm>> -> memref<1x128xf32, #tpu.memory_space<hbm>>
      tpu.enqueue_dma source(%dma_start3A_206 : memref<1x128xf32, #tpu.memory_space<hbm>>) target(%dma_start3A_204 : memref<1x128xf32, #tpu.memory_space<vmem>>) target_semaphore(%arg18 : memref<!tpu.dma_semaphore, #tpu.memory_space<semaphore_mem>>)
      %slice3A_207 = vector.extract_strided_slice %get3A_83 {offsets = [9], sizes = [1], strides = [1]} : vector<16xi32> to vector<1xi32>
      %squeeze3A_208 = vector.extract %slice3A_207[0] : i32 from vector<1xi32>
      %mul3A_209 = arith.constant 16 : i32
      %mul3A_210 = arith.muli %scan3A_77, %mul3A_209 : i32
      %add3A_211 = arith.constant 9 : i32
      %add3A_212 = arith.addi %mul3A_210, %add3A_211 : i32
      %dma_start3A_213 = arith.constant 0 : i32
      %dma_start3A_214 = tpu.memref_slice %arg15[%add3A_212, %dma_start3A_213] : memref<256x128xf32, #tpu.memory_space<vmem>> -> memref<1x128xf32, #tpu.memory_space<vmem>>
      %dma_start3A_215 = arith.constant 0 : i32
      %dma_start3A_216 = tpu.memref_slice %arg5[%squeeze3A_208, %dma_start3A_215] : memref<507904x128xf32, #tpu.memory_space<hbm>> -> memref<1x128xf32, #tpu.memory_space<hbm>>
      %dma_start3A_217 = arith.constant 0 : i32
      %dma_start3A_218 = tpu.memref_slice %arg15[%add3A_212, %dma_start3A_217] : memref<256x128xf32, #tpu.memory_space<vmem>> -> memref<1x128xf32, #tpu.memory_space<vmem>>
      %dma_start3A_219 = arith.constant 0 : i32
      %dma_start3A_220 = tpu.memref_slice %arg5[%squeeze3A_208, %dma_start3A_219] : memref<507904x128xf32, #tpu.memory_space<hbm>> -> memref<1x128xf32, #tpu.memory_space<hbm>>
      tpu.enqueue_dma source(%dma_start3A_220 : memref<1x128xf32, #tpu.memory_space<hbm>>) target(%dma_start3A_218 : memref<1x128xf32, #tpu.memory_space<vmem>>) target_semaphore(%arg18 : memref<!tpu.dma_semaphore, #tpu.memory_space<semaphore_mem>>)
      %slice3A_221 = vector.extract_strided_slice %get3A_83 {offsets = [10], sizes = [1], strides = [1]} : vector<16xi32> to vector<1xi32>
      %squeeze3A_222 = vector.extract %slice3A_221[0] : i32 from vector<1xi32>
      %mul3A_223 = arith.constant 16 : i32
      %mul3A_224 = arith.muli %scan3A_77, %mul3A_223 : i32
      %add3A_225 = arith.constant 10 : i32
      %add3A_226 = arith.addi %mul3A_224, %add3A_225 : i32
      %dma_start3A_227 = arith.constant 0 : i32
      %dma_start3A_228 = tpu.memref_slice %arg15[%add3A_226, %dma_start3A_227] : memref<256x128xf32, #tpu.memory_space<vmem>> -> memref<1x128xf32, #tpu.memory_space<vmem>>
      %dma_start3A_229 = arith.constant 0 : i32
      %dma_start3A_230 = tpu.memref_slice %arg5[%squeeze3A_222, %dma_start3A_229] : memref<507904x128xf32, #tpu.memory_space<hbm>> -> memref<1x128xf32, #tpu.memory_space<hbm>>
      %dma_start3A_231 = arith.constant 0 : i32
      %dma_start3A_232 = tpu.memref_slice %arg15[%add3A_226, %dma_start3A_231] : memref<256x128xf32, #tpu.memory_space<vmem>> -> memref<1x128xf32, #tpu.memory_space<vmem>>
      %dma_start3A_233 = arith.constant 0 : i32
      %dma_start3A_234 = tpu.memref_slice %arg5[%squeeze3A_222, %dma_start3A_233] : memref<507904x128xf32, #tpu.memory_space<hbm>> -> memref<1x128xf32, #tpu.memory_space<hbm>>
      tpu.enqueue_dma source(%dma_start3A_234 : memref<1x128xf32, #tpu.memory_space<hbm>>) target(%dma_start3A_232 : memref<1x128xf32, #tpu.memory_space<vmem>>) target_semaphore(%arg18 : memref<!tpu.dma_semaphore, #tpu.memory_space<semaphore_mem>>)
      %slice3A_235 = vector.extract_strided_slice %get3A_83 {offsets = [11], sizes = [1], strides = [1]} : vector<16xi32> to vector<1xi32>
      %squeeze3A_236 = vector.extract %slice3A_235[0] : i32 from vector<1xi32>
      %mul3A_237 = arith.constant 16 : i32
      %mul3A_238 = arith.muli %scan3A_77, %mul3A_237 : i32
      %add3A_239 = arith.constant 11 : i32
      %add3A_240 = arith.addi %mul3A_238, %add3A_239 : i32
      %dma_start3A_241 = arith.constant 0 : i32
      %dma_start3A_242 = tpu.memref_slice %arg15[%add3A_240, %dma_start3A_241] : memref<256x128xf32, #tpu.memory_space<vmem>> -> memref<1x128xf32, #tpu.memory_space<vmem>>
      %dma_start3A_243 = arith.constant 0 : i32
      %dma_start3A_244 = tpu.memref_slice %arg5[%squeeze3A_236, %dma_start3A_243] : memref<507904x128xf32, #tpu.memory_space<hbm>> -> memref<1x128xf32, #tpu.memory_space<hbm>>
      %dma_start3A_245 = arith.constant 0 : i32
      %dma_start3A_246 = tpu.memref_slice %arg15[%add3A_240, %dma_start3A_245] : memref<256x128xf32, #tpu.memory_space<vmem>> -> memref<1x128xf32, #tpu.memory_space<vmem>>
      %dma_start3A_247 = arith.constant 0 : i32
      %dma_start3A_248 = tpu.memref_slice %arg5[%squeeze3A_236, %dma_start3A_247] : memref<507904x128xf32, #tpu.memory_space<hbm>> -> memref<1x128xf32, #tpu.memory_space<hbm>>
      tpu.enqueue_dma source(%dma_start3A_248 : memref<1x128xf32, #tpu.memory_space<hbm>>) target(%dma_start3A_246 : memref<1x128xf32, #tpu.memory_space<vmem>>) target_semaphore(%arg18 : memref<!tpu.dma_semaphore, #tpu.memory_space<semaphore_mem>>)
      %slice3A_249 = vector.extract_strided_slice %get3A_83 {offsets = [12], sizes = [1], strides = [1]} : vector<16xi32> to vector<1xi32>
      %squeeze3A_250 = vector.extract %slice3A_249[0] : i32 from vector<1xi32>
      %mul3A_251 = arith.constant 16 : i32
      %mul3A_252 = arith.muli %scan3A_77, %mul3A_251 : i32
      %add3A_253 = arith.constant 12 : i32
      %add3A_254 = arith.addi %mul3A_252, %add3A_253 : i32
      %dma_start3A_255 = arith.constant 0 : i32
      %dma_start3A_256 = tpu.memref_slice %arg15[%add3A_254, %dma_start3A_255] : memref<256x128xf32, #tpu.memory_space<vmem>> -> memref<1x128xf32, #tpu.memory_space<vmem>>
      %dma_start3A_257 = arith.constant 0 : i32
      %dma_start3A_258 = tpu.memref_slice %arg5[%squeeze3A_250, %dma_start3A_257] : memref<507904x128xf32, #tpu.memory_space<hbm>> -> memref<1x128xf32, #tpu.memory_space<hbm>>
      %dma_start3A_259 = arith.constant 0 : i32
      %dma_start3A_260 = tpu.memref_slice %arg15[%add3A_254, %dma_start3A_259] : memref<256x128xf32, #tpu.memory_space<vmem>> -> memref<1x128xf32, #tpu.memory_space<vmem>>
      %dma_start3A_261 = arith.constant 0 : i32
      %dma_start3A_262 = tpu.memref_slice %arg5[%squeeze3A_250, %dma_start3A_261] : memref<507904x128xf32, #tpu.memory_space<hbm>> -> memref<1x128xf32, #tpu.memory_space<hbm>>
      tpu.enqueue_dma source(%dma_start3A_262 : memref<1x128xf32, #tpu.memory_space<hbm>>) target(%dma_start3A_260 : memref<1x128xf32, #tpu.memory_space<vmem>>) target_semaphore(%arg18 : memref<!tpu.dma_semaphore, #tpu.memory_space<semaphore_mem>>)
      %slice3A_263 = vector.extract_strided_slice %get3A_83 {offsets = [13], sizes = [1], strides = [1]} : vector<16xi32> to vector<1xi32>
      %squeeze3A_264 = vector.extract %slice3A_263[0] : i32 from vector<1xi32>
      %mul3A_265 = arith.constant 16 : i32
      %mul3A_266 = arith.muli %scan3A_77, %mul3A_265 : i32
      %add3A_267 = arith.constant 13 : i32
      %add3A_268 = arith.addi %mul3A_266, %add3A_267 : i32
      %dma_start3A_269 = arith.constant 0 : i32
      %dma_start3A_270 = tpu.memref_slice %arg15[%add3A_268, %dma_start3A_269] : memref<256x128xf32, #tpu.memory_space<vmem>> -> memref<1x128xf32, #tpu.memory_space<vmem>>
      %dma_start3A_271 = arith.constant 0 : i32
      %dma_start3A_272 = tpu.memref_slice %arg5[%squeeze3A_264, %dma_start3A_271] : memref<507904x128xf32, #tpu.memory_space<hbm>> -> memref<1x128xf32, #tpu.memory_space<hbm>>
      %dma_start3A_273 = arith.constant 0 : i32
      %dma_start3A_274 = tpu.memref_slice %arg15[%add3A_268, %dma_start3A_273] : memref<256x128xf32, #tpu.memory_space<vmem>> -> memref<1x128xf32, #tpu.memory_space<vmem>>
      %dma_start3A_275 = arith.constant 0 : i32
      %dma_start3A_276 = tpu.memref_slice %arg5[%squeeze3A_264, %dma_start3A_275] : memref<507904x128xf32, #tpu.memory_space<hbm>> -> memref<1x128xf32, #tpu.memory_space<hbm>>
      tpu.enqueue_dma source(%dma_start3A_276 : memref<1x128xf32, #tpu.memory_space<hbm>>) target(%dma_start3A_274 : memref<1x128xf32, #tpu.memory_space<vmem>>) target_semaphore(%arg18 : memref<!tpu.dma_semaphore, #tpu.memory_space<semaphore_mem>>)
      %slice3A_277 = vector.extract_strided_slice %get3A_83 {offsets = [14], sizes = [1], strides = [1]} : vector<16xi32> to vector<1xi32>
      %squeeze3A_278 = vector.extract %slice3A_277[0] : i32 from vector<1xi32>
      %mul3A_279 = arith.constant 16 : i32
      %mul3A_280 = arith.muli %scan3A_77, %mul3A_279 : i32
      %add3A_281 = arith.constant 14 : i32
      %add3A_282 = arith.addi %mul3A_280, %add3A_281 : i32
      %dma_start3A_283 = arith.constant 0 : i32
      %dma_start3A_284 = tpu.memref_slice %arg15[%add3A_282, %dma_start3A_283] : memref<256x128xf32, #tpu.memory_space<vmem>> -> memref<1x128xf32, #tpu.memory_space<vmem>>
      %dma_start3A_285 = arith.constant 0 : i32
      %dma_start3A_286 = tpu.memref_slice %arg5[%squeeze3A_278, %dma_start3A_285] : memref<507904x128xf32, #tpu.memory_space<hbm>> -> memref<1x128xf32, #tpu.memory_space<hbm>>
      %dma_start3A_287 = arith.constant 0 : i32
      %dma_start3A_288 = tpu.memref_slice %arg15[%add3A_282, %dma_start3A_287] : memref<256x128xf32, #tpu.memory_space<vmem>> -> memref<1x128xf32, #tpu.memory_space<vmem>>
      %dma_start3A_289 = arith.constant 0 : i32
      %dma_start3A_290 = tpu.memref_slice %arg5[%squeeze3A_278, %dma_start3A_289] : memref<507904x128xf32, #tpu.memory_space<hbm>> -> memref<1x128xf32, #tpu.memory_space<hbm>>
      tpu.enqueue_dma source(%dma_start3A_290 : memref<1x128xf32, #tpu.memory_space<hbm>>) target(%dma_start3A_288 : memref<1x128xf32, #tpu.memory_space<vmem>>) target_semaphore(%arg18 : memref<!tpu.dma_semaphore, #tpu.memory_space<semaphore_mem>>)
      %slice3A_291 = vector.extract_strided_slice %get3A_83 {offsets = [15], sizes = [1], strides = [1]} : vector<16xi32> to vector<1xi32>
      %squeeze3A_292 = vector.extract %slice3A_291[0] : i32 from vector<1xi32>
      %mul3A_293 = arith.constant 16 : i32
      %mul3A_294 = arith.muli %scan3A_77, %mul3A_293 : i32
      %add3A_295 = arith.constant 15 : i32
      %add3A_296 = arith.addi %mul3A_294, %add3A_295 : i32
      %dma_start3A_297 = arith.constant 0 : i32
      %dma_start3A_298 = tpu.memref_slice %arg15[%add3A_296, %dma_start3A_297] : memref<256x128xf32, #tpu.memory_space<vmem>> -> memref<1x128xf32, #tpu.memory_space<vmem>>
      %dma_start3A_299 = arith.constant 0 : i32
      %dma_start3A_300 = tpu.memref_slice %arg5[%squeeze3A_292, %dma_start3A_299] : memref<507904x128xf32, #tpu.memory_space<hbm>> -> memref<1x128xf32, #tpu.memory_space<hbm>>
      %dma_start3A_301 = arith.constant 0 : i32
      %dma_start3A_302 = tpu.memref_slice %arg15[%add3A_296, %dma_start3A_301] : memref<256x128xf32, #tpu.memory_space<vmem>> -> memref<1x128xf32, #tpu.memory_space<vmem>>
      %dma_start3A_303 = arith.constant 0 : i32
      %dma_start3A_304 = tpu.memref_slice %arg5[%squeeze3A_292, %dma_start3A_303] : memref<507904x128xf32, #tpu.memory_space<hbm>> -> memref<1x128xf32, #tpu.memory_space<hbm>>
      tpu.enqueue_dma source(%dma_start3A_304 : memref<1x128xf32, #tpu.memory_space<hbm>>) target(%dma_start3A_302 : memref<1x128xf32, #tpu.memory_space<vmem>>) target_semaphore(%arg18 : memref<!tpu.dma_semaphore, #tpu.memory_space<semaphore_mem>>)
    }
    %scan3A_50 = arith.constant 16 : i32
    %scan3A_51 = arith.constant 0 : i32
    %scan3A_52 = arith.constant 0 : i32
    %scan3A_53 = arith.constant 16 : i32
    %scan3A_54 = arith.addi %scan3A_52, %scan3A_53 : i32
    %scan3A_55 = arith.constant 1 : i32
    scf.for %scan3A_77 = %scan3A_52 to %scan3A_54 step %scan3A_55  : i32 {
      %mul3A_78 = arith.constant 16 : i32
      %mul3A_79 = arith.muli %scan3A_77, %mul3A_78 : i32
      %add3A_80 = arith.constant 256 : i32
      %add3A_81 = arith.addi %add3A_80, %mul3A_79 : i32
      %get3A = arith.index_cast %add3A_81 : i32 to index
      %get3A_82 = tpu.vector_load %arg11[%get3A] {strides = array<i32>} : memref<512xi32, #tpu.memory_space<vmem>>, vector<16xi32>,
      %get3A_83 = vector.shape_cast %get3A_82 : vector<16xi32> to vector<16xi32>
      %slice3A = vector.extract_strided_slice %get3A_83 {offsets = [0], sizes = [1], strides = [1]} : vector<16xi32> to vector<1xi32>
      %squeeze3A = vector.extract %slice3A[0] : i32 from vector<1xi32>
      %mul3A_84 = arith.constant 16 : i32
      %mul3A_85 = arith.muli %scan3A_77, %mul3A_84 : i32
      %add3A_86 = arith.constant 0 : i32
      %add3A_87 = arith.addi %mul3A_85, %add3A_86 : i32
      %dma_start3A = arith.constant 0 : i32
      %dma_start3A_88 = tpu.memref_slice %arg14[%add3A_87, %dma_start3A] : memref<256x64xf32, #tpu.memory_space<vmem>> -> memref<1x64xf32, #tpu.memory_space<vmem>>
      %dma_start3A_89 = arith.constant 0 : i32
      %dma_start3A_90 = tpu.memref_slice %arg6[%squeeze3A, %dma_start3A_89] : memref<1000x64xf32, #tpu.memory_space<hbm>> -> memref<1x64xf32, #tpu.memory_space<hbm>>
      %dma_start3A_91 = arith.constant 0 : i32
      %dma_start3A_92 = tpu.memref_slice %arg14[%add3A_87, %dma_start3A_91] : memref<256x64xf32, #tpu.memory_space<vmem>> -> memref<1x64xf32, #tpu.memory_space<vmem>>
      %dma_start3A_93 = arith.constant 0 : i32
      %dma_start3A_94 = tpu.memref_slice %arg6[%squeeze3A, %dma_start3A_93] : memref<1000x64xf32, #tpu.memory_space<hbm>> -> memref<1x64xf32, #tpu.memory_space<hbm>>
      tpu.enqueue_dma source(%dma_start3A_94 : memref<1x64xf32, #tpu.memory_space<hbm>>) target(%dma_start3A_92 : memref<1x64xf32, #tpu.memory_space<vmem>>) target_semaphore(%arg17 : memref<!tpu.dma_semaphore, #tpu.memory_space<semaphore_mem>>)
      %slice3A_95 = vector.extract_strided_slice %get3A_83 {offsets = [1], sizes = [1], strides = [1]} : vector<16xi32> to vector<1xi32>
      %squeeze3A_96 = vector.extract %slice3A_95[0] : i32 from vector<1xi32>
      %mul3A_97 = arith.constant 16 : i32
      %mul3A_98 = arith.muli %scan3A_77, %mul3A_97 : i32
      %add3A_99 = arith.constant 1 : i32
      %add3A_100 = arith.addi %mul3A_98, %add3A_99 : i32
      %dma_start3A_101 = arith.constant 0 : i32
      %dma_start3A_102 = tpu.memref_slice %arg14[%add3A_100, %dma_start3A_101] : memref<256x64xf32, #tpu.memory_space<vmem>> -> memref<1x64xf32, #tpu.memory_space<vmem>>
      %dma_start3A_103 = arith.constant 0 : i32
      %dma_start3A_104 = tpu.memref_slice %arg6[%squeeze3A_96, %dma_start3A_103] : memref<1000x64xf32, #tpu.memory_space<hbm>> -> memref<1x64xf32, #tpu.memory_space<hbm>>
      %dma_start3A_105 = arith.constant 0 : i32
      %dma_start3A_106 = tpu.memref_slice %arg14[%add3A_100, %dma_start3A_105] : memref<256x64xf32, #tpu.memory_space<vmem>> -> memref<1x64xf32, #tpu.memory_space<vmem>>
      %dma_start3A_107 = arith.constant 0 : i32
      %dma_start3A_108 = tpu.memref_slice %arg6[%squeeze3A_96, %dma_start3A_107] : memref<1000x64xf32, #tpu.memory_space<hbm>> -> memref<1x64xf32, #tpu.memory_space<hbm>>
      tpu.enqueue_dma source(%dma_start3A_108 : memref<1x64xf32, #tpu.memory_space<hbm>>) target(%dma_start3A_106 : memref<1x64xf32, #tpu.memory_space<vmem>>) target_semaphore(%arg17 : memref<!tpu.dma_semaphore, #tpu.memory_space<semaphore_mem>>)
      %slice3A_109 = vector.extract_strided_slice %get3A_83 {offsets = [2], sizes = [1], strides = [1]} : vector<16xi32> to vector<1xi32>
      %squeeze3A_110 = vector.extract %slice3A_109[0] : i32 from vector<1xi32>
      %mul3A_111 = arith.constant 16 : i32
      %mul3A_112 = arith.muli %scan3A_77, %mul3A_111 : i32
      %add3A_113 = arith.constant 2 : i32
      %add3A_114 = arith.addi %mul3A_112, %add3A_113 : i32
      %dma_start3A_115 = arith.constant 0 : i32
      %dma_start3A_116 = tpu.memref_slice %arg14[%add3A_114, %dma_start3A_115] : memref<256x64xf32, #tpu.memory_space<vmem>> -> memref<1x64xf32, #tpu.memory_space<vmem>>
      %dma_start3A_117 = arith.constant 0 : i32
      %dma_start3A_118 = tpu.memref_slice %arg6[%squeeze3A_110, %dma_start3A_117] : memref<1000x64xf32, #tpu.memory_space<hbm>> -> memref<1x64xf32, #tpu.memory_space<hbm>>
      %dma_start3A_119 = arith.constant 0 : i32
      %dma_start3A_120 = tpu.memref_slice %arg14[%add3A_114, %dma_start3A_119] : memref<256x64xf32, #tpu.memory_space<vmem>> -> memref<1x64xf32, #tpu.memory_space<vmem>>
      %dma_start3A_121 = arith.constant 0 : i32
      %dma_start3A_122 = tpu.memref_slice %arg6[%squeeze3A_110, %dma_start3A_121] : memref<1000x64xf32, #tpu.memory_space<hbm>> -> memref<1x64xf32, #tpu.memory_space<hbm>>
      tpu.enqueue_dma source(%dma_start3A_122 : memref<1x64xf32, #tpu.memory_space<hbm>>) target(%dma_start3A_120 : memref<1x64xf32, #tpu.memory_space<vmem>>) target_semaphore(%arg17 : memref<!tpu.dma_semaphore, #tpu.memory_space<semaphore_mem>>)
      %slice3A_123 = vector.extract_strided_slice %get3A_83 {offsets = [3], sizes = [1], strides = [1]} : vector<16xi32> to vector<1xi32>
      %squeeze3A_124 = vector.extract %slice3A_123[0] : i32 from vector<1xi32>
      %mul3A_125 = arith.constant 16 : i32
      %mul3A_126 = arith.muli %scan3A_77, %mul3A_125 : i32
      %add3A_127 = arith.constant 3 : i32
      %add3A_128 = arith.addi %mul3A_126, %add3A_127 : i32
      %dma_start3A_129 = arith.constant 0 : i32
      %dma_start3A_130 = tpu.memref_slice %arg14[%add3A_128, %dma_start3A_129] : memref<256x64xf32, #tpu.memory_space<vmem>> -> memref<1x64xf32, #tpu.memory_space<vmem>>
      %dma_start3A_131 = arith.constant 0 : i32
      %dma_start3A_132 = tpu.memref_slice %arg6[%squeeze3A_124, %dma_start3A_131] : memref<1000x64xf32, #tpu.memory_space<hbm>> -> memref<1x64xf32, #tpu.memory_space<hbm>>
      %dma_start3A_133 = arith.constant 0 : i32
      %dma_start3A_134 = tpu.memref_slice %arg14[%add3A_128, %dma_start3A_133] : memref<256x64xf32, #tpu.memory_space<vmem>> -> memref<1x64xf32, #tpu.memory_space<vmem>>
      %dma_start3A_135 = arith.constant 0 : i32
      %dma_start3A_136 = tpu.memref_slice %arg6[%squeeze3A_124, %dma_start3A_135] : memref<1000x64xf32, #tpu.memory_space<hbm>> -> memref<1x64xf32, #tpu.memory_space<hbm>>
      tpu.enqueue_dma source(%dma_start3A_136 : memref<1x64xf32, #tpu.memory_space<hbm>>) target(%dma_start3A_134 : memref<1x64xf32, #tpu.memory_space<vmem>>) target_semaphore(%arg17 : memref<!tpu.dma_semaphore, #tpu.memory_space<semaphore_mem>>)
      %slice3A_137 = vector.extract_strided_slice %get3A_83 {offsets = [4], sizes = [1], strides = [1]} : vector<16xi32> to vector<1xi32>
      %squeeze3A_138 = vector.extract %slice3A_137[0] : i32 from vector<1xi32>
      %mul3A_139 = arith.constant 16 : i32
      %mul3A_140 = arith.muli %scan3A_77, %mul3A_139 : i32
      %add3A_141 = arith.constant 4 : i32
      %add3A_142 = arith.addi %mul3A_140, %add3A_141 : i32
      %dma_start3A_143 = arith.constant 0 : i32
      %dma_start3A_144 = tpu.memref_slice %arg14[%add3A_142, %dma_start3A_143] : memref<256x64xf32, #tpu.memory_space<vmem>> -> memref<1x64xf32, #tpu.memory_space<vmem>>
      %dma_start3A_145 = arith.constant 0 : i32
      %dma_start3A_146 = tpu.memref_slice %arg6[%squeeze3A_138, %dma_start3A_145] : memref<1000x64xf32, #tpu.memory_space<hbm>> -> memref<1x64xf32, #tpu.memory_space<hbm>>
      %dma_start3A_147 = arith.constant 0 : i32
      %dma_start3A_148 = tpu.memref_slice %arg14[%add3A_142, %dma_start3A_147] : memref<256x64xf32, #tpu.memory_space<vmem>> -> memref<1x64xf32, #tpu.memory_space<vmem>>
      %dma_start3A_149 = arith.constant 0 : i32
      %dma_start3A_150 = tpu.memref_slice %arg6[%squeeze3A_138, %dma_start3A_149] : memref<1000x64xf32, #tpu.memory_space<hbm>> -> memref<1x64xf32, #tpu.memory_space<hbm>>
      tpu.enqueue_dma source(%dma_start3A_150 : memref<1x64xf32, #tpu.memory_space<hbm>>) target(%dma_start3A_148 : memref<1x64xf32, #tpu.memory_space<vmem>>) target_semaphore(%arg17 : memref<!tpu.dma_semaphore, #tpu.memory_space<semaphore_mem>>)
      %slice3A_151 = vector.extract_strided_slice %get3A_83 {offsets = [5], sizes = [1], strides = [1]} : vector<16xi32> to vector<1xi32>
      %squeeze3A_152 = vector.extract %slice3A_151[0] : i32 from vector<1xi32>
      %mul3A_153 = arith.constant 16 : i32
      %mul3A_154 = arith.muli %scan3A_77, %mul3A_153 : i32
      %add3A_155 = arith.constant 5 : i32
      %add3A_156 = arith.addi %mul3A_154, %add3A_155 : i32
      %dma_start3A_157 = arith.constant 0 : i32
      %dma_start3A_158 = tpu.memref_slice %arg14[%add3A_156, %dma_start3A_157] : memref<256x64xf32, #tpu.memory_space<vmem>> -> memref<1x64xf32, #tpu.memory_space<vmem>>
      %dma_start3A_159 = arith.constant 0 : i32
      %dma_start3A_160 = tpu.memref_slice %arg6[%squeeze3A_152, %dma_start3A_159] : memref<1000x64xf32, #tpu.memory_space<hbm>> -> memref<1x64xf32, #tpu.memory_space<hbm>>
      %dma_start3A_161 = arith.constant 0 : i32
      %dma_start3A_162 = tpu.memref_slice %arg14[%add3A_156, %dma_start3A_161] : memref<256x64xf32, #tpu.memory_space<vmem>> -> memref<1x64xf32, #tpu.memory_space<vmem>>
      %dma_start3A_163 = arith.constant 0 : i32
      %dma_start3A_164 = tpu.memref_slice %arg6[%squeeze3A_152, %dma_start3A_163] : memref<1000x64xf32, #tpu.memory_space<hbm>> -> memref<1x64xf32, #tpu.memory_space<hbm>>
      tpu.enqueue_dma source(%dma_start3A_164 : memref<1x64xf32, #tpu.memory_space<hbm>>) target(%dma_start3A_162 : memref<1x64xf32, #tpu.memory_space<vmem>>) target_semaphore(%arg17 : memref<!tpu.dma_semaphore, #tpu.memory_space<semaphore_mem>>)
      %slice3A_165 = vector.extract_strided_slice %get3A_83 {offsets = [6], sizes = [1], strides = [1]} : vector<16xi32> to vector<1xi32>
      %squeeze3A_166 = vector.extract %slice3A_165[0] : i32 from vector<1xi32>
      %mul3A_167 = arith.constant 16 : i32
      %mul3A_168 = arith.muli %scan3A_77, %mul3A_167 : i32
      %add3A_169 = arith.constant 6 : i32
      %add3A_170 = arith.addi %mul3A_168, %add3A_169 : i32
      %dma_start3A_171 = arith.constant 0 : i32
      %dma_start3A_172 = tpu.memref_slice %arg14[%add3A_170, %dma_start3A_171] : memref<256x64xf32, #tpu.memory_space<vmem>> -> memref<1x64xf32, #tpu.memory_space<vmem>>
      %dma_start3A_173 = arith.constant 0 : i32
      %dma_start3A_174 = tpu.memref_slice %arg6[%squeeze3A_166, %dma_start3A_173] : memref<1000x64xf32, #tpu.memory_space<hbm>> -> memref<1x64xf32, #tpu.memory_space<hbm>>
      %dma_start3A_175 = arith.constant 0 : i32
      %dma_start3A_176 = tpu.memref_slice %arg14[%add3A_170, %dma_start3A_175] : memref<256x64xf32, #tpu.memory_space<vmem>> -> memref<1x64xf32, #tpu.memory_space<vmem>>
      %dma_start3A_177 = arith.constant 0 : i32
      %dma_start3A_178 = tpu.memref_slice %arg6[%squeeze3A_166, %dma_start3A_177] : memref<1000x64xf32, #tpu.memory_space<hbm>> -> memref<1x64xf32, #tpu.memory_space<hbm>>
      tpu.enqueue_dma source(%dma_start3A_178 : memref<1x64xf32, #tpu.memory_space<hbm>>) target(%dma_start3A_176 : memref<1x64xf32, #tpu.memory_space<vmem>>) target_semaphore(%arg17 : memref<!tpu.dma_semaphore, #tpu.memory_space<semaphore_mem>>)
      %slice3A_179 = vector.extract_strided_slice %get3A_83 {offsets = [7], sizes = [1], strides = [1]} : vector<16xi32> to vector<1xi32>
      %squeeze3A_180 = vector.extract %slice3A_179[0] : i32 from vector<1xi32>
      %mul3A_181 = arith.constant 16 : i32
      %mul3A_182 = arith.muli %scan3A_77, %mul3A_181 : i32
      %add3A_183 = arith.constant 7 : i32
      %add3A_184 = arith.addi %mul3A_182, %add3A_183 : i32
      %dma_start3A_185 = arith.constant 0 : i32
      %dma_start3A_186 = tpu.memref_slice %arg14[%add3A_184, %dma_start3A_185] : memref<256x64xf32, #tpu.memory_space<vmem>> -> memref<1x64xf32, #tpu.memory_space<vmem>>
      %dma_start3A_187 = arith.constant 0 : i32
      %dma_start3A_188 = tpu.memref_slice %arg6[%squeeze3A_180, %dma_start3A_187] : memref<1000x64xf32, #tpu.memory_space<hbm>> -> memref<1x64xf32, #tpu.memory_space<hbm>>
      %dma_start3A_189 = arith.constant 0 : i32
      %dma_start3A_190 = tpu.memref_slice %arg14[%add3A_184, %dma_start3A_189] : memref<256x64xf32, #tpu.memory_space<vmem>> -> memref<1x64xf32, #tpu.memory_space<vmem>>
      %dma_start3A_191 = arith.constant 0 : i32
      %dma_start3A_192 = tpu.memref_slice %arg6[%squeeze3A_180, %dma_start3A_191] : memref<1000x64xf32, #tpu.memory_space<hbm>> -> memref<1x64xf32, #tpu.memory_space<hbm>>
      tpu.enqueue_dma source(%dma_start3A_192 : memref<1x64xf32, #tpu.memory_space<hbm>>) target(%dma_start3A_190 : memref<1x64xf32, #tpu.memory_space<vmem>>) target_semaphore(%arg17 : memref<!tpu.dma_semaphore, #tpu.memory_space<semaphore_mem>>)
      %slice3A_193 = vector.extract_strided_slice %get3A_83 {offsets = [8], sizes = [1], strides = [1]} : vector<16xi32> to vector<1xi32>
      %squeeze3A_194 = vector.extract %slice3A_193[0] : i32 from vector<1xi32>
      %mul3A_195 = arith.constant 16 : i32
      %mul3A_196 = arith.muli %scan3A_77, %mul3A_195 : i32
      %add3A_197 = arith.constant 8 : i32
      %add3A_198 = arith.addi %mul3A_196, %add3A_197 : i32
      %dma_start3A_199 = arith.constant 0 : i32
      %dma_start3A_200 = tpu.memref_slice %arg14[%add3A_198, %dma_start3A_199] : memref<256x64xf32, #tpu.memory_space<vmem>> -> memref<1x64xf32, #tpu.memory_space<vmem>>
      %dma_start3A_201 = arith.constant 0 : i32
      %dma_start3A_202 = tpu.memref_slice %arg6[%squeeze3A_194, %dma_start3A_201] : memref<1000x64xf32, #tpu.memory_space<hbm>> -> memref<1x64xf32, #tpu.memory_space<hbm>>
      %dma_start3A_203 = arith.constant 0 : i32
      %dma_start3A_204 = tpu.memref_slice %arg14[%add3A_198, %dma_start3A_203] : memref<256x64xf32, #tpu.memory_space<vmem>> -> memref<1x64xf32, #tpu.memory_space<vmem>>
      %dma_start3A_205 = arith.constant 0 : i32
      %dma_start3A_206 = tpu.memref_slice %arg6[%squeeze3A_194, %dma_start3A_205] : memref<1000x64xf32, #tpu.memory_space<hbm>> -> memref<1x64xf32, #tpu.memory_space<hbm>>
      tpu.enqueue_dma source(%dma_start3A_206 : memref<1x64xf32, #tpu.memory_space<hbm>>) target(%dma_start3A_204 : memref<1x64xf32, #tpu.memory_space<vmem>>) target_semaphore(%arg17 : memref<!tpu.dma_semaphore, #tpu.memory_space<semaphore_mem>>)
      %slice3A_207 = vector.extract_strided_slice %get3A_83 {offsets = [9], sizes = [1], strides = [1]} : vector<16xi32> to vector<1xi32>
      %squeeze3A_208 = vector.extract %slice3A_207[0] : i32 from vector<1xi32>
      %mul3A_209 = arith.constant 16 : i32
      %mul3A_210 = arith.muli %scan3A_77, %mul3A_209 : i32
      %add3A_211 = arith.constant 9 : i32
      %add3A_212 = arith.addi %mul3A_210, %add3A_211 : i32
      %dma_start3A_213 = arith.constant 0 : i32
      %dma_start3A_214 = tpu.memref_slice %arg14[%add3A_212, %dma_start3A_213] : memref<256x64xf32, #tpu.memory_space<vmem>> -> memref<1x64xf32, #tpu.memory_space<vmem>>
      %dma_start3A_215 = arith.constant 0 : i32
      %dma_start3A_216 = tpu.memref_slice %arg6[%squeeze3A_208, %dma_start3A_215] : memref<1000x64xf32, #tpu.memory_space<hbm>> -> memref<1x64xf32, #tpu.memory_space<hbm>>
      %dma_start3A_217 = arith.constant 0 : i32
      %dma_start3A_218 = tpu.memref_slice %arg14[%add3A_212, %dma_start3A_217] : memref<256x64xf32, #tpu.memory_space<vmem>> -> memref<1x64xf32, #tpu.memory_space<vmem>>
      %dma_start3A_219 = arith.constant 0 : i32
      %dma_start3A_220 = tpu.memref_slice %arg6[%squeeze3A_208, %dma_start3A_219] : memref<1000x64xf32, #tpu.memory_space<hbm>> -> memref<1x64xf32, #tpu.memory_space<hbm>>
      tpu.enqueue_dma source(%dma_start3A_220 : memref<1x64xf32, #tpu.memory_space<hbm>>) target(%dma_start3A_218 : memref<1x64xf32, #tpu.memory_space<vmem>>) target_semaphore(%arg17 : memref<!tpu.dma_semaphore, #tpu.memory_space<semaphore_mem>>)
      %slice3A_221 = vector.extract_strided_slice %get3A_83 {offsets = [10], sizes = [1], strides = [1]} : vector<16xi32> to vector<1xi32>
      %squeeze3A_222 = vector.extract %slice3A_221[0] : i32 from vector<1xi32>
      %mul3A_223 = arith.constant 16 : i32
      %mul3A_224 = arith.muli %scan3A_77, %mul3A_223 : i32
      %add3A_225 = arith.constant 10 : i32
      %add3A_226 = arith.addi %mul3A_224, %add3A_225 : i32
      %dma_start3A_227 = arith.constant 0 : i32
      %dma_start3A_228 = tpu.memref_slice %arg14[%add3A_226, %dma_start3A_227] : memref<256x64xf32, #tpu.memory_space<vmem>> -> memref<1x64xf32, #tpu.memory_space<vmem>>
      %dma_start3A_229 = arith.constant 0 : i32
      %dma_start3A_230 = tpu.memref_slice %arg6[%squeeze3A_222, %dma_start3A_229] : memref<1000x64xf32, #tpu.memory_space<hbm>> -> memref<1x64xf32, #tpu.memory_space<hbm>>
      %dma_start3A_231 = arith.constant 0 : i32
      %dma_start3A_232 = tpu.memref_slice %arg14[%add3A_226, %dma_start3A_231] : memref<256x64xf32, #tpu.memory_space<vmem>> -> memref<1x64xf32, #tpu.memory_space<vmem>>
      %dma_start3A_233 = arith.constant 0 : i32
      %dma_start3A_234 = tpu.memref_slice %arg6[%squeeze3A_222, %dma_start3A_233] : memref<1000x64xf32, #tpu.memory_space<hbm>> -> memref<1x64xf32, #tpu.memory_space<hbm>>
      tpu.enqueue_dma source(%dma_start3A_234 : memref<1x64xf32, #tpu.memory_space<hbm>>) target(%dma_start3A_232 : memref<1x64xf32, #tpu.memory_space<vmem>>) target_semaphore(%arg17 : memref<!tpu.dma_semaphore, #tpu.memory_space<semaphore_mem>>)
      %slice3A_235 = vector.extract_strided_slice %get3A_83 {offsets = [11], sizes = [1], strides = [1]} : vector<16xi32> to vector<1xi32>
      %squeeze3A_236 = vector.extract %slice3A_235[0] : i32 from vector<1xi32>
      %mul3A_237 = arith.constant 16 : i32
      %mul3A_238 = arith.muli %scan3A_77, %mul3A_237 : i32
      %add3A_239 = arith.constant 11 : i32
      %add3A_240 = arith.addi %mul3A_238, %add3A_239 : i32
      %dma_start3A_241 = arith.constant 0 : i32
      %dma_start3A_242 = tpu.memref_slice %arg14[%add3A_240, %dma_start3A_241] : memref<256x64xf32, #tpu.memory_space<vmem>> -> memref<1x64xf32, #tpu.memory_space<vmem>>
      %dma_start3A_243 = arith.constant 0 : i32
      %dma_start3A_244 = tpu.memref_slice %arg6[%squeeze3A_236, %dma_start3A_243] : memref<1000x64xf32, #tpu.memory_space<hbm>> -> memref<1x64xf32, #tpu.memory_space<hbm>>
      %dma_start3A_245 = arith.constant 0 : i32
      %dma_start3A_246 = tpu.memref_slice %arg14[%add3A_240, %dma_start3A_245] : memref<256x64xf32, #tpu.memory_space<vmem>> -> memref<1x64xf32, #tpu.memory_space<vmem>>
      %dma_start3A_247 = arith.constant 0 : i32
      %dma_start3A_248 = tpu.memref_slice %arg6[%squeeze3A_236, %dma_start3A_247] : memref<1000x64xf32, #tpu.memory_space<hbm>> -> memref<1x64xf32, #tpu.memory_space<hbm>>
      tpu.enqueue_dma source(%dma_start3A_248 : memref<1x64xf32, #tpu.memory_space<hbm>>) target(%dma_start3A_246 : memref<1x64xf32, #tpu.memory_space<vmem>>) target_semaphore(%arg17 : memref<!tpu.dma_semaphore, #tpu.memory_space<semaphore_mem>>)
      %slice3A_249 = vector.extract_strided_slice %get3A_83 {offsets = [12], sizes = [1], strides = [1]} : vector<16xi32> to vector<1xi32>
      %squeeze3A_250 = vector.extract %slice3A_249[0] : i32 from vector<1xi32>
      %mul3A_251 = arith.constant 16 : i32
      %mul3A_252 = arith.muli %scan3A_77, %mul3A_251 : i32
      %add3A_253 = arith.constant 12 : i32
      %add3A_254 = arith.addi %mul3A_252, %add3A_253 : i32
      %dma_start3A_255 = arith.constant 0 : i32
      %dma_start3A_256 = tpu.memref_slice %arg14[%add3A_254, %dma_start3A_255] : memref<256x64xf32, #tpu.memory_space<vmem>> -> memref<1x64xf32, #tpu.memory_space<vmem>>
      %dma_start3A_257 = arith.constant 0 : i32
      %dma_start3A_258 = tpu.memref_slice %arg6[%squeeze3A_250, %dma_start3A_257] : memref<1000x64xf32, #tpu.memory_space<hbm>> -> memref<1x64xf32, #tpu.memory_space<hbm>>
      %dma_start3A_259 = arith.constant 0 : i32
      %dma_start3A_260 = tpu.memref_slice %arg14[%add3A_254, %dma_start3A_259] : memref<256x64xf32, #tpu.memory_space<vmem>> -> memref<1x64xf32, #tpu.memory_space<vmem>>
      %dma_start3A_261 = arith.constant 0 : i32
      %dma_start3A_262 = tpu.memref_slice %arg6[%squeeze3A_250, %dma_start3A_261] : memref<1000x64xf32, #tpu.memory_space<hbm>> -> memref<1x64xf32, #tpu.memory_space<hbm>>
      tpu.enqueue_dma source(%dma_start3A_262 : memref<1x64xf32, #tpu.memory_space<hbm>>) target(%dma_start3A_260 : memref<1x64xf32, #tpu.memory_space<vmem>>) target_semaphore(%arg17 : memref<!tpu.dma_semaphore, #tpu.memory_space<semaphore_mem>>)
      %slice3A_263 = vector.extract_strided_slice %get3A_83 {offsets = [13], sizes = [1], strides = [1]} : vector<16xi32> to vector<1xi32>
      %squeeze3A_264 = vector.extract %slice3A_263[0] : i32 from vector<1xi32>
      %mul3A_265 = arith.constant 16 : i32
      %mul3A_266 = arith.muli %scan3A_77, %mul3A_265 : i32
      %add3A_267 = arith.constant 13 : i32
      %add3A_268 = arith.addi %mul3A_266, %add3A_267 : i32
      %dma_start3A_269 = arith.constant 0 : i32
      %dma_start3A_270 = tpu.memref_slice %arg14[%add3A_268, %dma_start3A_269] : memref<256x64xf32, #tpu.memory_space<vmem>> -> memref<1x64xf32, #tpu.memory_space<vmem>>
      %dma_start3A_271 = arith.constant 0 : i32
      %dma_start3A_272 = tpu.memref_slice %arg6[%squeeze3A_264, %dma_start3A_271] : memref<1000x64xf32, #tpu.memory_space<hbm>> -> memref<1x64xf32, #tpu.memory_space<hbm>>
      %dma_start3A_273 = arith.constant 0 : i32
      %dma_start3A_274 = tpu.memref_slice %arg14[%add3A_268, %dma_start3A_273] : memref<256x64xf32, #tpu.memory_space<vmem>> -> memref<1x64xf32, #tpu.memory_space<vmem>>
      %dma_start3A_275 = arith.constant 0 : i32
      %dma_start3A_276 = tpu.memref_slice %arg6[%squeeze3A_264, %dma_start3A_275] : memref<1000x64xf32, #tpu.memory_space<hbm>> -> memref<1x64xf32, #tpu.memory_space<hbm>>
      tpu.enqueue_dma source(%dma_start3A_276 : memref<1x64xf32, #tpu.memory_space<hbm>>) target(%dma_start3A_274 : memref<1x64xf32, #tpu.memory_space<vmem>>) target_semaphore(%arg17 : memref<!tpu.dma_semaphore, #tpu.memory_space<semaphore_mem>>)
      %slice3A_277 = vector.extract_strided_slice %get3A_83 {offsets = [14], sizes = [1], strides = [1]} : vector<16xi32> to vector<1xi32>
      %squeeze3A_278 = vector.extract %slice3A_277[0] : i32 from vector<1xi32>
      %mul3A_279 = arith.constant 16 : i32
      %mul3A_280 = arith.muli %scan3A_77, %mul3A_279 : i32
      %add3A_281 = arith.constant 14 : i32
      %add3A_282 = arith.addi %mul3A_280, %add3A_281 : i32
      %dma_start3A_283 = arith.constant 0 : i32
      %dma_start3A_284 = tpu.memref_slice %arg14[%add3A_282, %dma_start3A_283] : memref<256x64xf32, #tpu.memory_space<vmem>> -> memref<1x64xf32, #tpu.memory_space<vmem>>
      %dma_start3A_285 = arith.constant 0 : i32
      %dma_start3A_286 = tpu.memref_slice %arg6[%squeeze3A_278, %dma_start3A_285] : memref<1000x64xf32, #tpu.memory_space<hbm>> -> memref<1x64xf32, #tpu.memory_space<hbm>>
      %dma_start3A_287 = arith.constant 0 : i32
      %dma_start3A_288 = tpu.memref_slice %arg14[%add3A_282, %dma_start3A_287] : memref<256x64xf32, #tpu.memory_space<vmem>> -> memref<1x64xf32, #tpu.memory_space<vmem>>
      %dma_start3A_289 = arith.constant 0 : i32
      %dma_start3A_290 = tpu.memref_slice %arg6[%squeeze3A_278, %dma_start3A_289] : memref<1000x64xf32, #tpu.memory_space<hbm>> -> memref<1x64xf32, #tpu.memory_space<hbm>>
      tpu.enqueue_dma source(%dma_start3A_290 : memref<1x64xf32, #tpu.memory_space<hbm>>) target(%dma_start3A_288 : memref<1x64xf32, #tpu.memory_space<vmem>>) target_semaphore(%arg17 : memref<!tpu.dma_semaphore, #tpu.memory_space<semaphore_mem>>)
      %slice3A_291 = vector.extract_strided_slice %get3A_83 {offsets = [15], sizes = [1], strides = [1]} : vector<16xi32> to vector<1xi32>
      %squeeze3A_292 = vector.extract %slice3A_291[0] : i32 from vector<1xi32>
      %mul3A_293 = arith.constant 16 : i32
      %mul3A_294 = arith.muli %scan3A_77, %mul3A_293 : i32
      %add3A_295 = arith.constant 15 : i32
      %add3A_296 = arith.addi %mul3A_294, %add3A_295 : i32
      %dma_start3A_297 = arith.constant 0 : i32
      %dma_start3A_298 = tpu.memref_slice %arg14[%add3A_296, %dma_start3A_297] : memref<256x64xf32, #tpu.memory_space<vmem>> -> memref<1x64xf32, #tpu.memory_space<vmem>>
      %dma_start3A_299 = arith.constant 0 : i32
      %dma_start3A_300 = tpu.memref_slice %arg6[%squeeze3A_292, %dma_start3A_299] : memref<1000x64xf32, #tpu.memory_space<hbm>> -> memref<1x64xf32, #tpu.memory_space<hbm>>
      %dma_start3A_301 = arith.constant 0 : i32
      %dma_start3A_302 = tpu.memref_slice %arg14[%add3A_296, %dma_start3A_301] : memref<256x64xf32, #tpu.memory_space<vmem>> -> memref<1x64xf32, #tpu.memory_space<vmem>>
      %dma_start3A_303 = arith.constant 0 : i32
      %dma_start3A_304 = tpu.memref_slice %arg6[%squeeze3A_292, %dma_start3A_303] : memref<1000x64xf32, #tpu.memory_space<hbm>> -> memref<1x64xf32, #tpu.memory_space<hbm>>
      tpu.enqueue_dma source(%dma_start3A_304 : memref<1x64xf32, #tpu.memory_space<hbm>>) target(%dma_start3A_302 : memref<1x64xf32, #tpu.memory_space<vmem>>) target_semaphore(%arg17 : memref<!tpu.dma_semaphore, #tpu.memory_space<semaphore_mem>>)
    }
    %scan3A_56 = arith.constant 16 : i32
    %add3A_57 = arith.constant 256 : i32
    %add3A_58 = arith.addi %mul3A_2, %add3A_57 : i32
    %dma_wait3A_59 = arith.constant 0 : i32
    %dma_wait3A_60 = arith.constant 0 : i32
    %dma_wait3A_61 = tpu.memref_slice %arg5[%dma_wait3A_59, %dma_wait3A_60] : memref<507904x128xf32, #tpu.memory_space<hbm>> -> memref<256x128xf32, #tpu.memory_space<hbm>>
    %dma_wait3A_62 = arith.constant 0 : i32
    %dma_wait3A_63 = arith.constant 0 : i32
    %dma_wait3A_64 = tpu.memref_slice %arg5[%dma_wait3A_62, %dma_wait3A_63] : memref<507904x128xf32, #tpu.memory_space<hbm>> -> memref<256x128xf32, #tpu.memory_space<hbm>>
    tpu.wait_dma2 semaphore(%arg16 : memref<!tpu.dma_semaphore, #tpu.memory_space<semaphore_mem>>) src(%dma_wait3A_64 : memref<256x128xf32, #tpu.memory_space<hbm>>) dst(%arg13 : memref<256x128xf32, #tpu.memory_space<vmem>>)
    "tpu.region"() ({
      %run_scoped3A = tpu.sem_alloc : memref<!tpu.dma_semaphore, #tpu.memory_space<semaphore_mem>>
      %dma_start3A = arith.constant 0 : i32
      %dma_start3A_77 = tpu.memref_slice %arg7[%add3A_58, %dma_start3A] : memref<16384x128xf32, #tpu.memory_space<hbm>> -> memref<256x128xf32, #tpu.memory_space<hbm>>
      %dma_start3A_78 = arith.constant 0 : i32
      %dma_start3A_79 = tpu.memref_slice %arg7[%add3A_58, %dma_start3A_78] : memref<16384x128xf32, #tpu.memory_space<hbm>> -> memref<256x128xf32, #tpu.memory_space<hbm>>
      tpu.enqueue_dma source(%arg13 : memref<256x128xf32, #tpu.memory_space<vmem>>) target(%dma_start3A_79 : memref<256x128xf32, #tpu.memory_space<hbm>>) target_semaphore(%run_scoped3A : memref<!tpu.dma_semaphore, #tpu.memory_space<semaphore_mem>>)
      %dma_wait3A_80 = arith.constant 0 : i32
      %dma_wait3A_81 = tpu.memref_slice %arg7[%add3A_58, %dma_wait3A_80] : memref<16384x128xf32, #tpu.memory_space<hbm>> -> memref<256x128xf32, #tpu.memory_space<hbm>>
      %dma_wait3A_82 = arith.constant 0 : i32
      %dma_wait3A_83 = tpu.memref_slice %arg7[%add3A_58, %dma_wait3A_82] : memref<16384x128xf32, #tpu.memory_space<hbm>> -> memref<256x128xf32, #tpu.memory_space<hbm>>
      tpu.wait_dma2 semaphore(%run_scoped3A : memref<!tpu.dma_semaphore, #tpu.memory_space<semaphore_mem>>) src(%arg13 : memref<256x128xf32, #tpu.memory_space<vmem>>) dst(%dma_wait3A_83 : memref<256x128xf32, #tpu.memory_space<hbm>>)
      tpu.yield
    }) : () -> ()
    %dma_wait3A_65 = arith.constant 0 : i32
    %dma_wait3A_66 = arith.constant 0 : i32
    %dma_wait3A_67 = tpu.memref_slice %arg5[%dma_wait3A_65, %dma_wait3A_66] : memref<507904x128xf32, #tpu.memory_space<hbm>> -> memref<256x128xf32, #tpu.memory_space<hbm>>
    %dma_wait3A_68 = arith.constant 0 : i32
    %dma_wait3A_69 = arith.constant 0 : i32
    %dma_wait3A_70 = tpu.memref_slice %arg5[%dma_wait3A_68, %dma_wait3A_69] : memref<507904x128xf32, #tpu.memory_space<hbm>> -> memref<256x128xf32, #tpu.memory_space<hbm>>
    tpu.wait_dma2 semaphore(%arg18 : memref<!tpu.dma_semaphore, #tpu.memory_space<semaphore_mem>>) src(%dma_wait3A_70 : memref<256x128xf32, #tpu.memory_space<hbm>>) dst(%arg15 : memref<256x128xf32, #tpu.memory_space<vmem>>)
    "tpu.region"() ({
      %run_scoped3A = tpu.sem_alloc : memref<!tpu.dma_semaphore, #tpu.memory_space<semaphore_mem>>
      %dma_start3A = arith.constant 0 : i32
      %dma_start3A_77 = tpu.memref_slice %arg9[%add3A_58, %dma_start3A] : memref<16384x128xf32, #tpu.memory_space<hbm>> -> memref<256x128xf32, #tpu.memory_space<hbm>>
      %dma_start3A_78 = arith.constant 0 : i32
      %dma_start3A_79 = tpu.memref_slice %arg9[%add3A_58, %dma_start3A_78] : memref<16384x128xf32, #tpu.memory_space<hbm>> -> memref<256x128xf32, #tpu.memory_space<hbm>>
      tpu.enqueue_dma source(%arg15 : memref<256x128xf32, #tpu.memory_space<vmem>>) target(%dma_start3A_79 : memref<256x128xf32, #tpu.memory_space<hbm>>) target_semaphore(%run_scoped3A : memref<!tpu.dma_semaphore, #tpu.memory_space<semaphore_mem>>)
      %dma_wait3A_80 = arith.constant 0 : i32
      %dma_wait3A_81 = tpu.memref_slice %arg9[%add3A_58, %dma_wait3A_80] : memref<16384x128xf32, #tpu.memory_space<hbm>> -> memref<256x128xf32, #tpu.memory_space<hbm>>
      %dma_wait3A_82 = arith.constant 0 : i32
      %dma_wait3A_83 = tpu.memref_slice %arg9[%add3A_58, %dma_wait3A_82] : memref<16384x128xf32, #tpu.memory_space<hbm>> -> memref<256x128xf32, #tpu.memory_space<hbm>>
      tpu.wait_dma2 semaphore(%run_scoped3A : memref<!tpu.dma_semaphore, #tpu.memory_space<semaphore_mem>>) src(%arg15 : memref<256x128xf32, #tpu.memory_space<vmem>>) dst(%dma_wait3A_83 : memref<256x128xf32, #tpu.memory_space<hbm>>)
      tpu.yield
    }) : () -> ()
    %dma_wait3A_71 = arith.constant 0 : i32
    %dma_wait3A_72 = arith.constant 0 : i32
    %dma_wait3A_73 = tpu.memref_slice %arg6[%dma_wait3A_71, %dma_wait3A_72] : memref<1000x64xf32, #tpu.memory_space<hbm>> -> memref<256x64xf32, #tpu.memory_space<hbm>>
    %dma_wait3A_74 = arith.constant 0 : i32
    %dma_wait3A_75 = arith.constant 0 : i32
    %dma_wait3A_76 = tpu.memref_slice %arg6[%dma_wait3A_74, %dma_wait3A_75] : memref<1000x64xf32, #tpu.memory_space<hbm>> -> memref<256x64xf32, #tpu.memory_space<hbm>>
    tpu.wait_dma2 semaphore(%arg17 : memref<!tpu.dma_semaphore, #tpu.memory_space<semaphore_mem>>) src(%dma_wait3A_76 : memref<256x64xf32, #tpu.memory_space<hbm>>) dst(%arg14 : memref<256x64xf32, #tpu.memory_space<vmem>>)
    "tpu.region"() ({
      %run_scoped3A = tpu.sem_alloc : memref<!tpu.dma_semaphore, #tpu.memory_space<semaphore_mem>>
      %dma_start3A = arith.constant 0 : i32
      %dma_start3A_77 = tpu.memref_slice %arg8[%add3A_58, %dma_start3A] : memref<16384x64xf32, #tpu.memory_space<hbm>> -> memref<256x64xf32, #tpu.memory_space<hbm>>
      %dma_start3A_78 = arith.constant 0 : i32
      %dma_start3A_79 = tpu.memref_slice %arg8[%add3A_58, %dma_start3A_78] : memref<16384x64xf32, #tpu.memory_space<hbm>> -> memref<256x64xf32, #tpu.memory_space<hbm>>
      tpu.enqueue_dma source(%arg14 : memref<256x64xf32, #tpu.memory_space<vmem>>) target(%dma_start3A_79 : memref<256x64xf32, #tpu.memory_space<hbm>>) target_semaphore(%run_scoped3A : memref<!tpu.dma_semaphore, #tpu.memory_space<semaphore_mem>>)
      %dma_wait3A_80 = arith.constant 0 : i32
      %dma_wait3A_81 = tpu.memref_slice %arg8[%add3A_58, %dma_wait3A_80] : memref<16384x64xf32, #tpu.memory_space<hbm>> -> memref<256x64xf32, #tpu.memory_space<hbm>>
      %dma_wait3A_82 = arith.constant 0 : i32
      %dma_wait3A_83 = tpu.memref_slice %arg8[%add3A_58, %dma_wait3A_82] : memref<16384x64xf32, #tpu.memory_space<hbm>> -> memref<256x64xf32, #tpu.memory_space<hbm>>
      tpu.wait_dma2 semaphore(%run_scoped3A : memref<!tpu.dma_semaphore, #tpu.memory_space<semaphore_mem>>) src(%arg14 : memref<256x64xf32, #tpu.memory_space<vmem>>) dst(%dma_wait3A_83 : memref<256x64xf32, #tpu.memory_space<hbm>>)
      tpu.yield
    }) : () -> ()
    return
  }
}

module attributes {stable_mosaic.version = 14 : i64} {
  func.func @_detile_body(%arg0: i32, %arg1: memref<64x8192xf32, #tpu.memory_space<vmem>>, %arg2: memref<64x8192xf32, #tpu.memory_space<vmem>>, %arg3: memref<8192x128xf32, #tpu.memory_space<vmem>>) attributes {dimension_semantics = [#tpu.dimension_semantics<arbitrary>], iteration_bounds = array<i64: 62>, scalar_prefetch = 0 : i64, scratch_operands = 0 : i64, tpu.core_type = #tpu.core_type<tc>, window_params = [{transform_indices = @transform_0, window_bounds = array<i64: 64, 8192>}, {transform_indices = @transform_1, window_bounds = array<i64: 64, 8192>}, {transform_indices = @transform_2, window_bounds = array<i64: 8192, 128>}]} {
    %iota3A = tpu.iota {dimensions = array<i32: 0>} : vector<64x64xi32>
    %iota3A_0 = tpu.iota {dimensions = array<i32: 1>} : vector<64x64xi32>
    %add3A = arith.constant 0 : i32
    %add3A_1 = vector.broadcast %add3A : i32 to vector<64x64xi32>
    %add3A_2 = arith.addi %iota3A, %add3A_1 : vector<64x64xi32>
    %eq3A = arith.cmpi eq, %add3A_2, %iota3A_0 : vector<64x64xi32>
    %convert_element_type3A = arith.extui %eq3A : vector<64x64xi1> to vector<64x64xi32>
    %convert_element_type3A_3 = arith.sitofp %convert_element_type3A : vector<64x64xi32> to vector<64x64xf32>
    %get3A = arith.constant 0 : index
    %get3A_4 = arith.constant 0 : index
    %get3A_5 = vector.load %arg1[%get3A, %get3A_4] : memref<64x8192xf32, #tpu.memory_space<vmem>>, vector<64x8192xf32>
    %dot_general3A = arith.constant dense<0.000000e+00> : vector<8192x64xf32>
    %dot_general3A_6 = tpu.matmul %get3A_5, %convert_element_type3A_3, %dot_general3A {dimension_numbers = #tpu.dot_dimension_numbers<[0], [0], [1], [1], [0, 1, 1, 1], [], []>, transpose_lhs_hint = false} : vector<64x8192xf32>, vector<64x64xf32>, vector<8192x64xf32> -> vector<8192x64xf32>
    %get3A_7 = arith.constant 0 : index
    %get3A_8 = arith.constant 0 : index
    %get3A_9 = vector.load %arg2[%get3A_7, %get3A_8] : memref<64x8192xf32, #tpu.memory_space<vmem>>, vector<64x8192xf32>
    %dot_general3A_10 = arith.constant dense<0.000000e+00> : vector<8192x64xf32>
    %dot_general3A_11 = tpu.matmul %get3A_9, %convert_element_type3A_3, %dot_general3A_10 {dimension_numbers = #tpu.dot_dimension_numbers<[0], [0], [1], [1], [0, 1, 1, 1], [], []>, transpose_lhs_hint = false} : vector<64x8192xf32>, vector<64x64xf32>, vector<8192x64xf32> -> vector<8192x64xf32>
    %concatenate3A = tpu.concatenate %dot_general3A_6, %dot_general3A_11 in 1 : vector<8192x64xf32>, vector<8192x64xf32> -> vector<8192x128xf32>
    %swap3A = arith.constant 0 : index
    %swap3A_12 = arith.constant 0 : index
    %swap3A_13 = vector.load %arg3[%swap3A, %swap3A_12] : memref<8192x128xf32, #tpu.memory_space<vmem>>, vector<8192x128xf32>
    tpu.vector_store %arg3[%swap3A, %swap3A_12], %concatenate3A {strides = array<i32>} : memref<8192x128xf32, #tpu.memory_space<vmem>>, vector<8192x128xf32>,
    return
  }
  func.func @transform_0(%arg0: i32) -> (i32, i32) {
    %c0_i32 = arith.constant 0 : i32
    %c0_i32_0 = arith.constant 0 : i32
    return %c0_i32, %arg0 : i32, i32
  }
  func.func @transform_1(%arg0: i32) -> (i32, i32) {
    %add3A = arith.constant 62 : i32
    %add3A_0 = arith.addi %arg0, %add3A : i32
    %sub3A = arith.constant 1 : i32
    %sub3A_1 = arith.subi %add3A_0, %sub3A : i32
    %c0_i32 = arith.constant 0 : i32
    %c0_i32_2 = arith.constant 0 : i32
    return %c0_i32, %sub3A_1 : i32, i32
  }
  func.func @transform_2(%arg0: i32) -> (i32, i32) {
    %c0_i32 = arith.constant 0 : i32
    %c0_i32_0 = arith.constant 0 : i32
    return %arg0, %c0_i32 : i32, i32
  }
}

module attributes {stable_mosaic.version = 14 : i64} {
  func.func @_score_body(%arg0: i32, %arg1: memref<2048x128xf32, #tpu.memory_space<vmem>>, %arg2: memref<2048x64xf32, #tpu.memory_space<vmem>>, %arg3: memref<2048x128xf32, #tpu.memory_space<vmem>>, %arg4: memref<2048x1xi32, #tpu.memory_space<vmem>>, %arg5: memref<2048x1xi32, #tpu.memory_space<vmem>>, %arg6: memref<2048xf32, #tpu.memory_space<vmem>>) attributes {dimension_semantics = [#tpu.dimension_semantics<arbitrary>], iteration_bounds = array<i64: 8>, scalar_prefetch = 0 : i64, scratch_operands = 0 : i64, tpu.core_type = #tpu.core_type<tc>, window_params = [{transform_indices = @transform_0, window_bounds = array<i64: 2048, 128>}, {transform_indices = @transform_1, window_bounds = array<i64: 2048, 64>}, {transform_indices = @transform_2, window_bounds = array<i64: 2048, 128>}, {transform_indices = @transform_3, window_bounds = array<i64: 2048, 1>}, {transform_indices = @transform_4, window_bounds = array<i64: 2048, 1>}, {transform_indices = @transform_5, window_bounds = array<i64: 2048>}]} {
    %get3A = arith.constant 0 : index
    %get3A_0 = arith.constant 0 : index
    %get3A_1 = vector.load %arg1[%get3A, %get3A_0] : memref<2048x128xf32, #tpu.memory_space<vmem>>, vector<2048x128xf32>
    %get3A_2 = arith.constant 0 : index
    %get3A_3 = arith.constant 0 : index
    %get3A_4 = vector.load %arg3[%get3A_2, %get3A_3] : memref<2048x128xf32, #tpu.memory_space<vmem>>, vector<2048x128xf32>
    %get3A_5 = arith.constant 0 : index
    %get3A_6 = arith.constant 0 : index
    %get3A_7 = vector.load %arg2[%get3A_5, %get3A_6] : memref<2048x64xf32, #tpu.memory_space<vmem>>, vector<2048x64xf32>
    %get3A_8 = arith.constant 0 : index
    %get3A_9 = arith.constant 0 : index
    %get3A_10 = vector.load %arg4[%get3A_8, %get3A_9] : memref<2048x1xi32, #tpu.memory_space<vmem>>, vector<2048x1xi32>
    %gt3A = arith.constant 0 : i32
    %gt3A_11 = vector.broadcast %gt3A : i32 to vector<2048x1xi32>
    %gt3A_12 = arith.cmpi sgt, %get3A_10, %gt3A_11 : vector<2048x1xi32>
    %slice3A = vector.extract_strided_slice %get3A_1 {offsets = [0, 64], sizes = [2048, 64], strides = [1, 1]} : vector<2048x128xf32> to vector<2048x64xf32>
    %slice3A_13 = vector.extract_strided_slice %get3A_1 {offsets = [0, 0], sizes = [2048, 64], strides = [1, 1]} : vector<2048x128xf32> to vector<2048x64xf32>
    %broadcast_in_dim3A = vector.shape_cast %gt3A_12 : vector<2048x1xi1> to vector<2048x1xi1>
    %broadcast_in_dim3A_14 = vector.broadcast %broadcast_in_dim3A : vector<2048x1xi1> to vector<2048x64xi1>
    %select_n3A = arith.select %broadcast_in_dim3A_14, %slice3A, %slice3A_13 : vector<2048x64xi1>, vector<2048x64xf32>
    %get3A_15 = arith.constant 0 : index
    %get3A_16 = arith.constant 0 : index
    %get3A_17 = vector.load %arg5[%get3A_15, %get3A_16] : memref<2048x1xi32, #tpu.memory_space<vmem>>, vector<2048x1xi32>
    %gt3A_18 = arith.constant 0 : i32
    %gt3A_19 = vector.broadcast %gt3A_18 : i32 to vector<2048x1xi32>
    %gt3A_20 = arith.cmpi sgt, %get3A_17, %gt3A_19 : vector<2048x1xi32>
    %slice3A_21 = vector.extract_strided_slice %get3A_4 {offsets = [0, 64], sizes = [2048, 64], strides = [1, 1]} : vector<2048x128xf32> to vector<2048x64xf32>
    %slice3A_22 = vector.extract_strided_slice %get3A_4 {offsets = [0, 0], sizes = [2048, 64], strides = [1, 1]} : vector<2048x128xf32> to vector<2048x64xf32>
    %broadcast_in_dim3A_23 = vector.shape_cast %gt3A_20 : vector<2048x1xi1> to vector<2048x1xi1>
    %broadcast_in_dim3A_24 = vector.broadcast %broadcast_in_dim3A_23 : vector<2048x1xi1> to vector<2048x64xi1>
    %select_n3A_25 = arith.select %broadcast_in_dim3A_24, %slice3A_21, %slice3A_22 : vector<2048x64xi1>, vector<2048x64xf32>
    %abs3A = math.absf %select_n3A : vector<2048x64xf32>
    %reduce_sum3A = arith.constant dense<0.000000e+00> : vector<2048xf32>
    %reduce_sum3A_26 = vector.multi_reduction <add>, %abs3A, %reduce_sum3A [1] : vector<2048x64xf32> to vector<2048xf32>
    %broadcast_in_dim3A_27 = vector.shape_cast %reduce_sum3A_26 : vector<2048xf32> to vector<2048x1xf32>
    %max3A = arith.constant 9.99999996E-13 : f32
    %max3A_28 = vector.broadcast %max3A : f32 to vector<2048x1xf32>
    %max3A_29 = arith.maximumf %broadcast_in_dim3A_27, %max3A_28 : vector<2048x1xf32>
    %abs3A_30 = math.absf %select_n3A_25 : vector<2048x64xf32>
    %reduce_sum3A_31 = arith.constant dense<0.000000e+00> : vector<2048xf32>
    %reduce_sum3A_32 = vector.multi_reduction <add>, %abs3A_30, %reduce_sum3A_31 [1] : vector<2048x64xf32> to vector<2048xf32>
    %broadcast_in_dim3A_33 = vector.shape_cast %reduce_sum3A_32 : vector<2048xf32> to vector<2048x1xf32>
    %max3A_34 = arith.constant 9.99999996E-13 : f32
    %max3A_35 = vector.broadcast %max3A_34 : f32 to vector<2048x1xf32>
    %max3A_36 = arith.maximumf %broadcast_in_dim3A_33, %max3A_35 : vector<2048x1xf32>
    %div3A = vector.broadcast %max3A_29 : vector<2048x1xf32> to vector<2048x64xf32>
    %div3A_37 = arith.divf %select_n3A, %div3A : vector<2048x64xf32>
    %add3A = arith.addf %div3A_37, %get3A_7 : vector<2048x64xf32>
    %div3A_38 = vector.broadcast %max3A_36 : vector<2048x1xf32> to vector<2048x64xf32>
    %div3A_39 = arith.divf %select_n3A_25, %div3A_38 : vector<2048x64xf32>
    %sub3A = arith.subf %add3A, %div3A_39 : vector<2048x64xf32>
    %abs3A_40 = math.absf %sub3A : vector<2048x64xf32>
    %reduce_sum3A_41 = arith.constant dense<0.000000e+00> : vector<2048xf32>
    %reduce_sum3A_42 = vector.multi_reduction <add>, %abs3A_40, %reduce_sum3A_41 [1] : vector<2048x64xf32> to vector<2048xf32>
    %neg3A = arith.constant 0.000000e+00 : f32
    %neg3A_43 = vector.broadcast %neg3A : f32 to vector<2048xf32>
    %neg3A_44 = arith.subf %neg3A_43, %reduce_sum3A_42 : vector<2048xf32>
    %swap3A = arith.constant 0 : index
    %swap3A_45 = vector.load %arg6[%swap3A] : memref<2048xf32, #tpu.memory_space<vmem>>, vector<2048xf32>
    tpu.vector_store %arg6[%swap3A], %neg3A_44 {strides = array<i32>} : memref<2048xf32, #tpu.memory_space<vmem>>, vector<2048xf32>,
    return
  }
  func.func @transform_0(%arg0: i32) -> (i32, i32) {
    %c0_i32 = arith.constant 0 : i32
    %c0_i32_0 = arith.constant 0 : i32
    return %arg0, %c0_i32 : i32, i32
  }
  func.func @transform_1(%arg0: i32) -> (i32, i32) {
    %c0_i32 = arith.constant 0 : i32
    %c0_i32_0 = arith.constant 0 : i32
    return %arg0, %c0_i32 : i32, i32
  }
  func.func @transform_2(%arg0: i32) -> (i32, i32) {
    %c0_i32 = arith.constant 0 : i32
    %c0_i32_0 = arith.constant 0 : i32
    return %arg0, %c0_i32 : i32, i32
  }
  func.func @transform_3(%arg0: i32) -> (i32, i32) {
    %c0_i32 = arith.constant 0 : i32
    %c0_i32_0 = arith.constant 0 : i32
    return %arg0, %c0_i32 : i32, i32
  }
  func.func @transform_4(%arg0: i32) -> (i32, i32) {
    %c0_i32 = arith.constant 0 : i32
    %c0_i32_0 = arith.constant 0 : i32
    return %arg0, %c0_i32 : i32, i32
  }
  func.func @transform_5(%arg0: i32) -> i32 {
    %c0_i32 = arith.constant 0 : i32
    return %arg0 : i32
  }
}

</mosaic_0001>

<sc_bundles>
// kernel: kernel.5.cloned.1.call-start
scs
__scs_entry_jumppad:
0x0: {  	(pc) =	sbr.rel $0x88, $3  }
0x1: {  	(tag) =	ssettag $0x0;
	lr =	simm.s32 $0x1  }
0x2: {  	[smem:$0x3F9C] =	sst lr;
	_ =	strace $0xD0000000  }
0x3: {  	_ = 	snop  }
0x4: {  	_ = 	snop  }
0x5: {  	_ = 	snop  }
0x6: {  	_ = 	snop  }
0x7: {  	_ = 	snop  }
__scs_overlays_trampoline_lowered:
0x8: {  	[smem:$0x3FAB] =	sst s0  }
0x9: {  	[smem:$0x3FAC] =	sst s1  }
0xa: {  	[smem:$0x3FAD] =	sst s2  }
0xb: {  	[smem:$0x3FAE] =	sst s3  }
0xc: {  	[smem:$0x3FAF] =	sst s4  }
0xd: {  	[smem:$0x3FB0] =	sst s5  }
0xe: {  	[smem:$0x3FB1] =	sst s6  }
0xf: {  	[smem:$0x3FB2] =	sst s7  }
0x10: {  	[smem:$0x3FB3] =	sst s8  }
0x11: {  	[smem:$0x3FB4] =	sst s9;
	s0 =	simm.s32 @!p0 $0x0  }
0x12: {  	s1 =	sld [smem:$0x3F9A];
	s0 =	simm.s32 @p0 $0x1  }
0x13: {  	[smem:$0x3FB5] =	sst s0;
	s0 =	simm.s32 @!p1 $0x0  }
0x14: {  	s2 =	sld [smem:$0x3F99];
	s0 =	simm.s32 @p1 $0x1  }
0x15: {  	[smem:$0x3FB6] =	sst s0;
	s0 =	simm.s32 @!p2 $0x0  }
0x16: {  	s3 =	sld [smem:$0x3FDB];
	s0 =	simm.s32 @p2 $0x1  }
0x17: {  	s4 =	simm.s32 $0x1BF5;
	[smem:$0x3FB8] =	sst s0  }
0x18: {  	s0 =	sld [smem:$0x3F9B];
	_ =	swait.ge [sflag:s4], $0x0  }
0x19: {  	s7 =	sld [smem:$0x3F9C]  }
0x1a: {  	s8 =	sadd.s32 $0xFFFFE003, lr  }
0x1b: {  	s9 =	sadd.s32 $0xFFFFFEF7, lr;
	s5 =	simm.s32 $0xFFFFFFFF;
	p2 =	slt.u32 s8, $0xFFFFF086  }
0x1c: {  	p1 =	slt.u32 s9, $0xF7A;
	s5 =	simm.s32 @!p2 $0x0  }
0x1d: {  	s5 =	simm.s32 @p1 $0x1;
	p0 =	seq.s32 s7, s2  }
0x1e: {  	s7 =	smul.u32 @!p0 $0xF7A, s2;
	p2 =	seq.s32 @!p0 s5, $0x0  }
0x1f: {  	s9 =	smul.u32 $0xF7A, s1;
	s8 =	simm.s32 @!p0 $0x1BF5;
	p2 =	por !p2, p0  }
0x20: {  	[sflag:s8] =	ssyncset.s32 @!p0 $0xFFFFF086;
	s6 =	sadd.s32 @!p0 s3, s7;
	s7 =	simm.s32 @!p0 $0x108  }
0x21: {  	s3 =	sadd.s32 s3, s9;
	s6 =	sadd.s32 @!p0 $0x88, s6;
	s7 =	simm.s32 @p2 $0x1082  }
0x22: {  	[simem:s7], [sflag:s8] =	dma.local @!p0 [hbm:s6], $0xF7A  }
0x23: {  	s9 =	sor.u32 $0xD0000000, s2;
	s6 =	simm.s32 $0x108;
	_ =	swait.ge @!p0 [sflag:s8], $0x0  }
0x24: {  	s3 =	sadd.s32 $0x88, s3;
	s6 =	simm.s32 @!p1 $0x1082;
	[sflag:s4] =	ssyncset.s32 $0xFFFFF086  }
0x25: {  	[simem:s6], [sflag:s4] =	dma.local [hbm:s3], $0xF7A  }
0x26: {  	[smem:$0x3F9C] =	sst s1;
	(tag) =	ssettag s2;
	_ =	strace s9  }
0x27: {  	s1 =	sld [smem:$0x3FAC]  }
0x28: {  	s2 =	sld [smem:$0x3FAD]  }
0x29: {  	s4 =	sld [smem:$0x3FAF]  }
0x2a: {  	p0 =	seq.s32 s5, $0x0;
	s5 =	sld [smem:$0x3FB0]  }
0x2b: {  	s6 =	sld [smem:$0x3FB1]  }
0x2c: {  	s7 =	sld [smem:$0x3FB2]  }
0x2d: {  	s3 =	simm.s32 $0x108;
	s8 =	sld [smem:$0x3FB3]  }
0x2e: {  	s3 =	simm.s32 @!p0 $0x1082;
	s9 =	sld [smem:$0x3FB4]  }
0x2f: {  	lr =	sadd.s32 s0, s3;
	s0 =	sld [smem:$0x3FAB]  }
0x30: {  	s3 =	sld [smem:$0x3FAE]  }
0x31: {  	[smem:$0x3FB7] =	sst s10  }
0x32: {  	s10 =	sld [smem:$0x3FB5];
	_ =	sdelay $0x3  }
0x33: {  	p0 =	seq.s32 s10, $0x1;
	s10 =	sld [smem:$0x3FB7];
	_ =	sdelay $0x3  }
0x34: {  	[smem:$0x3FB7] =	sst s10  }
0x35: {  	s10 =	sld [smem:$0x3FB6];
	_ =	sdelay $0x3  }
0x36: {  	p1 =	seq.s32 s10, $0x1;
	s10 =	sld [smem:$0x3FB7];
	_ =	sdelay $0x3  }
0x37: {  	[smem:$0x3FB7] =	sst s10  }
0x38: {  	s10 =	sld [smem:$0x3FB8]  }
0x39: {  	_ = 	snop;
	(pc) =	sbr.ind lr, $3  }
0x3a: {  	_ = 	snop  }
0x3b: {  	_ = 	snop  }
0x3c: {  	p2 =	seq.s32 s10, $0x1;
	s10 =	sld [smem:$0x3FB7]  }
0x3d: {  	_ =	shalt  }
0x3e: {  	_ =	shalt  }
0x3f: {  	_ =	shalt  }
0x40: {  	_ =	shalt  }
0x41: {  	_ =	shalt  }
0x42: {  	_ =	shalt  }
0x43: {  	_ =	shalt  }
0x44: {  	_ =	shalt  }
0x45: {  	_ =	shalt  }
0x46: {  	_ =	shalt  }
0x47: {  	_ =	shalt  }
0x48: {  	_ =	shalt  }
0x49: {  	_ =	shalt  }
0x4a: {  	_ =	shalt  }
0x4b: {  	_ =	shalt  }
0x4c: {  	_ =	shalt  }
0x4d: {  	_ =	shalt  }
0x4e: {  	_ =	shalt  }
0x4f: {  	_ =	shalt  }
0x50: {  	_ =	shalt  }
0x51: {  	_ =	shalt  }
0x52: {  	_ =	shalt  }
0x53: {  	_ =	shalt  }
0x54: {  	_ =	shalt  }
0x55: {  	_ =	shalt  }
0x56: {  	_ =	shalt  }
0x57: {  	_ =	shalt  }
0x58: {  	_ =	shalt  }
0x59: {  	_ =	shalt  }
0x5a: {  	_ =	shalt  }
0x5b: {  	_ =	shalt  }
0x5c: {  	_ =	shalt  }
0x5d: {  	_ =	shalt  }
0x5e: {  	_ =	shalt  }
0x5f: {  	_ =	shalt  }
0x60: {  	_ =	shalt  }
0x61: {  	_ =	shalt  }
0x62: {  	_ =	shalt  }
0x63: {  	_ =	shalt  }
0x64: {  	_ =	shalt  }
0x65: {  	_ =	shalt  }
0x66: {  	_ =	shalt  }
0x67: {  	_ =	shalt  }
0x68: {  	_ =	shalt  }
0x69: {  	_ =	shalt  }
0x6a: {  	_ =	shalt  }
0x6b: {  	_ =	shalt  }
0x6c: {  	_ =	shalt  }
0x6d: {  	_ =	shalt  }
0x6e: {  	_ =	shalt  }
0x6f: {  	_ =	shalt  }
0x70: {  	_ =	shalt  }
0x71: {  	_ =	shalt  }
0x72: {  	_ =	shalt  }
0x73: {  	_ =	shalt  }
0x74: {  	_ =	shalt  }
0x75: {  	_ =	shalt  }
0x76: {  	_ =	shalt  }
0x77: {  	_ =	shalt  }
0x78: {  	_ =	shalt  }
0x79: {  	_ =	shalt  }
0x7a: {  	_ =	shalt  }
0x7b: {  	_ =	shalt  }
0x7c: {  	_ =	shalt  }
0x7d: {  	_ =	shalt  }
0x7e: {  	_ =	shalt  }
0x7f: {  	_ =	shalt  }
0x80: {  	_ =	shalt  }
0x81: {  	_ =	shalt  }
0x82: {  	_ =	shalt  }
0x83: {  	_ =	shalt  }
0x84: {  	_ =	shalt  }
0x85: {  	_ =	shalt  }
0x86: {  	_ =	shalt  }
0x87: {  	_ =	shalt  }
.Lfunc_end0:
.L_simem_size_0:
called_computation_lowered:
.L_overlay_start_0:
0x88: {  	s2 =	sld [smem:$0x3FD9]  }
0x89: {  	s3 =	sld [smem:$0x3FFE];
	_ =	sdelay $0x1  }
0x8a: {  	s1 =	srdreg.scid  }
0x8b: {  	s0 =	sand.u32 $0x1, s1  }
0x8c: {  	s17 =	sshll.u32 s0, $0xA;
	s2 =	sadd.s32 s3, s2  }
0x8d: {  	s2 =	sadd.s32 s2, s17  }
0x8e: {  	[smem:$0x3FC3] =	sst s2  }
0x8f: {  	_ = 	snop  }
0x90: {  	s2 =	sld [smem:$0x3FC8]  }
0x91: {  	s18 =	sld [smem:$0x3FD0];
	(tm) =	ssettm $0x1  }
0x92: {  	s4 =	sld [smem:$0x3FFB];
	_ =	sdelay $0x3  }
0x93: {  	_ =	strace s4  }
0x94: {  	s4 =	sld [smem:$0x3FFC];
	_ =	sdelay $0x3  }
0x95: {  	_ =	strace s4  }
0x96: {  	s4 =	sld [smem:$0x3FFD];
	_ =	sdelay $0x3  }
0x97: {  	_ =	strace s4  }
0x98: {  	_ =	strace $0x8FFFFFFF  }
0x99: {  	s19 =	sld [smem:$0x3FDB];
	_ =	sdelay $0x1  }
0x9a: {  	s5 =	simm.s32 $_scs_section_size  }
0x9b: {  	s6 =	simm.s32 $_size__tile_overlayer_lowered;
	s7 =	simm.s32 $_tile_overlayer_lowered  }
0x9c: {  	s22 =	simm.s32 $0x1BFF;
	s21 =	sshll.u32 s7, $0x1;
	s4 =	sadd.s32 s5, s19  }
0x9d: {  	s8 =	simm.s32 $0x0;
	s20 =	sshll.u32 s6, $0x1;
	s6 =	sadd.s32 s21, s4  }
0x9e: {  	[timem:s8], [sflag:s22] =	dma.local [hbm:s6], s20  }
0x9f: {  	_ =	swait.ge [sflag:s22], s20  }
0xa0: {  	s5 =	ssub.s32 $0x0, s20;
	[sflag:s22] =	ssyncset.done $0x0  }
0xa1: {  	[sflag:s22] =	ssyncadd.s32 s5;
	_ =	sdelay $0x1  }
0xa2: {  	s23 =	simm.s32 $0x1B8B  }
0xa3: {  	_ =	swait.ge [sflag:s23], $0x1  }
0xa4: {  	[sflag:s23] =	ssyncset.done $0x0  }
0xa5: {  	s25 =	simm.s32 $0x1B8E;
	s24 =	sld [smem:$0x3FFE];
	[sflag:s23] =	ssyncadd.s32 $0xFFFFFFFF  }
0xa6: {  	s26 =	simm.s32 $execute0_lowered;
	[smem:$0x3FD2] =	sst s25  }
0xa7: {  	s6 =	sshll.u32 s26, $0x1;
	_ =	strace $0x80000046;
	[dreg:$0x1] =	wrdreg $0xFFFFFFFF  }
0xa8: {  	s28 =	simm.s32 $_size_execute0_lowered;
	s4 =	sadd.s32 s4, s6;
	[dreg:$0x0] =	wrdreg $0x0  }
0xa9: {  	s6 =	sshll.u32 s28, $0x1;
	[dreg:$0x2] =	wrdreg s4  }
0xaa: {  	[dreg:$0x3] =	wrdreg s6  }
0xab: {  	[dreg:$0x4] =	wrdreg $0xC0  }
0xac: {  	_ =	task [dreg:s8], $0x5FFFF  }
0xad: {  	[dreg:$0x1] =	wrdreg $0xFFFFFFFF  }
0xae: {  	[dreg:$0x0] =	wrdreg $0x60  }
0xaf: {  	[dreg:$0x2] =	wrdreg s24  }
0xb0: {  	[dreg:$0x3] =	wrdreg s2  }
0xb1: {  	[dreg:$0x4] =	wrdreg s18  }
0xb2: {  	[dreg:$0x5] =	wrdreg $0x9  }
0xb3: {  	_ =	task.clear_ibuf [dreg:s8], $0x6FFFF;
	_ =	strace $0x90000046  }
0xb4: {  	s29 =	simm.s32 $0x9;
	_ =	strace $0x80000048  }
0xb5: {  	_ =	swait.ge [sflag:s29], $0x1  }
0xb6: {  	[sflag:s29] =	ssyncadd.s32 $0xFFFFFFFF  }
0xb7: {  	_ =	strace $0x90000048  }
0xb8: {  	_ =	sfence  }
0xb9: {  	s30 =	sld [smem:$0x0];
	_ =	sdelay $0x2  }
0xba: {  	s31 =	sshll.u32 s1, $0xD;
	s1 =	sshrl.u32 s1, $0x2  }
0xbb: {  	s3 =	sand.u32 $0x4000, s31;
	s1 =	sadd.s32 s1, s30  }
0xbc: {  	s0 =	sor.u32 s3, s0;
	s1 =	sshll.u32 s1, $0x11  }
0xbd: {  	s0 =	sor.u32 s1, s0  }
0xbe: {  	s0 =	sadd.s32 $0x8F2B, s0  }
0xbf: {  	[sflag:s0] =	ssyncadd.remote.s32 $0x1  }
0xc0: {  	_ =	sfence.sel $0xFFFF  }
0xc1: {  	[dreg:$0x0] =	wrdreg $0xFFFFFFFF;
	(pc) =	sbr.abs _section_cstart, $3  }
0xc2: {  	[dreg:$0x1] =	wrdreg $0xFFFFFFFF  }
0xc3: {  	_ =	task.clear_ibuf [dreg:s8], $0x2FFFF;
	_ =	strace $0x9FFFFFFF  }
0xc4: {  	(tm) =	ssettm $0x7FFFFFFF  }
0xc5: {  	_ =	shalt  }
tec
execute0_lowered:
.L_overlay_start_1:
0x0: {  	(tag) =	ssettag $0x1  }
0x1: {  	s0 =	rddreg [dreg:$0x0];
	s1 =	srdreg.scid  }
0x2: {  	s6 =	rddreg [dreg:$0x1];
	s2 =	stileid.u32  }
0x3: {  	s7 =	rddreg [dreg:$0x2];
	s15 =	simm.s32 $0x4;
	s18 =	simm.s32 $0x1  }
0x4: {  	s20 =	simm.s32 $0x3;
	s22 =	simm.s32 $0x2;
	s1 =	sand.u32 $0x1, s1  }
0x5: {  	s3 =	sshll.u32 s2, $0xA;
	s2 =	simm.s32 $0x0;
	s4 =	sshll.u32 s1, $0x9  }
0x6: {  	s11 =	sadd.s32 $0x7C6000, s0;
	s13 =	sadd.s32 $0x806000, s0;
	s8 =	sor.u32 s4, s3  }
0x7: {  	[smem:$0x7FF] =	sst s2;
	s1 =	ssub.s32 $0x2, s1;
	s9 =	sshrl.u32 s8, $0x3  }
0x8: {  	_ =	strace $0x80000047;
	s3 =	sadd.s32 $0x1800, s0;
	s23 =	sadd.s32 s6, s9  }
0x9: {  	s25 =	sshll.u32 s8, $0x4;
	s24 =	sadd.s32 s7, s9;
	[dreg:$0x5] =	wrdreg s23  }
0xa: {  	s4 =	sadd.s32 $0x7C1800, s0;
	s26 =	sadd.s32 s11, s25;
	[dreg:$0x6] =	wrdreg s24  }
0xb: {  	s5 =	sadd.s32 s9, s0;
	s29 =	sadd.s32 s13, s25;
	[dreg:$0x7] =	wrdreg s26  }
0xc: {  	s0 =	sadd.s32 $0x846000, s0;
	s5 =	sadd.s32 $0x7C5800, s5;
	[dreg:$0x9] =	wrdreg s29  }
0xd: {  	s14 =	sor.u32 $0x1000, s25;
	s28 =	sadd.s32 s0, s25;
	[dreg:$0x4] =	wrdreg s5  }
0xe: {  	s10 =	sshrl.u32 s1, $0x1;
	s30 =	sadd.s32 s11, s14;
	[dreg:$0x8] =	wrdreg s28  }
0xf: {  	s1 =	ssub.s32 s1, s10;
	s0 =	sadd.s32 s0, s14;
	[dreg:$0xa] =	wrdreg s30  }
0x10: {  	s31 =	sadd.s32 s13, s14;
	s14 =	smax.u32 s1, $0x1;
	[dreg:$0xb] =	wrdreg s0  }
0x11: {  	s13 =	simm.s32 $0x600;
	s24 =	simm.s32 $0x0;
	[dreg:$0xc] =	wrdreg s31  }
.LBB2_1:
0x12: {  	s0 =	rddreg [dreg:$0x4]  }
0x13: {  	[tilespmem:s2], [sflag:$0x4] =	stream.linear.gather [hbm4b:s0+s2], $0x200, $0x38;
	[tilespmem:$0x18600] =	vst v63  }
0x14: {  	_ =	swait.ge [sflag:s15], $0x200  }
0x15: {  	[sflag:s15] =	ssyncset.done $0x0  }
0x16: {  	s1 =	simm.s32 $0x200;
	s26 =	rddreg [dreg:$0x5];
	[sflag:s15] =	ssyncadd.s32 $0xFFFFFE00  }
0x17: {  	[tilespmem:s1], [sflag:$0x4] =	stream.linear.gather [hbm4b:s26+s2], $0x200, $0x38;
	[tilespmem:$0x18600] =	vst v63  }
0x18: {  	_ =	swait.ge [sflag:s15], $0x200  }
0x19: {  	[sflag:s15] =	ssyncset.done $0x0  }
0x1a: {  	s31 =	simm.s32 $0x400;
	s30 =	rddreg [dreg:$0x6];
	[sflag:s15] =	ssyncadd.s32 $0xFFFFFE00  }
0x1b: {  	[tilespmem:s31], [sflag:$0x4] =	stream.linear.gather [hbm4b:s30+s2], $0x200, $0x38;
	[tilespmem:$0x18600] =	vst v63  }
0x1c: {  	_ =	swait.ge [sflag:s15], $0x200  }
0x1d: {  	[sflag:s15] =	ssyncset.done $0x0  }
0x1e: {  	[sflag:s15] =	ssyncadd.s32 $0xFFFFFE00  }
0x1f: {  	v0 =	vld [tilespmem:s2+$0x0];
	_ =	sdelay $0x4  }
0x20: {  	v0 =	vshll.u32 v0, $0x4  }
0x21: {  	(v2sf) =	vpush v0, $0x0  }
0x22: {  	(v2sf) =	vpush v0, $0x1  }
0x23: {  	(v2sf) =	vpush v0, $0x2;
	_ =	sdelay $0x1  }
0x24: {  	(v2sf) =	vpush v0, $0x4;
	_ =	sdelay $0x1  }
0x25: {  	(v2sf) =	vpush v0, $0x3  }
0x26: {  	(v2sf) =	vpush v0, $0x5  }
0x27: {  	s28 =	simm.s32 $0x2000;
	s29 =	simm.s32 $0x0;
	s26 =	simm.s32 $0x0;
	(v2sf) =	vpush v0, $0x6  }
.LBB2_2:
0x28: {  	p0 =	sne.s32 s28, $0x1E000  }
0x29: {  	s5 =	sadd.s32 $0x680, s26;
	s0 =	sadd.s32 $0xB80, s26;
	s30 =	smov.u32 s28  }
0x2a: {  	s28 =	sadd.s32 $0x2000, s28;
	s19 =	sadd.s32 $0x980, s26;
	s31 =	sadd.s32 $0xC00, s26;
	(v2sf) =	vpush v0, $0x7  }
0x2b: {  	s23 =	sadd.s32 $0x880, s26;
	s16 =	sadd.s32 $0xA00, s26;
	s1 =	sadd.s32 $0xC80, s26  }
0x2c: {  	s6 =	sadd.s32 $0x600, s26;
	s7 =	sadd.s32 $0x800, s26;
	(v2sf) =	vpush v0, $0x8  }
0x2d: {  	s25 =	simm.s32 $0x0;
	s8 =	sadd.s32 $0x900, s26;
	s29 =	sadd.s32 $0x10, s29  }
0x2e: {  	s9 =	sadd.s32 $0x700, s26;
	s17 =	sadd.s32 $0xB00, s26;
	s21 =	spop (v2sf);
	(v2sf) =	vpush v0, $0x9  }
0x2f: {  	s10 =	sand.u32 $0x1FFFFFF0, s21;
	s21 =	sadd.s32 $0xA80, s26;
	s11 =	spop (v2sf)  }
0x30: {  	s10 =	sadd.s32 s3, s10;
	s11 =	sand.u32 $0x1FFFFFF0, s11;
	s12 =	spop (v2sf);
	(v2sf) =	vpush v0, $0xA  }
0x31: {  	[tilespmem:s6], [sflag:$0x1] =	stream.linear.gather [hbm4b:s10+s25], $0x80, $0x38;
	[tilespmem:$0x18600] =	vst v63  }
0x32: {  	s6 =	sadd.s32 s3, s11;
	s10 =	sadd.s32 $0x780, s26;
	s11 =	spop (v2sf);
	(v2sf) =	vpush v0, $0xB  }
0x33: {  	[tilespmem:s5], [sflag:$0x1] =	stream.linear.gather [hbm4b:s6+s25], $0x80, $0x38;
	[tilespmem:$0x18600] =	vst v63  }
0x34: {  	s5 =	sand.u32 $0x1FFFFFF0, s12;
	s6 =	sand.u32 $0x1FFFFFF0, s11;
	s11 =	spop (v2sf);
	(v2sf) =	vpush v0, $0xC  }
0x35: {  	s5 =	sadd.s32 s3, s5;
	s11 =	sand.u32 $0x1FFFFFF0, s11;
	s12 =	spop (v2sf)  }
0x36: {  	[tilespmem:s9], [sflag:$0x1] =	stream.linear.gather [hbm4b:s5+s25], $0x80, $0x38;
	(v2sf) =	vpush v0, $0xD;
	[tilespmem:$0x18600] =	vst v63  }
0x37: {  	s5 =	sadd.s32 s3, s11;
	s9 =	sand.u32 $0x1FFFFFF0, s12;
	s11 =	spop (v2sf)  }
0x38: {  	[tilespmem:s10], [sflag:$0x1] =	stream.linear.gather [hbm4b:s5+s25], $0x80, $0x38;
	(v2sf) =	vpush v0, $0xE;
	[tilespmem:$0x18600] =	vst v63  }
0x39: {  	s5 =	sadd.s32 s3, s6;
	s6 =	sand.u32 $0x1FFFFFF0, s11;
	s10 =	spop (v2sf)  }
0x3a: {  	[tilespmem:s7], [sflag:$0x1] =	stream.linear.gather [hbm4b:s5+s25], $0x80, $0x38;
	(v2sf) =	vpush v0, $0xF;
	[tilespmem:$0x18600] =	vst v63  }
0x3b: {  	s5 =	sadd.s32 s3, s9;
	s7 =	sand.u32 $0x1FFFFFF0, s10;
	s9 =	spop (v2sf)  }
0x3c: {  	[tilespmem:s23], [sflag:$0x1] =	stream.linear.gather [hbm4b:s5+s25], $0x80, $0x38;
	[tilespmem:$0x18600] =	vst v63  }
0x3d: {  	s5 =	sadd.s32 s3, s6;
	s6 =	sand.u32 $0x1FFFFFF0, s9;
	s9 =	spop (v2sf)  }
0x3e: {  	[tilespmem:s8], [sflag:$0x1] =	stream.linear.gather [hbm4b:s5+s25], $0x80, $0x38;
	[tilespmem:$0x18600] =	vst v63  }
0x3f: {  	s5 =	sadd.s32 s3, s7;
	s7 =	sand.u32 $0x1FFFFFF0, s9;
	s8 =	spop (v2sf)  }
0x40: {  	[tilespmem:s19], [sflag:$0x1] =	stream.linear.gather [hbm4b:s5+s25], $0x80, $0x38;
	[tilespmem:$0x18600] =	vst v63  }
0x41: {  	s5 =	sadd.s32 s3, s6;
	s6 =	sand.u32 $0x1FFFFFF0, s8;
	s8 =	spop (v2sf)  }
0x42: {  	[tilespmem:s16], [sflag:$0x1] =	stream.linear.gather [hbm4b:s5+s25], $0x80, $0x38;
	[tilespmem:$0x18600] =	vst v63  }
0x43: {  	s5 =	sadd.s32 s3, s7;
	s7 =	sand.u32 $0x1FFFFFF0, s8;
	s8 =	spop (v2sf)  }
0x44: {  	[tilespmem:s21], [sflag:$0x1] =	stream.linear.gather [hbm4b:s5+s25], $0x80, $0x38;
	[tilespmem:$0x18600] =	vst v63  }
0x45: {  	s5 =	sadd.s32 s3, s6;
	s6 =	sand.u32 $0x1FFFFFF0, s8;
	s8 =	spop (v2sf)  }
0x46: {  	[tilespmem:s17], [sflag:$0x1] =	stream.linear.gather [hbm4b:s5+s25], $0x80, $0x38;
	[tilespmem:$0x18600] =	vst v63  }
0x47: {  	s5 =	sadd.s32 s3, s7;
	s7 =	sand.u32 $0x1FFFFFF0, s8;
	s8 =	spop (v2sf)  }
0x48: {  	[tilespmem:s0], [sflag:$0x1] =	stream.linear.gather [hbm4b:s5+s25], $0x80, $0x38;
	[tilespmem:$0x18600] =	vst v63  }
0x49: {  	s0 =	sadd.s32 s3, s6;
	s5 =	sand.u32 $0x1FFFFFF0, s8;
	s6 =	spop (v2sf)  }
0x4a: {  	[tilespmem:s31], [sflag:$0x1] =	stream.linear.gather [hbm4b:s0+s25], $0x80, $0x38;
	[tilespmem:$0x18600] =	vst v63  }
0x4b: {  	s0 =	sadd.s32 s3, s7;
	s6 =	sand.u32 $0x1FFFFFF0, s6  }
0x4c: {  	[tilespmem:s1], [sflag:$0x1] =	stream.linear.gather [hbm4b:s0+s25], $0x80, $0x38;
	[tilespmem:$0x18600] =	vst v63  }
0x4d: {  	s0 =	sadd.s32 $0xD00, s26;
	s1 =	sadd.s32 s3, s5  }
0x4e: {  	[tilespmem:s0], [sflag:$0x1] =	stream.linear.gather [hbm4b:s1+s25], $0x80, $0x38;
	[tilespmem:$0x18600] =	vst v63  }
0x4f: {  	s0 =	sadd.s32 $0xD80, s26;
	s1 =	sadd.s32 s3, s6  }
0x50: {  	[tilespmem:s0], [sflag:$0x1] =	stream.linear.gather [hbm4b:s1+s25], $0x80, $0x38;
	[tilespmem:$0x18600] =	vst v63  }
0x51: {  	v0 =	vld [tilespmem:s29+$0x0];
	_ =	sdelay $0x4  }
0x52: {  	v0 =	vshll.u32 v0, $0x4  }
0x53: {  	(v2sf) =	vpush v0, $0x0  }
0x54: {  	(v2sf) =	vpush v0, $0x1  }
0x55: {  	(v2sf) =	vpush v0, $0x2;
	_ =	sdelay $0x1  }
0x56: {  	(v2sf) =	vpush v0, $0x4  }
.Ltmp0:
0x57: {  	(pc) =	sbr.rel @p0 .LBB2_2-.Ltmp0, $3  }
0x58: {  	(v2sf) =	vpush v0, $0x3  }
0x59: {  	(v2sf) =	vpush v0, $0x5;
	_ =	sdelay $0x1  }
0x5a: {  	s26 =	sshra.s32 s30, $0x2;
	(v2sf) =	vpush v0, $0x6  }
0x5b: {  	_ =	sdelay $0x1  }
0x5c: {  	s5 =	sadd.s32 $0x680, s26;
	s16 =	sadd.s32 $0xB80, s26  }
0x5d: {  	s6 =	sadd.s32 $0x980, s26;
	s0 =	sadd.s32 $0xC00, s26;
	(v2sf) =	vpush v0, $0x7;
	s7 =	sadd.s32 $0x880, s26  }
0x5e: {  	s8 =	sadd.s32 $0xA00, s26;
	s1 =	sadd.s32 $0xC80, s26;
	s9 =	sadd.s32 $0x600, s26  }
0x5f: {  	s10 =	sadd.s32 $0x800, s26;
	s11 =	sadd.s32 $0x900, s26;
	(v2sf) =	vpush v0, $0x8;
	s12 =	spop (v2sf)  }
0x60: {  	s17 =	sadd.s32 $0x700, s26;
	s12 =	sand.u32 $0x1FFFFFF0, s12;
	s19 =	spop (v2sf)  }
0x61: {  	(v2sf) =	vpush v0, $0x9;
	s12 =	sadd.s32 s3, s12;
	s19 =	sand.u32 $0x1FFFFFF0, s19;
	s21 =	spop (v2sf)  }
0x62: {  	[tilespmem:s9], [sflag:$0x1] =	stream.linear.gather [hbm4b:s12+s25], $0x80, $0x38;
	[tilespmem:$0x18600] =	vst v63  }
0x63: {  	(v2sf) =	vpush v0, $0xA;
	s23 =	sadd.s32 s3, s19;
	s30 =	sand.u32 $0x1FFFFFF0, s21;
	s19 =	spop (v2sf)  }
0x64: {  	[tilespmem:s5], [sflag:$0x1] =	stream.linear.gather [hbm4b:s23+s25], $0x80, $0x38;
	[tilespmem:$0x18600] =	vst v63  }
0x65: {  	s9 =	sadd.s32 $0xB00, s26;
	(v2sf) =	vpush v0, $0xB;
	s12 =	sadd.s32 s3, s30;
	s31 =	spop (v2sf)  }
0x66: {  	s5 =	sadd.s32 $0xA80, s26;
	s23 =	sadd.s32 $0x780, s26;
	s21 =	sand.u32 $0x1FFFFFF0, s31  }
0x67: {  	(v2sf) =	vpush v0, $0xC;
	[tilespmem:s17], [sflag:$0x1] =	stream.linear.gather [hbm4b:s12+s25], $0x80, $0x38;
	[tilespmem:$0x18600] =	vst v63  }
0x68: {  	s12 =	sand.u32 $0x1FFFFFF0, s19;
	s30 =	spop (v2sf);
	s31 =	sadd.s32 s3, s21  }
0x69: {  	(v2sf) =	vpush v0, $0xD;
	[tilespmem:s23], [sflag:$0x1] =	stream.linear.gather [hbm4b:s31+s25], $0x80, $0x38;
	[tilespmem:$0x18600] =	vst v63  }
0x6a: {  	s17 =	sand.u32 $0x1FFFFFF0, s30;
	s12 =	sadd.s32 s3, s12;
	s21 =	spop (v2sf)  }
0x6b: {  	(v2sf) =	vpush v0, $0xE;
	[tilespmem:s10], [sflag:$0x1] =	stream.linear.gather [hbm4b:s12+s25], $0x80, $0x38;
	[tilespmem:$0x18600] =	vst v63  }
0x6c: {  	s17 =	sadd.s32 s3, s17;
	s23 =	sand.u32 $0x1FFFFFF0, s21;
	s30 =	spop (v2sf)  }
0x6d: {  	(v2sf) =	vpush v0, $0xF;
	[tilespmem:s7], [sflag:$0x1] =	stream.linear.gather [hbm4b:s17+s25], $0x80, $0x38;
	[tilespmem:$0x18600] =	vst v63  }
0x6e: {  	s31 =	sand.u32 $0x1FFFFFF0, s30;
	s10 =	sadd.s32 s3, s23;
	s17 =	spop (v2sf)  }
0x6f: {  	[tilespmem:s11], [sflag:$0x1] =	stream.linear.gather [hbm4b:s10+s25], $0x80, $0x38;
	[tilespmem:$0x18600] =	vst v63  }
0x70: {  	s7 =	sadd.s32 s3, s31;
	s19 =	sand.u32 $0x1FFFFFF0, s17;
	s21 =	spop (v2sf)  }
0x71: {  	[tilespmem:s6], [sflag:$0x1] =	stream.linear.gather [hbm4b:s7+s25], $0x80, $0x38;
	[tilespmem:$0x18600] =	vst v63  }
0x72: {  	s10 =	sadd.s32 s3, s19;
	s23 =	sand.u32 $0x1FFFFFF0, s21;
	s30 =	spop (v2sf)  }
0x73: {  	[tilespmem:s8], [sflag:$0x1] =	stream.linear.gather [hbm4b:s10+s25], $0x80, $0x38;
	[tilespmem:$0x18600] =	vst v63  }
0x74: {  	s7 =	sand.u32 $0x1FFFFFF0, s30;
	s6 =	sadd.s32 s3, s23;
	s31 =	spop (v2sf)  }
0x75: {  	[tilespmem:s5], [sflag:$0x1] =	stream.linear.gather [hbm4b:s6+s25], $0x80, $0x38;
	[tilespmem:$0x18600] =	vst v63  }
0x76: {  	s7 =	sadd.s32 s3, s7;
	s10 =	sand.u32 $0x1FFFFFF0, s31;
	s11 =	spop (v2sf)  }
0x77: {  	[tilespmem:s9], [sflag:$0x1] =	stream.linear.gather [hbm4b:s7+s25], $0x80, $0x38;
	[tilespmem:$0x18600] =	vst v63  }
0x78: {  	s5 =	sadd.s32 s3, s10;
	s6 =	sand.u32 $0x1FFFFFF0, s11;
	s12 =	spop (v2sf)  }
0x79: {  	[tilespmem:s16], [sflag:$0x1] =	stream.linear.gather [hbm4b:s5+s25], $0x80, $0x38;
	[tilespmem:$0x18600] =	vst v63  }
0x7a: {  	s6 =	sadd.s32 s3, s6;
	s17 =	spop (v2sf);
	s16 =	sand.u32 $0x1FFFFFF0, s12  }
0x7b: {  	[tilespmem:s0], [sflag:$0x1] =	stream.linear.gather [hbm4b:s6+s25], $0x80, $0x38;
	[tilespmem:$0x18600] =	vst v63  }
0x7c: {  	s19 =	sand.u32 $0x1FFFFFF0, s17;
	s21 =	spop (v2sf);
	s5 =	sadd.s32 s3, s16  }
0x7d: {  	[tilespmem:s1], [sflag:$0x1] =	stream.linear.gather [hbm4b:s5+s25], $0x80, $0x38;
	[tilespmem:$0x18600] =	vst v63  }
0x7e: {  	s30 =	sadd.s32 $0xD00, s26;
	s23 =	sand.u32 $0x1FFFFFF0, s21;
	s0 =	sadd.s32 s3, s19  }
0x7f: {  	[tilespmem:s30], [sflag:$0x1] =	stream.linear.gather [hbm4b:s0+s25], $0x80, $0x38;
	[tilespmem:$0x18600] =	vst v63  }
0x80: {  	s28 =	simm.s32 $0x400;
	s31 =	sadd.s32 $0xD80, s26;
	s1 =	sadd.s32 s3, s23  }
0x81: {  	[tilespmem:s31], [sflag:$0x1] =	stream.linear.gather [hbm4b:s1+s25], $0x80, $0x38;
	[tilespmem:$0x18600] =	vst v63  }
0x82: {  	v0 =	vld [tilespmem:s28+$0x0];
	_ =	sdelay $0x4  }
0x83: {  	v0 =	vshll.u32 v0, $0x4  }
0x84: {  	(v2sf) =	vpush v0, $0x0  }
0x85: {  	(v2sf) =	vpush v0, $0x1  }
0x86: {  	(v2sf) =	vpush v0, $0x2;
	_ =	sdelay $0x1  }
0x87: {  	(v2sf) =	vpush v0, $0x4;
	_ =	sdelay $0x1  }
0x88: {  	(v2sf) =	vpush v0, $0x3  }
0x89: {  	(v2sf) =	vpush v0, $0x5  }
0x8a: {  	s29 =	simm.s32 $0x2000;
	s26 =	simm.s32 $0x0;
	(v2sf) =	vpush v0, $0x6  }
.LBB2_4:
0x8b: {  	p0 =	sne.s32 s29, $0x1E000  }
0x8c: {  	s5 =	sadd.s32 $0x10680, s26;
	s31 =	sadd.s32 $0x10B80, s26;
	s30 =	smov.u32 s29  }
0x8d: {  	s29 =	sadd.s32 $0x2000, s29;
	s19 =	sadd.s32 $0x10980, s26;
	s0 =	sadd.s32 $0x10C00, s26;
	(v2sf) =	vpush v0, $0x7  }
0x8e: {  	s23 =	sadd.s32 $0x10880, s26;
	s17 =	sadd.s32 $0x10A00, s26;
	s1 =	sadd.s32 $0x10C80, s26  }
0x8f: {  	s6 =	sadd.s32 $0x10600, s26;
	s7 =	sadd.s32 $0x10800, s26;
	(v2sf) =	vpush v0, $0x8  }
0x90: {  	s8 =	sadd.s32 $0x10900, s26;
	s28 =	sadd.s32 $0x10, s28  }
0x91: {  	s9 =	sadd.s32 $0x10700, s26;
	s16 =	sadd.s32 $0x10B00, s26;
	s10 =	spop (v2sf);
	(v2sf) =	vpush v0, $0x9  }
0x92: {  	s21 =	sadd.s32 $0x10A80, s26;
	s10 =	sand.u32 $0x1FFFFFF0, s10;
	s11 =	spop (v2sf)  }
0x93: {  	s10 =	sadd.s32 s3, s10;
	s11 =	sand.u32 $0x1FFFFFF0, s11;
	s12 =	spop (v2sf);
	(v2sf) =	vpush v0, $0xA  }
0x94: {  	[tilespmem:s6], [sflag:$0x3] =	stream.linear.gather [hbm4b:s10+s25], $0x80, $0x38;
	[tilespmem:$0x18600] =	vst v63  }
0x95: {  	s6 =	sadd.s32 s3, s11;
	s10 =	sadd.s32 $0x10780, s26;
	s11 =	spop (v2sf);
	(v2sf) =	vpush v0, $0xB  }
0x96: {  	[tilespmem:s5], [sflag:$0x3] =	stream.linear.gather [hbm4b:s6+s25], $0x80, $0x38;
	[tilespmem:$0x18600] =	vst v63  }
0x97: {  	s5 =	sand.u32 $0x1FFFFFF0, s12;
	s6 =	sand.u32 $0x1FFFFFF0, s11;
	s11 =	spop (v2sf);
	(v2sf) =	vpush v0, $0xC  }
0x98: {  	s5 =	sadd.s32 s3, s5;
	s11 =	sand.u32 $0x1FFFFFF0, s11;
	s12 =	spop (v2sf)  }
0x99: {  	[tilespmem:s9], [sflag:$0x3] =	stream.linear.gather [hbm4b:s5+s25], $0x80, $0x38;
	(v2sf) =	vpush v0, $0xD;
	[tilespmem:$0x18600] =	vst v63  }
0x9a: {  	s5 =	sadd.s32 s3, s11;
	s9 =	sand.u32 $0x1FFFFFF0, s12;
	s11 =	spop (v2sf)  }
0x9b: {  	[tilespmem:s10], [sflag:$0x3] =	stream.linear.gather [hbm4b:s5+s25], $0x80, $0x38;
	(v2sf) =	vpush v0, $0xE;
	[tilespmem:$0x18600] =	vst v63  }
0x9c: {  	s5 =	sadd.s32 s3, s6;
	s6 =	sand.u32 $0x1FFFFFF0, s11;
	s10 =	spop (v2sf)  }
0x9d: {  	[tilespmem:s7], [sflag:$0x3] =	stream.linear.gather [hbm4b:s5+s25], $0x80, $0x38;
	(v2sf) =	vpush v0, $0xF;
	[tilespmem:$0x18600] =	vst v63  }
0x9e: {  	s5 =	sadd.s32 s3, s9;
	s7 =	sand.u32 $0x1FFFFFF0, s10;
	s9 =	spop (v2sf)  }
0x9f: {  	[tilespmem:s23], [sflag:$0x3] =	stream.linear.gather [hbm4b:s5+s25], $0x80, $0x38;
	[tilespmem:$0x18600] =	vst v63  }
0xa0: {  	s5 =	sadd.s32 s3, s6;
	s6 =	sand.u32 $0x1FFFFFF0, s9;
	s9 =	spop (v2sf)  }
0xa1: {  	[tilespmem:s8], [sflag:$0x3] =	stream.linear.gather [hbm4b:s5+s25], $0x80, $0x38;
	[tilespmem:$0x18600] =	vst v63  }
0xa2: {  	s5 =	sadd.s32 s3, s7;
	s7 =	sand.u32 $0x1FFFFFF0, s9;
	s8 =	spop (v2sf)  }
0xa3: {  	[tilespmem:s19], [sflag:$0x3] =	stream.linear.gather [hbm4b:s5+s25], $0x80, $0x38;
	[tilespmem:$0x18600] =	vst v63  }
0xa4: {  	s5 =	sadd.s32 s3, s6;
	s6 =	sand.u32 $0x1FFFFFF0, s8;
	s8 =	spop (v2sf)  }
0xa5: {  	[tilespmem:s17], [sflag:$0x3] =	stream.linear.gather [hbm4b:s5+s25], $0x80, $0x38;
	[tilespmem:$0x18600] =	vst v63  }
0xa6: {  	s5 =	sadd.s32 s3, s7;
	s7 =	sand.u32 $0x1FFFFFF0, s8;
	s8 =	spop (v2sf)  }
0xa7: {  	[tilespmem:s21], [sflag:$0x3] =	stream.linear.gather [hbm4b:s5+s25], $0x80, $0x38;
	[tilespmem:$0x18600] =	vst v63  }
0xa8: {  	s5 =	sadd.s32 s3, s6;
	s6 =	sand.u32 $0x1FFFFFF0, s8;
	s8 =	spop (v2sf)  }
0xa9: {  	[tilespmem:s16], [sflag:$0x3] =	stream.linear.gather [hbm4b:s5+s25], $0x80, $0x38;
	[tilespmem:$0x18600] =	vst v63  }
0xaa: {  	s5 =	sadd.s32 s3, s7;
	s7 =	sand.u32 $0x1FFFFFF0, s8;
	s8 =	spop (v2sf)  }
0xab: {  	[tilespmem:s31], [sflag:$0x3] =	stream.linear.gather [hbm4b:s5+s25], $0x80, $0x38;
	[tilespmem:$0x18600] =	vst v63  }
0xac: {  	s5 =	sadd.s32 s3, s6;
	s6 =	sand.u32 $0x1FFFFFF0, s8;
	s8 =	spop (v2sf)  }
0xad: {  	[tilespmem:s0], [sflag:$0x3] =	stream.linear.gather [hbm4b:s5+s25], $0x80, $0x38;
	[tilespmem:$0x18600] =	vst v63  }
0xae: {  	s0 =	sadd.s32 s3, s7;
	s5 =	sand.u32 $0x1FFFFFF0, s8  }
0xaf: {  	[tilespmem:s1], [sflag:$0x3] =	stream.linear.gather [hbm4b:s0+s25], $0x80, $0x38;
	[tilespmem:$0x18600] =	vst v63  }
0xb0: {  	s0 =	sadd.s32 $0x10D00, s26;
	s1 =	sadd.s32 s3, s6  }
0xb1: {  	[tilespmem:s0], [sflag:$0x3] =	stream.linear.gather [hbm4b:s1+s25], $0x80, $0x38;
	[tilespmem:$0x18600] =	vst v63  }
0xb2: {  	s0 =	sadd.s32 $0x10D80, s26;
	s1 =	sadd.s32 s3, s5  }
0xb3: {  	[tilespmem:s0], [sflag:$0x3] =	stream.linear.gather [hbm4b:s1+s25], $0x80, $0x38;
	[tilespmem:$0x18600] =	vst v63  }
0xb4: {  	v0 =	vld [tilespmem:s28+$0x0];
	_ =	sdelay $0x4  }
0xb5: {  	v0 =	vshll.u32 v0, $0x4  }
0xb6: {  	(v2sf) =	vpush v0, $0x0  }
0xb7: {  	(v2sf) =	vpush v0, $0x1  }
0xb8: {  	(v2sf) =	vpush v0, $0x2;
	_ =	sdelay $0x1  }
0xb9: {  	(v2sf) =	vpush v0, $0x4  }
.Ltmp1:
0xba: {  	(pc) =	sbr.rel @p0 .LBB2_4-.Ltmp1, $3  }
0xbb: {  	(v2sf) =	vpush v0, $0x3  }
0xbc: {  	(v2sf) =	vpush v0, $0x5;
	_ =	sdelay $0x1  }
0xbd: {  	s26 =	sshra.s32 s30, $0x2;
	(v2sf) =	vpush v0, $0x6  }
0xbe: {  	_ =	sdelay $0x1  }
0xbf: {  	s5 =	sadd.s32 $0x10680, s26;
	s16 =	sadd.s32 $0x10B80, s26  }
0xc0: {  	s6 =	sadd.s32 $0x10980, s26;
	s0 =	sadd.s32 $0x10C00, s26;
	(v2sf) =	vpush v0, $0x7;
	s7 =	sadd.s32 $0x10880, s26  }
0xc1: {  	s8 =	sadd.s32 $0x10A00, s26;
	s1 =	sadd.s32 $0x10C80, s26;
	s9 =	sadd.s32 $0x10600, s26  }
0xc2: {  	s10 =	sadd.s32 $0x10800, s26;
	s11 =	sadd.s32 $0x10900, s26;
	(v2sf) =	vpush v0, $0x8;
	s12 =	spop (v2sf)  }
0xc3: {  	s17 =	sadd.s32 $0x10700, s26;
	s12 =	sand.u32 $0x1FFFFFF0, s12;
	s19 =	spop (v2sf)  }
0xc4: {  	(v2sf) =	vpush v0, $0x9;
	s12 =	sadd.s32 s3, s12;
	s19 =	sand.u32 $0x1FFFFFF0, s19;
	s21 =	spop (v2sf)  }
0xc5: {  	[tilespmem:s9], [sflag:$0x3] =	stream.linear.gather [hbm4b:s12+s25], $0x80, $0x38;
	[tilespmem:$0x18600] =	vst v63  }
0xc6: {  	s23 =	sadd.s32 $0x10780, s26;
	(v2sf) =	vpush v0, $0xA;
	s30 =	sadd.s32 s3, s19;
	s31 =	spop (v2sf)  }
0xc7: {  	[tilespmem:s5], [sflag:$0x3] =	stream.linear.gather [hbm4b:s30+s25], $0x80, $0x38;
	[tilespmem:$0x18600] =	vst v63  }
0xc8: {  	s9 =	sadd.s32 $0x10B00, s26;
	s21 =	sand.u32 $0x1FFFFFF0, s21;
	(v2sf) =	vpush v0, $0xB;
	s29 =	spop (v2sf)  }
0xc9: {  	s12 =	sadd.s32 s3, s21;
	s5 =	sadd.s32 $0x10A80, s26;
	s21 =	sand.u32 $0x1FFFFFF0, s29  }
0xca: {  	(v2sf) =	vpush v0, $0xC;
	[tilespmem:s17], [sflag:$0x3] =	stream.linear.gather [hbm4b:s12+s25], $0x80, $0x38;
	[tilespmem:$0x18600] =	vst v63  }
0xcb: {  	s30 =	sand.u32 $0x1FFFFFF0, s31;
	s31 =	spop (v2sf);
	s21 =	sadd.s32 s3, s21  }
0xcc: {  	(v2sf) =	vpush v0, $0xD;
	[tilespmem:s23], [sflag:$0x3] =	stream.linear.gather [hbm4b:s21+s25], $0x80, $0x38;
	[tilespmem:$0x18600] =	vst v63  }
0xcd: {  	s12 =	sadd.s32 s3, s30;
	s17 =	sand.u32 $0x1FFFFFF0, s31;
	s29 =	spop (v2sf)  }
0xce: {  	(v2sf) =	vpush v0, $0xE;
	[tilespmem:s10], [sflag:$0x3] =	stream.linear.gather [hbm4b:s12+s25], $0x80, $0x38;
	[tilespmem:$0x18600] =	vst v63  }
0xcf: {  	s17 =	sadd.s32 s3, s17;
	s30 =	sand.u32 $0x1FFFFFF0, s29;
	s31 =	spop (v2sf)  }
0xd0: {  	(v2sf) =	vpush v0, $0xF;
	[tilespmem:s7], [sflag:$0x3] =	stream.linear.gather [hbm4b:s17+s25], $0x80, $0x38;
	[tilespmem:$0x18600] =	vst v63  }
0xd1: {  	s19 =	spop (v2sf);
	s10 =	sadd.s32 s3, s30;
	s17 =	sand.u32 $0x1FFFFFF0, s31  }
0xd2: {  	[tilespmem:s11], [sflag:$0x3] =	stream.linear.gather [hbm4b:s10+s25], $0x80, $0x38;
	[tilespmem:$0x18600] =	vst v63  }
0xd3: {  	s21 =	sand.u32 $0x1FFFFFF0, s19;
	s7 =	sadd.s32 s3, s17;
	s23 =	spop (v2sf)  }
0xd4: {  	[tilespmem:s6], [sflag:$0x3] =	stream.linear.gather [hbm4b:s7+s25], $0x80, $0x38;
	[tilespmem:$0x18600] =	vst v63  }
0xd5: {  	s10 =	sadd.s32 s3, s21;
	s29 =	sand.u32 $0x1FFFFFF0, s23;
	s30 =	spop (v2sf)  }
0xd6: {  	[tilespmem:s8], [sflag:$0x3] =	stream.linear.gather [hbm4b:s10+s25], $0x80, $0x38;
	[tilespmem:$0x18600] =	vst v63  }
0xd7: {  	s7 =	sand.u32 $0x1FFFFFF0, s30;
	s6 =	sadd.s32 s3, s29;
	s31 =	spop (v2sf)  }
0xd8: {  	[tilespmem:s5], [sflag:$0x3] =	stream.linear.gather [hbm4b:s6+s25], $0x80, $0x38;
	[tilespmem:$0x18600] =	vst v63  }
0xd9: {  	s7 =	sadd.s32 s3, s7;
	s10 =	sand.u32 $0x1FFFFFF0, s31;
	s11 =	spop (v2sf)  }
0xda: {  	[tilespmem:s9], [sflag:$0x3] =	stream.linear.gather [hbm4b:s7+s25], $0x80, $0x38;
	[tilespmem:$0x18600] =	vst v63  }
0xdb: {  	s5 =	sadd.s32 s3, s10;
	s6 =	sand.u32 $0x1FFFFFF0, s11;
	s12 =	spop (v2sf)  }
0xdc: {  	[tilespmem:s16], [sflag:$0x3] =	stream.linear.gather [hbm4b:s5+s25], $0x80, $0x38;
	[tilespmem:$0x18600] =	vst v63  }
0xdd: {  	s17 =	sand.u32 $0x1FFFFFF0, s12;
	s6 =	sadd.s32 s3, s6;
	s19 =	spop (v2sf)  }
0xde: {  	[tilespmem:s0], [sflag:$0x3] =	stream.linear.gather [hbm4b:s6+s25], $0x80, $0x38;
	[tilespmem:$0x18600] =	vst v63  }
0xdf: {  	s21 =	sand.u32 $0x1FFFFFF0, s19;
	s23 =	spop (v2sf);
	s5 =	sadd.s32 s3, s17  }
0xe0: {  	[tilespmem:s1], [sflag:$0x3] =	stream.linear.gather [hbm4b:s5+s25], $0x80, $0x38;
	[tilespmem:$0x18600] =	vst v63  }
0xe1: {  	s30 =	sadd.s32 $0x10D00, s26;
	s29 =	sand.u32 $0x1FFFFFF0, s23;
	s0 =	sadd.s32 s3, s21  }
0xe2: {  	[tilespmem:s30], [sflag:$0x3] =	stream.linear.gather [hbm4b:s0+s25], $0x80, $0x38;
	[tilespmem:$0x18600] =	vst v63  }
0xe3: {  	s31 =	sadd.s32 $0x10D80, s26;
	s26 =	simm.s32 $0x200;
	s1 =	sadd.s32 s3, s29  }
0xe4: {  	[tilespmem:s31], [sflag:$0x3] =	stream.linear.gather [hbm4b:s1+s25], $0x80, $0x38;
	[tilespmem:$0x18600] =	vst v63  }
0xe5: {  	v0 =	vld [tilespmem:s26+$0x0];
	_ =	sdelay $0x4  }
0xe6: {  	v0 =	vshll.u32 v0, $0x4  }
0xe7: {  	(v2sf) =	vpush v0, $0x0  }
0xe8: {  	(v2sf) =	vpush v0, $0x1  }
0xe9: {  	(v2sf) =	vpush v0, $0x2;
	_ =	sdelay $0x1  }
0xea: {  	(v2sf) =	vpush v0, $0x4;
	_ =	sdelay $0x1  }
0xeb: {  	(v2sf) =	vpush v0, $0x3  }
0xec: {  	(v2sf) =	vpush v0, $0x5  }
0xed: {  	s28 =	simm.s32 $0x2000;
	s25 =	simm.s32 $0x0;
	(v2sf) =	vpush v0, $0x6  }
.LBB2_6:
0xee: {  	p0 =	sne.s32 s28, $0x1E000  }
0xef: {  	s5 =	sadd.s32 $0x8680, s25;
	s30 =	sadd.s32 $0x8B80, s25;
	s29 =	smov.u32 s28  }
0xf0: {  	s28 =	sadd.s32 $0x2000, s28;
	s19 =	sadd.s32 $0x8980, s25;
	s0 =	sadd.s32 $0x8C00, s25;
	(v2sf) =	vpush v0, $0x7  }
0xf1: {  	s23 =	sadd.s32 $0x8880, s25;
	s17 =	sadd.s32 $0x8A00, s25;
	s1 =	sadd.s32 $0x8C80, s25  }
0xf2: {  	s6 =	sadd.s32 $0x8600, s25;
	s7 =	sadd.s32 $0x8800, s25;
	(v2sf) =	vpush v0, $0x8  }
0xf3: {  	s8 =	sadd.s32 $0x8900, s25;
	s26 =	sadd.s32 $0x10, s26  }
0xf4: {  	s9 =	sadd.s32 $0x8700, s25;
	s16 =	sadd.s32 $0x8B00, s25;
	s10 =	spop (v2sf);
	(v2sf) =	vpush v0, $0x9  }
0xf5: {  	s21 =	sadd.s32 $0x8A80, s25;
	s10 =	sand.u32 $0x1FFFFFF0, s10;
	s11 =	spop (v2sf)  }
0xf6: {  	s10 =	sadd.s32 s4, s10;
	s11 =	sand.u32 $0x1FFFFFF0, s11;
	s12 =	spop (v2sf);
	(v2sf) =	vpush v0, $0xA  }
0xf7: {  	[tilespmem:s6], [sflag:$0x2] =	stream.linear.gather [hbm4b:s10+s2], $0x80, $0x38;
	[tilespmem:$0x18600] =	vst v63  }
0xf8: {  	s6 =	sadd.s32 s4, s11;
	s10 =	sadd.s32 $0x8780, s25;
	s11 =	spop (v2sf);
	(v2sf) =	vpush v0, $0xB  }
0xf9: {  	[tilespmem:s5], [sflag:$0x2] =	stream.linear.gather [hbm4b:s6+s2], $0x80, $0x38;
	[tilespmem:$0x18600] =	vst v63  }
0xfa: {  	s5 =	sand.u32 $0x1FFFFFF0, s12;
	s6 =	sand.u32 $0x1FFFFFF0, s11;
	s11 =	spop (v2sf);
	(v2sf) =	vpush v0, $0xC  }
0xfb: {  	s5 =	sadd.s32 s4, s5;
	s11 =	sand.u32 $0x1FFFFFF0, s11;
	s12 =	spop (v2sf)  }
0xfc: {  	[tilespmem:s9], [sflag:$0x2] =	stream.linear.gather [hbm4b:s5+s2], $0x80, $0x38;
	(v2sf) =	vpush v0, $0xD;
	[tilespmem:$0x18600] =	vst v63  }
0xfd: {  	s5 =	sadd.s32 s4, s11;
	s9 =	sand.u32 $0x1FFFFFF0, s12;
	s11 =	spop (v2sf)  }
0xfe: {  	[tilespmem:s10], [sflag:$0x2] =	stream.linear.gather [hbm4b:s5+s2], $0x80, $0x38;
	(v2sf) =	vpush v0, $0xE;
	[tilespmem:$0x18600] =	vst v63  }
0xff: {  	s5 =	sadd.s32 s4, s6;
	s6 =	sand.u32 $0x1FFFFFF0, s11;
	s10 =	spop (v2sf)  }
0x100: {  	[tilespmem:s7], [sflag:$0x2] =	stream.linear.gather [hbm4b:s5+s2], $0x80, $0x38;
	(v2sf) =	vpush v0, $0xF;
	[tilespmem:$0x18600] =	vst v63  }
0x101: {  	s5 =	sadd.s32 s4, s9;
	s7 =	sand.u32 $0x1FFFFFF0, s10;
	s9 =	spop (v2sf)  }
0x102: {  	[tilespmem:s23], [sflag:$0x2] =	stream.linear.gather [hbm4b:s5+s2], $0x80, $0x38;
	[tilespmem:$0x18600] =	vst v63  }
0x103: {  	s5 =	sadd.s32 s4, s6;
	s6 =	sand.u32 $0x1FFFFFF0, s9;
	s9 =	spop (v2sf)  }
0x104: {  	[tilespmem:s8], [sflag:$0x2] =	stream.linear.gather [hbm4b:s5+s2], $0x80, $0x38;
	[tilespmem:$0x18600] =	vst v63  }
0x105: {  	s5 =	sadd.s32 s4, s7;
	s7 =	sand.u32 $0x1FFFFFF0, s9;
	s8 =	spop (v2sf)  }
0x106: {  	[tilespmem:s19], [sflag:$0x2] =	stream.linear.gather [hbm4b:s5+s2], $0x80, $0x38;
	[tilespmem:$0x18600] =	vst v63  }
0x107: {  	s5 =	sadd.s32 s4, s6;
	s6 =	sand.u32 $0x1FFFFFF0, s8;
	s8 =	spop (v2sf)  }
0x108: {  	[tilespmem:s17], [sflag:$0x2] =	stream.linear.gather [hbm4b:s5+s2], $0x80, $0x38;
	[tilespmem:$0x18600] =	vst v63  }
0x109: {  	s5 =	sadd.s32 s4, s7;
	s7 =	sand.u32 $0x1FFFFFF0, s8;
	s8 =	spop (v2sf)  }
0x10a: {  	[tilespmem:s21], [sflag:$0x2] =	stream.linear.gather [hbm4b:s5+s2], $0x80, $0x38;
	[tilespmem:$0x18600] =	vst v63  }
0x10b: {  	s5 =	sadd.s32 s4, s6;
	s6 =	sand.u32 $0x1FFFFFF0, s8;
	s8 =	spop (v2sf)  }
0x10c: {  	[tilespmem:s16], [sflag:$0x2] =	stream.linear.gather [hbm4b:s5+s2], $0x80, $0x38;
	[tilespmem:$0x18600] =	vst v63  }
0x10d: {  	s5 =	sadd.s32 s4, s7;
	s7 =	sand.u32 $0x1FFFFFF0, s8;
	s8 =	spop (v2sf)  }
0x10e: {  	[tilespmem:s30], [sflag:$0x2] =	stream.linear.gather [hbm4b:s5+s2], $0x80, $0x38;
	[tilespmem:$0x18600] =	vst v63  }
0x10f: {  	s5 =	sadd.s32 s4, s6;
	s6 =	sand.u32 $0x1FFFFFF0, s8;
	s8 =	spop (v2sf)  }
0x110: {  	[tilespmem:s0], [sflag:$0x2] =	stream.linear.gather [hbm4b:s5+s2], $0x80, $0x38;
	[tilespmem:$0x18600] =	vst v63  }
0x111: {  	s0 =	sadd.s32 s4, s7;
	s5 =	sand.u32 $0x1FFFFFF0, s8  }
0x112: {  	[tilespmem:s1], [sflag:$0x2] =	stream.linear.gather [hbm4b:s0+s2], $0x80, $0x38;
	[tilespmem:$0x18600] =	vst v63  }
0x113: {  	s0 =	sadd.s32 $0x8D00, s25;
	s1 =	sadd.s32 s4, s6  }
0x114: {  	[tilespmem:s0], [sflag:$0x2] =	stream.linear.gather [hbm4b:s1+s2], $0x80, $0x38;
	[tilespmem:$0x18600] =	vst v63  }
0x115: {  	s0 =	sadd.s32 $0x8D80, s25;
	s1 =	sadd.s32 s4, s5  }
0x116: {  	[tilespmem:s0], [sflag:$0x2] =	stream.linear.gather [hbm4b:s1+s2], $0x80, $0x38;
	[tilespmem:$0x18600] =	vst v63  }
0x117: {  	v0 =	vld [tilespmem:s26+$0x0];
	_ =	sdelay $0x4  }
0x118: {  	v0 =	vshll.u32 v0, $0x4  }
0x119: {  	(v2sf) =	vpush v0, $0x0  }
0x11a: {  	(v2sf) =	vpush v0, $0x1  }
0x11b: {  	(v2sf) =	vpush v0, $0x2;
	_ =	sdelay $0x1  }
0x11c: {  	(v2sf) =	vpush v0, $0x4  }
.Ltmp2:
0x11d: {  	(pc) =	sbr.rel @p0 .LBB2_6-.Ltmp2, $3  }
0x11e: {  	(v2sf) =	vpush v0, $0x3  }
0x11f: {  	(v2sf) =	vpush v0, $0x5;
	_ =	sdelay $0x1  }
0x120: {  	s25 =	sshra.s32 s29, $0x2;
	(v2sf) =	vpush v0, $0x6  }
0x121: {  	_ =	sdelay $0x3  }
0x122: {  	s1 =	sadd.s32 $0x8600, s25;
	s10 =	sadd.s32 $0x8700, s25  }
0x123: {  	s11 =	sadd.s32 $0x8780, s25;
	s12 =	sadd.s32 $0x8800, s25;
	s0 =	spop (v2sf);
	(v2sf) =	vpush v0, $0x7  }
0x124: {  	s21 =	sadd.s32 $0x8880, s25;
	s0 =	sand.u32 $0x1FFFFFF0, s0;
	s5 =	spop (v2sf)  }
0x125: {  	s0 =	sadd.s32 s4, s0;
	s5 =	sand.u32 $0x1FFFFFF0, s5;
	s6 =	spop (v2sf);
	(v2sf) =	vpush v0, $0x8  }
0x126: {  	[tilespmem:s1], [sflag:$0x2] =	stream.linear.gather [hbm4b:s0+s2], $0x80, $0x38;
	(v2sf) =	vpush v0, $0x9;
	[tilespmem:$0x18600] =	vst v63  }
0x127: {  	s1 =	sadd.s32 $0x8680, s25;
	s5 =	sadd.s32 s4, s5;
	s7 =	spop (v2sf)  }
0x128: {  	[tilespmem:s1], [sflag:$0x2] =	stream.linear.gather [hbm4b:s5+s2], $0x80, $0x38;
	[tilespmem:$0x18600] =	vst v63  }
0x129: {  	s26 =	sadd.s32 $0x8900, s25;
	s8 =	sand.u32 $0x1FFFFFF0, s6;
	s9 =	spop (v2sf)  }
0x12a: {  	s6 =	sadd.s32 $0x8980, s25;
	s0 =	sadd.s32 s4, s8;
	(v2sf) =	vpush v0, $0xA;
	s1 =	sand.u32 $0x1FFFFFF0, s9  }
0x12b: {  	[tilespmem:s10], [sflag:$0x2] =	stream.linear.gather [hbm4b:s0+s2], $0x80, $0x38;
	[tilespmem:$0x18600] =	vst v63  }
0x12c: {  	s16 =	sand.u32 $0x1FFFFFF0, s7;
	(v2sf) =	vpush v0, $0xB;
	s17 =	spop (v2sf);
	s1 =	sadd.s32 s4, s1  }
0x12d: {  	(v2sf) =	vpush v0, $0xC;
	[tilespmem:s11], [sflag:$0x2] =	stream.linear.gather [hbm4b:s1+s2], $0x80, $0x38;
	[tilespmem:$0x18600] =	vst v63  }
0x12e: {  	s5 =	sand.u32 $0x1FFFFFF0, s17;
	s19 =	spop (v2sf);
	s1 =	sadd.s32 s4, s16  }
0x12f: {  	(v2sf) =	vpush v0, $0xD;
	[tilespmem:s12], [sflag:$0x2] =	stream.linear.gather [hbm4b:s1+s2], $0x80, $0x38;
	[tilespmem:$0x18600] =	vst v63  }
0x130: {  	s10 =	sadd.s32 $0x8A00, s25;
	s5 =	sadd.s32 s4, s5;
	s23 =	sand.u32 $0x1FFFFFF0, s19  }
0x131: {  	(v2sf) =	vpush v0, $0xE;
	[tilespmem:s21], [sflag:$0x2] =	stream.linear.gather [hbm4b:s5+s2], $0x80, $0x38;
	[tilespmem:$0x18600] =	vst v63  }
0x132: {  	s17 =	sadd.s32 $0x8B00, s25;
	s1 =	sadd.s32 s4, s23;
	s31 =	spop (v2sf)  }
0x133: {  	[tilespmem:s26], [sflag:$0x2] =	stream.linear.gather [hbm4b:s1+s2], $0x80, $0x38;
	(v2sf) =	vpush v0, $0xF;
	[tilespmem:$0x18600] =	vst v63  }
0x134: {  	s12 =	sadd.s32 $0x8A80, s25;
	s7 =	sand.u32 $0x1FFFFFF0, s31;
	s8 =	spop (v2sf)  }
0x135: {  	s1 =	sadd.s32 s4, s7;
	s5 =	sand.u32 $0x1FFFFFF0, s8;
	s9 =	spop (v2sf)  }
0x136: {  	[tilespmem:s6], [sflag:$0x2] =	stream.linear.gather [hbm4b:s1+s2], $0x80, $0x38;
	[tilespmem:$0x18600] =	vst v63  }
0x137: {  	s26 =	sadd.s32 $0x8B80, s25;
	s11 =	sand.u32 $0x1FFFFFF0, s9;
	s5 =	sadd.s32 s4, s5  }
0x138: {  	[tilespmem:s10], [sflag:$0x2] =	stream.linear.gather [hbm4b:s5+s2], $0x80, $0x38;
	[tilespmem:$0x18600] =	vst v63  }
0x139: {  	s6 =	sadd.s32 $0x8C00, s25;
	s1 =	sadd.s32 s4, s11;
	s16 =	spop (v2sf)  }
0x13a: {  	[tilespmem:s12], [sflag:$0x2] =	stream.linear.gather [hbm4b:s1+s2], $0x80, $0x38;
	[tilespmem:$0x18600] =	vst v63  }
0x13b: {  	s8 =	sadd.s32 $0x8C80, s25;
	s19 =	sand.u32 $0x1FFFFFF0, s16;
	s21 =	spop (v2sf)  }
0x13c: {  	s5 =	sand.u32 $0x1FFFFFF0, s21;
	s23 =	spop (v2sf);
	s1 =	sadd.s32 s4, s19  }
0x13d: {  	[tilespmem:s17], [sflag:$0x2] =	stream.linear.gather [hbm4b:s1+s2], $0x80, $0x38;
	[tilespmem:$0x18600] =	vst v63  }
0x13e: {  	s31 =	sand.u32 $0x1FFFFFF0, s23;
	s5 =	sadd.s32 s4, s5;
	s7 =	spop (v2sf)  }
0x13f: {  	[tilespmem:s26], [sflag:$0x2] =	stream.linear.gather [hbm4b:s5+s2], $0x80, $0x38;
	[tilespmem:$0x18600] =	vst v63  }
0x140: {  	s1 =	sadd.s32 s4, s31;
	s9 =	sand.u32 $0x1FFFFFF0, s7;
	s10 =	spop (v2sf)  }
0x141: {  	[tilespmem:s6], [sflag:$0x2] =	stream.linear.gather [hbm4b:s1+s2], $0x80, $0x38;
	[tilespmem:$0x18600] =	vst v63  }
0x142: {  	s5 =	sand.u32 $0x1FFFFFF0, s10;
	s1 =	sadd.s32 s4, s9;
	s11 =	spop (v2sf)  }
0x143: {  	[tilespmem:s8], [sflag:$0x2] =	stream.linear.gather [hbm4b:s1+s2], $0x80, $0x38;
	[tilespmem:$0x18600] =	vst v63  }
0x144: {  	s16 =	sadd.s32 $0x8D00, s25;
	s5 =	sadd.s32 s4, s5;
	s12 =	sand.u32 $0x1FFFFFF0, s11  }
0x145: {  	[tilespmem:s16], [sflag:$0x2] =	stream.linear.gather [hbm4b:s5+s2], $0x80, $0x38;
	[tilespmem:$0x18600] =	vst v63  }
0x146: {  	s17 =	sadd.s32 $0x8D80, s25;
	s0 =	sadd.s32 s4, s12  }
0x147: {  	[tilespmem:s17], [sflag:$0x2] =	stream.linear.gather [hbm4b:s0+s2], $0x80, $0x38;
	[tilespmem:$0x18600] =	vst v63  }
0x148: {  	_ =	swait.ge [sflag:s18], $0x8000  }
0x149: {  	[sflag:s18] =	ssyncset.done $0x0  }
0x14a: {  	s25 =	simm.s32 $0x0;
	s19 =	rddreg [dreg:$0x7];
	[sflag:s18] =	ssyncadd.s32 $0xFFFF8000  }
0x14b: {  	[hbm4b:s19+s25] =	stream.linear.scatter [tilespmem:s13], [sflag:$0x4], $0x8000, $0x38;
	[tilespmem:$0x18600] =	vst v63  }
0x14c: {  	_ =	swait.ge [sflag:s15], $0x8000  }
0x14d: {  	[sflag:s15] =	ssyncset.done $0x0  }
0x14e: {  	[sflag:s15] =	ssyncadd.s32 $0xFFFF8000  }
0x14f: {  	_ =	swait.ge [sflag:s20], $0x8000  }
0x150: {  	[sflag:s20] =	ssyncset.done $0x0  }
0x151: {  	s23 =	simm.s32 $0x10600;
	s21 =	rddreg [dreg:$0x8];
	[sflag:s20] =	ssyncadd.s32 $0xFFFF8000  }
0x152: {  	[hbm4b:s21+s25] =	stream.linear.scatter [tilespmem:s23], [sflag:$0x4], $0x8000, $0x38;
	[tilespmem:$0x18600] =	vst v63  }
0x153: {  	_ =	swait.ge [sflag:s15], $0x8000  }
0x154: {  	[sflag:s15] =	ssyncset.done $0x0  }
0x155: {  	[sflag:s15] =	ssyncadd.s32 $0xFFFF8000  }
0x156: {  	_ =	swait.ge [sflag:s22], $0x8000  }
0x157: {  	[sflag:s22] =	ssyncset.done $0x0  }
0x158: {  	s31 =	simm.s32 $0x8600;
	s26 =	rddreg [dreg:$0x9];
	[sflag:s22] =	ssyncadd.s32 $0xFFFF8000  }
0x159: {  	[hbm4b:s26+s25] =	stream.linear.scatter [tilespmem:s31], [sflag:$0x4], $0x8000, $0x38;
	[tilespmem:$0x18600] =	vst v63  }
0x15a: {  	_ =	swait.ge [sflag:s15], $0x8000  }
0x15b: {  	[sflag:s15] =	ssyncset.done $0x0  }
0x15c: {  	s26 =	sand.u32 $0xF0, s25;
	[sflag:s15] =	ssyncadd.s32 $0xFFFF8000  }
0x15d: {  	v0 =	vld [tilespmem:s26+$0x100];
	_ =	sdelay $0x4  }
0x15e: {  	v0 =	vshll.u32 v0, $0x4  }
0x15f: {  	(v2sf) =	vpush v0, $0x0  }
0x160: {  	(v2sf) =	vpush v0, $0x2  }
0x161: {  	(v2sf) =	vpush v0, $0x1;
	_ =	sdelay $0x1  }
0x162: {  	(v2sf) =	vpush v0, $0x3  }
0x163: {  	(v2sf) =	vpush v0, $0x4;
	_ =	sdelay $0x2  }
0x164: {  	s28 =	simm.s32 $0x2000;
	s30 =	simm.s32 $0x10;
	s29 =	simm.s32 $0x0  }
.LBB2_8:
0x165: {  	p0 =	sne.s32 s28, $0x1E000;
	(v2sf) =	vpush v0, $0x5;
	s0 =	smov.u32 s28;
	s28 =	sadd.s32 $0x2000, s28  }
0x166: {  	s31 =	sshra.s32 s29, $0x2;
	s29 =	smov.u32 s0  }
0x167: {  	s5 =	sadd.s32 $0x680, s31;
	(v2sf) =	vpush v0, $0x6  }
0x168: {  	s6 =	sadd.s32 $0x600, s31  }
0x169: {  	s16 =	sadd.s32 $0xB80, s31;
	s1 =	sadd.s32 $0xC00, s31;
	s0 =	sadd.s32 $0xC80, s31;
	(v2sf) =	vpush v0, $0x7  }
0x16a: {  	s21 =	sadd.s32 $0xA00, s31;
	s19 =	sadd.s32 $0xA80, s31;
	s17 =	sadd.s32 $0xB00, s31  }
0x16b: {  	s7 =	sadd.s32 $0x900, s31;
	s23 =	sadd.s32 $0x980, s31;
	s8 =	spop (v2sf);
	(v2sf) =	vpush v0, $0x8  }
0x16c: {  	s9 =	sadd.s32 $0x700, s31;
	s8 =	sand.u32 $0x1FFFFFF0, s8;
	s10 =	spop (v2sf)  }
0x16d: {  	s11 =	sadd.s32 $0x880, s31;
	s8 =	sadd.s32 s3, s8;
	s12 =	spop (v2sf);
	(v2sf) =	vpush v0, $0x9  }
0x16e: {  	[tilespmem:s6], [sflag:$0x1] =	stream.linear.gather [hbm4b:s8+s25], $0x80, $0x38;
	[tilespmem:$0x18600] =	vst v63  }
0x16f: {  	s6 =	sand.u32 $0x1FFFFFF0, s12;
	s8 =	sand.u32 $0x1FFFFFF0, s10;
	s10 =	spop (v2sf);
	(v2sf) =	vpush v0, $0xA  }
0x170: {  	s12 =	sadd.s32 $0x800, s31;
	s6 =	sadd.s32 s3, s6;
	s13 =	spop (v2sf)  }
0x171: {  	[tilespmem:s5], [sflag:$0x1] =	stream.linear.gather [hbm4b:s6+s25], $0x80, $0x38;
	(v2sf) =	vpush v0, $0xB;
	[tilespmem:$0x18600] =	vst v63  }
0x172: {  	s5 =	sadd.s32 s3, s8;
	s6 =	sand.u32 $0x1FFFFFF0, s10;
	s8 =	sand.u32 $0x1FFFFFF0, s13  }
0x173: {  	[tilespmem:s9], [sflag:$0x1] =	stream.linear.gather [hbm4b:s5+s25], $0x80, $0x38;
	(v2sf) =	vpush v0, $0xC;
	[tilespmem:$0x18600] =	vst v63  }
0x174: {  	s6 =	sadd.s32 s3, s6;
	s5 =	sadd.s32 $0x780, s31;
	s9 =	spop (v2sf)  }
0x175: {  	[tilespmem:s5], [sflag:$0x1] =	stream.linear.gather [hbm4b:s6+s25], $0x80, $0x38;
	(v2sf) =	vpush v0, $0xD;
	[tilespmem:$0x18600] =	vst v63  }
0x176: {  	s5 =	sadd.s32 s3, s8;
	s6 =	sand.u32 $0x1FFFFFF0, s9;
	s8 =	spop (v2sf)  }
0x177: {  	[tilespmem:s12], [sflag:$0x1] =	stream.linear.gather [hbm4b:s5+s25], $0x80, $0x38;
	(v2sf) =	vpush v0, $0xE;
	[tilespmem:$0x18600] =	vst v63  }
0x178: {  	s5 =	sadd.s32 s3, s6;
	s6 =	sand.u32 $0x1FFFFFF0, s8;
	s8 =	spop (v2sf)  }
0x179: {  	[tilespmem:s11], [sflag:$0x1] =	stream.linear.gather [hbm4b:s5+s25], $0x80, $0x38;
	(v2sf) =	vpush v0, $0xF;
	[tilespmem:$0x18600] =	vst v63  }
0x17a: {  	s5 =	sadd.s32 s3, s6;
	s6 =	sand.u32 $0x1FFFFFF0, s8;
	s8 =	spop (v2sf)  }
0x17b: {  	[tilespmem:s7], [sflag:$0x1] =	stream.linear.gather [hbm4b:s5+s25], $0x80, $0x38;
	[tilespmem:$0x18600] =	vst v63  }
0x17c: {  	s5 =	sadd.s32 s3, s6;
	s6 =	sand.u32 $0x1FFFFFF0, s8;
	s7 =	spop (v2sf)  }
0x17d: {  	[tilespmem:s23], [sflag:$0x1] =	stream.linear.gather [hbm4b:s5+s25], $0x80, $0x38;
	[tilespmem:$0x18600] =	vst v63  }
0x17e: {  	s5 =	sadd.s32 s3, s6;
	s6 =	sand.u32 $0x1FFFFFF0, s7;
	s7 =	spop (v2sf)  }
0x17f: {  	[tilespmem:s21], [sflag:$0x1] =	stream.linear.gather [hbm4b:s5+s25], $0x80, $0x38;
	[tilespmem:$0x18600] =	vst v63  }
0x180: {  	s5 =	sadd.s32 s3, s6;
	s6 =	sand.u32 $0x1FFFFFF0, s7;
	s7 =	spop (v2sf)  }
0x181: {  	[tilespmem:s19], [sflag:$0x1] =	stream.linear.gather [hbm4b:s5+s25], $0x80, $0x38;
	[tilespmem:$0x18600] =	vst v63  }
0x182: {  	s5 =	sadd.s32 s3, s6;
	s6 =	sand.u32 $0x1FFFFFF0, s7;
	s7 =	spop (v2sf)  }
0x183: {  	[tilespmem:s17], [sflag:$0x1] =	stream.linear.gather [hbm4b:s5+s25], $0x80, $0x38;
	[tilespmem:$0x18600] =	vst v63  }
0x184: {  	s5 =	sadd.s32 s3, s6;
	s6 =	sand.u32 $0x1FFFFFF0, s7;
	s7 =	spop (v2sf)  }
0x185: {  	[tilespmem:s16], [sflag:$0x1] =	stream.linear.gather [hbm4b:s5+s25], $0x80, $0x38;
	[tilespmem:$0x18600] =	vst v63  }
0x186: {  	s5 =	sadd.s32 s3, s6;
	s6 =	sand.u32 $0x1FFFFFF0, s7;
	s7 =	spop (v2sf)  }
0x187: {  	[tilespmem:s1], [sflag:$0x1] =	stream.linear.gather [hbm4b:s5+s25], $0x80, $0x38;
	[tilespmem:$0x18600] =	vst v63  }
0x188: {  	s1 =	sadd.s32 s3, s6;
	s5 =	sand.u32 $0x1FFFFFF0, s7;
	s6 =	spop (v2sf)  }
0x189: {  	[tilespmem:s0], [sflag:$0x1] =	stream.linear.gather [hbm4b:s1+s25], $0x80, $0x38;
	[tilespmem:$0x18600] =	vst v63  }
0x18a: {  	s0 =	sadd.s32 $0xD00, s31;
	s1 =	sadd.s32 s3, s5;
	s5 =	sand.u32 $0x1FFFFFF0, s6  }
0x18b: {  	[tilespmem:s0], [sflag:$0x1] =	stream.linear.gather [hbm4b:s1+s25], $0x80, $0x38;
	[tilespmem:$0x18600] =	vst v63  }
0x18c: {  	s5 =	sadd.s32 s3, s5;
	s0 =	sand.u32 $0xF0, s30;
	s1 =	sadd.s32 $0xD80, s31  }
0x18d: {  	[tilespmem:s1], [sflag:$0x1] =	stream.linear.gather [hbm4b:s5+s25], $0x80, $0x38;
	[tilespmem:$0x18600] =	vst v63  }
0x18e: {  	v0 =	vld [tilespmem:s0+$0x100];
	_ =	sdelay $0x4  }
0x18f: {  	v0 =	vshll.u32 v0, $0x4  }
0x190: {  	(v2sf) =	vpush v0, $0x0  }
0x191: {  	(v2sf) =	vpush v0, $0x2  }
0x192: {  	(v2sf) =	vpush v0, $0x1;
	_ =	sdelay $0x1  }
.Ltmp3:
0x193: {  	(v2sf) =	vpush v0, $0x3;
	(pc) =	sbr.rel @p0 .LBB2_8-.Ltmp3, $2  }
0x194: {  	(v2sf) =	vpush v0, $0x4;
	_ =	sdelay $0x2  }
0x195: {  	s30 =	sadd.s32 $0x10, s30  }
0x196: {  	(v2sf) =	vpush v0, $0x5;
	_ =	sdelay $0x1  }
0x197: {  	s0 =	sshra.s32 s29, $0x2;
	(v2sf) =	vpush v0, $0x6  }
0x198: {  	s5 =	sadd.s32 $0x680, s0;
	s6 =	sadd.s32 $0x600, s0  }
0x199: {  	s17 =	sadd.s32 $0xB80, s0;
	s16 =	sadd.s32 $0xC00, s0;
	s1 =	sadd.s32 $0xC80, s0;
	(v2sf) =	vpush v0, $0x7  }
0x19a: {  	s7 =	sadd.s32 $0xA00, s0;
	s8 =	sadd.s32 $0xA80, s0;
	s9 =	sadd.s32 $0xB00, s0  }
0x19b: {  	s10 =	sadd.s32 $0x900, s0;
	s11 =	sadd.s32 $0x980, s0;
	s12 =	spop (v2sf);
	(v2sf) =	vpush v0, $0x8  }
0x19c: {  	s13 =	sadd.s32 $0x700, s0;
	s12 =	sand.u32 $0x1FFFFFF0, s12;
	s19 =	spop (v2sf)  }
0x19d: {  	s21 =	sadd.s32 $0x880, s0;
	s12 =	sadd.s32 s3, s12;
	s23 =	spop (v2sf);
	(v2sf) =	vpush v0, $0x9  }
0x19e: {  	[tilespmem:s6], [sflag:$0x1] =	stream.linear.gather [hbm4b:s12+s25], $0x80, $0x38;
	[tilespmem:$0x18600] =	vst v63  }
0x19f: {  	s30 =	sand.u32 $0x1FFFFFF0, s19;
	s23 =	sand.u32 $0x1FFFFFF0, s23;
	s31 =	spop (v2sf);
	(v2sf) =	vpush v0, $0xA  }
0x1a0: {  	s6 =	sadd.s32 s3, s23;
	s23 =	sadd.s32 $0x800, s0;
	s28 =	spop (v2sf)  }
0x1a1: {  	[tilespmem:s5], [sflag:$0x1] =	stream.linear.gather [hbm4b:s6+s25], $0x80, $0x38;
	(v2sf) =	vpush v0, $0xB;
	[tilespmem:$0x18600] =	vst v63  }
0x1a2: {  	s6 =	sadd.s32 s3, s30;
	s12 =	sand.u32 $0x1FFFFFF0, s31;
	s30 =	sadd.s32 $0x780, s0  }
0x1a3: {  	(v2sf) =	vpush v0, $0xC;
	[tilespmem:s13], [sflag:$0x1] =	stream.linear.gather [hbm4b:s6+s25], $0x80, $0x38;
	[tilespmem:$0x18600] =	vst v63  }
0x1a4: {  	s19 =	sand.u32 $0x1FFFFFF0, s28;
	s6 =	sadd.s32 s3, s12;
	s31 =	spop (v2sf)  }
0x1a5: {  	[tilespmem:s30], [sflag:$0x1] =	stream.linear.gather [hbm4b:s6+s25], $0x80, $0x38;
	(v2sf) =	vpush v0, $0xD;
	[tilespmem:$0x18600] =	vst v63  }
0x1a6: {  	s12 =	sadd.s32 s3, s19;
	s13 =	sand.u32 $0x1FFFFFF0, s31;
	s19 =	spop (v2sf)  }
0x1a7: {  	(v2sf) =	vpush v0, $0xE;
	[tilespmem:s23], [sflag:$0x1] =	stream.linear.gather [hbm4b:s12+s25], $0x80, $0x38;
	[tilespmem:$0x18600] =	vst v63  }
0x1a8: {  	s23 =	sadd.s32 s3, s13;
	s30 =	sand.u32 $0x1FFFFFF0, s19;
	s31 =	spop (v2sf)  }
0x1a9: {  	(v2sf) =	vpush v0, $0xF;
	[tilespmem:s21], [sflag:$0x1] =	stream.linear.gather [hbm4b:s23+s25], $0x80, $0x38;
	[tilespmem:$0x18600] =	vst v63  }
0x1aa: {  	s13 =	sadd.s32 s3, s30;
	s19 =	sand.u32 $0x1FFFFFF0, s31;
	s21 =	spop (v2sf)  }
0x1ab: {  	[tilespmem:s10], [sflag:$0x1] =	stream.linear.gather [hbm4b:s13+s25], $0x80, $0x38;
	[tilespmem:$0x18600] =	vst v63  }
0x1ac: {  	s23 =	sadd.s32 s3, s19;
	s30 =	sand.u32 $0x1FFFFFF0, s21;
	s31 =	spop (v2sf)  }
0x1ad: {  	[tilespmem:s11], [sflag:$0x1] =	stream.linear.gather [hbm4b:s23+s25], $0x80, $0x38;
	[tilespmem:$0x18600] =	vst v63  }
0x1ae: {  	s6 =	sadd.s32 s3, s30;
	s11 =	sand.u32 $0x1FFFFFF0, s31;
	s12 =	spop (v2sf)  }
0x1af: {  	[tilespmem:s7], [sflag:$0x1] =	stream.linear.gather [hbm4b:s6+s25], $0x80, $0x38;
	[tilespmem:$0x18600] =	vst v63  }
0x1b0: {  	s13 =	sadd.s32 s3, s11;
	s19 =	sand.u32 $0x1FFFFFF0, s12;
	s21 =	spop (v2sf)  }
0x1b1: {  	[tilespmem:s8], [sflag:$0x1] =	stream.linear.gather [hbm4b:s13+s25], $0x80, $0x38;
	[tilespmem:$0x18600] =	vst v63  }
0x1b2: {  	s23 =	sadd.s32 s3, s19;
	s30 =	sand.u32 $0x1FFFFFF0, s21;
	s31 =	spop (v2sf)  }
0x1b3: {  	[tilespmem:s9], [sflag:$0x1] =	stream.linear.gather [hbm4b:s23+s25], $0x80, $0x38;
	[tilespmem:$0x18600] =	vst v63  }
0x1b4: {  	s8 =	sadd.s32 s3, s30;
	s9 =	sand.u32 $0x1FFFFFF0, s31;
	s10 =	spop (v2sf)  }
0x1b5: {  	[tilespmem:s17], [sflag:$0x1] =	stream.linear.gather [hbm4b:s8+s25], $0x80, $0x38;
	[tilespmem:$0x18600] =	vst v63  }
0x1b6: {  	s11 =	sadd.s32 s3, s9;
	s12 =	sand.u32 $0x1FFFFFF0, s10;
	s13 =	spop (v2sf)  }
0x1b7: {  	[tilespmem:s16], [sflag:$0x1] =	stream.linear.gather [hbm4b:s11+s25], $0x80, $0x38;
	[tilespmem:$0x18600] =	vst v63  }
0x1b8: {  	s17 =	sand.u32 $0x1FFFFFF0, s13;
	s19 =	spop (v2sf);
	s16 =	sadd.s32 s3, s12  }
0x1b9: {  	[tilespmem:s1], [sflag:$0x1] =	stream.linear.gather [hbm4b:s16+s25], $0x80, $0x38;
	[tilespmem:$0x18600] =	vst v63  }
0x1ba: {  	s21 =	sadd.s32 $0xD00, s0;
	s23 =	sadd.s32 s3, s17;
	s30 =	sand.u32 $0x1FFFFFF0, s19  }
0x1bb: {  	[tilespmem:s21], [sflag:$0x1] =	stream.linear.gather [hbm4b:s23+s25], $0x80, $0x38;
	[tilespmem:$0x18600] =	vst v63  }
0x1bc: {  	s0 =	sadd.s32 $0xD80, s0;
	s31 =	sadd.s32 s3, s30  }
0x1bd: {  	[tilespmem:s0], [sflag:$0x1] =	stream.linear.gather [hbm4b:s31+s25], $0x80, $0x38;
	[tilespmem:$0x18600] =	vst v63  }
0x1be: {  	v0 =	vld [tilespmem:s26+$0x500];
	_ =	sdelay $0x4  }
0x1bf: {  	v0 =	vshll.u32 v0, $0x4  }
0x1c0: {  	(v2sf) =	vpush v0, $0x0  }
0x1c1: {  	(v2sf) =	vpush v0, $0x2  }
0x1c2: {  	(v2sf) =	vpush v0, $0x1;
	_ =	sdelay $0x1  }
0x1c3: {  	(v2sf) =	vpush v0, $0x3  }
0x1c4: {  	(v2sf) =	vpush v0, $0x4;
	_ =	sdelay $0x2  }
0x1c5: {  	s29 =	simm.s32 $0x10;
	s28 =	simm.s32 $0x2000  }
.LBB2_10:
0x1c6: {  	p0 =	sne.s32 s28, $0x1E000;
	(v2sf) =	vpush v0, $0x5;
	s0 =	smov.u32 s28;
	s28 =	sadd.s32 $0x2000, s28  }
0x1c7: {  	s30 =	sshra.s32 s25, $0x2;
	s25 =	smov.u32 s0  }
0x1c8: {  	s5 =	sadd.s32 $0x10680, s30;
	(v2sf) =	vpush v0, $0x6  }
0x1c9: {  	s26 =	simm.s32 $0x0;
	s6 =	sadd.s32 $0x10600, s30  }
0x1ca: {  	s16 =	sadd.s32 $0x10B80, s30;
	s1 =	sadd.s32 $0x10C00, s30;
	s0 =	sadd.s32 $0x10C80, s30;
	(v2sf) =	vpush v0, $0x7  }
0x1cb: {  	s21 =	sadd.s32 $0x10A00, s30;
	s19 =	sadd.s32 $0x10A80, s30;
	s17 =	sadd.s32 $0x10B00, s30  }
0x1cc: {  	s7 =	sadd.s32 $0x10900, s30;
	s23 =	sadd.s32 $0x10980, s30;
	s8 =	spop (v2sf);
	(v2sf) =	vpush v0, $0x8  }
0x1cd: {  	s9 =	sadd.s32 $0x10700, s30;
	s8 =	sand.u32 $0x1FFFFFF0, s8;
	s10 =	spop (v2sf)  }
0x1ce: {  	s11 =	sadd.s32 $0x10880, s30;
	s8 =	sadd.s32 s3, s8;
	s12 =	spop (v2sf);
	(v2sf) =	vpush v0, $0x9  }
0x1cf: {  	[tilespmem:s6], [sflag:$0x3] =	stream.linear.gather [hbm4b:s8+s26], $0x80, $0x38;
	[tilespmem:$0x18600] =	vst v63  }
0x1d0: {  	s6 =	sand.u32 $0x1FFFFFF0, s12;
	s8 =	sand.u32 $0x1FFFFFF0, s10;
	s10 =	spop (v2sf);
	(v2sf) =	vpush v0, $0xA  }
0x1d1: {  	s12 =	sadd.s32 $0x10800, s30;
	s6 =	sadd.s32 s3, s6;
	s13 =	spop (v2sf)  }
0x1d2: {  	[tilespmem:s5], [sflag:$0x3] =	stream.linear.gather [hbm4b:s6+s26], $0x80, $0x38;
	(v2sf) =	vpush v0, $0xB;
	[tilespmem:$0x18600] =	vst v63  }
0x1d3: {  	s5 =	sadd.s32 s3, s8;
	s6 =	sand.u32 $0x1FFFFFF0, s10;
	s8 =	sand.u32 $0x1FFFFFF0, s13  }
0x1d4: {  	[tilespmem:s9], [sflag:$0x3] =	stream.linear.gather [hbm4b:s5+s26], $0x80, $0x38;
	(v2sf) =	vpush v0, $0xC;
	[tilespmem:$0x18600] =	vst v63  }
0x1d5: {  	s6 =	sadd.s32 s3, s6;
	s5 =	sadd.s32 $0x10780, s30;
	s9 =	spop (v2sf)  }
0x1d6: {  	[tilespmem:s5], [sflag:$0x3] =	stream.linear.gather [hbm4b:s6+s26], $0x80, $0x38;
	(v2sf) =	vpush v0, $0xD;
	[tilespmem:$0x18600] =	vst v63  }
0x1d7: {  	s5 =	sadd.s32 s3, s8;
	s6 =	sand.u32 $0x1FFFFFF0, s9;
	s8 =	spop (v2sf)  }
0x1d8: {  	[tilespmem:s12], [sflag:$0x3] =	stream.linear.gather [hbm4b:s5+s26], $0x80, $0x38;
	(v2sf) =	vpush v0, $0xE;
	[tilespmem:$0x18600] =	vst v63  }
0x1d9: {  	s5 =	sadd.s32 s3, s6;
	s6 =	sand.u32 $0x1FFFFFF0, s8;
	s8 =	spop (v2sf)  }
0x1da: {  	[tilespmem:s11], [sflag:$0x3] =	stream.linear.gather [hbm4b:s5+s26], $0x80, $0x38;
	(v2sf) =	vpush v0, $0xF;
	[tilespmem:$0x18600] =	vst v63  }
0x1db: {  	s5 =	sadd.s32 s3, s6;
	s6 =	sand.u32 $0x1FFFFFF0, s8;
	s8 =	spop (v2sf)  }
0x1dc: {  	[tilespmem:s7], [sflag:$0x3] =	stream.linear.gather [hbm4b:s5+s26], $0x80, $0x38;
	[tilespmem:$0x18600] =	vst v63  }
0x1dd: {  	s5 =	sadd.s32 s3, s6;
	s6 =	sand.u32 $0x1FFFFFF0, s8;
	s7 =	spop (v2sf)  }
0x1de: {  	[tilespmem:s23], [sflag:$0x3] =	stream.linear.gather [hbm4b:s5+s26], $0x80, $0x38;
	[tilespmem:$0x18600] =	vst v63  }
0x1df: {  	s5 =	sadd.s32 s3, s6;
	s6 =	sand.u32 $0x1FFFFFF0, s7;
	s7 =	spop (v2sf)  }
0x1e0: {  	[tilespmem:s21], [sflag:$0x3] =	stream.linear.gather [hbm4b:s5+s26], $0x80, $0x38;
	[tilespmem:$0x18600] =	vst v63  }
0x1e1: {  	s5 =	sadd.s32 s3, s6;
	s6 =	sand.u32 $0x1FFFFFF0, s7;
	s7 =	spop (v2sf)  }
0x1e2: {  	[tilespmem:s19], [sflag:$0x3] =	stream.linear.gather [hbm4b:s5+s26], $0x80, $0x38;
	[tilespmem:$0x18600] =	vst v63  }
0x1e3: {  	s5 =	sadd.s32 s3, s6;
	s6 =	sand.u32 $0x1FFFFFF0, s7;
	s7 =	spop (v2sf)  }
0x1e4: {  	[tilespmem:s17], [sflag:$0x3] =	stream.linear.gather [hbm4b:s5+s26], $0x80, $0x38;
	[tilespmem:$0x18600] =	vst v63  }
0x1e5: {  	s5 =	sadd.s32 s3, s6;
	s6 =	sand.u32 $0x1FFFFFF0, s7;
	s7 =	spop (v2sf)  }
0x1e6: {  	[tilespmem:s16], [sflag:$0x3] =	stream.linear.gather [hbm4b:s5+s26], $0x80, $0x38;
	[tilespmem:$0x18600] =	vst v63  }
0x1e7: {  	s5 =	sadd.s32 s3, s6;
	s6 =	sand.u32 $0x1FFFFFF0, s7;
	s7 =	spop (v2sf)  }
0x1e8: {  	[tilespmem:s1], [sflag:$0x3] =	stream.linear.gather [hbm4b:s5+s26], $0x80, $0x38;
	[tilespmem:$0x18600] =	vst v63  }
0x1e9: {  	s1 =	sadd.s32 s3, s6;
	s5 =	sand.u32 $0x1FFFFFF0, s7;
	s6 =	spop (v2sf)  }
0x1ea: {  	[tilespmem:s0], [sflag:$0x3] =	stream.linear.gather [hbm4b:s1+s26], $0x80, $0x38;
	[tilespmem:$0x18600] =	vst v63  }
0x1eb: {  	s0 =	sadd.s32 $0x10D00, s30;
	s1 =	sadd.s32 s3, s5;
	s5 =	sand.u32 $0x1FFFFFF0, s6  }
0x1ec: {  	[tilespmem:s0], [sflag:$0x3] =	stream.linear.gather [hbm4b:s1+s26], $0x80, $0x38;
	[tilespmem:$0x18600] =	vst v63  }
0x1ed: {  	s5 =	sadd.s32 s3, s5;
	s0 =	sand.u32 $0xF0, s29;
	s1 =	sadd.s32 $0x10D80, s30  }
0x1ee: {  	[tilespmem:s1], [sflag:$0x3] =	stream.linear.gather [hbm4b:s5+s26], $0x80, $0x38;
	[tilespmem:$0x18600] =	vst v63  }
0x1ef: {  	v0 =	vld [tilespmem:s0+$0x500];
	_ =	sdelay $0x4  }
0x1f0: {  	v0 =	vshll.u32 v0, $0x4  }
0x1f1: {  	(v2sf) =	vpush v0, $0x0  }
0x1f2: {  	(v2sf) =	vpush v0, $0x2  }
0x1f3: {  	(v2sf) =	vpush v0, $0x1;
	_ =	sdelay $0x1  }
.Ltmp4:
0x1f4: {  	(v2sf) =	vpush v0, $0x3;
	(pc) =	sbr.rel @p0 .LBB2_10-.Ltmp4, $2  }
0x1f5: {  	(v2sf) =	vpush v0, $0x4;
	_ =	sdelay $0x2  }
0x1f6: {  	s29 =	sadd.s32 $0x10, s29  }
0x1f7: {  	(v2sf) =	vpush v0, $0x5;
	_ =	sdelay $0x1  }
0x1f8: {  	s0 =	sshra.s32 s25, $0x2;
	(v2sf) =	vpush v0, $0x6  }
0x1f9: {  	s5 =	sadd.s32 $0x10680, s0;
	s6 =	sadd.s32 $0x10600, s0  }
0x1fa: {  	s17 =	sadd.s32 $0x10B80, s0;
	s16 =	sadd.s32 $0x10C00, s0;
	s1 =	sadd.s32 $0x10C80, s0;
	(v2sf) =	vpush v0, $0x7  }
0x1fb: {  	s7 =	sadd.s32 $0x10A00, s0;
	s8 =	sadd.s32 $0x10A80, s0;
	s9 =	sadd.s32 $0x10B00, s0  }
0x1fc: {  	s10 =	sadd.s32 $0x10900, s0;
	s11 =	sadd.s32 $0x10980, s0;
	s12 =	spop (v2sf);
	(v2sf) =	vpush v0, $0x8  }
0x1fd: {  	s13 =	sadd.s32 $0x10700, s0;
	s12 =	sand.u32 $0x1FFFFFF0, s12;
	s19 =	spop (v2sf)  }
0x1fe: {  	s21 =	sadd.s32 $0x10880, s0;
	s12 =	sadd.s32 s3, s12;
	s23 =	spop (v2sf);
	(v2sf) =	vpush v0, $0x9  }
0x1ff: {  	[tilespmem:s6], [sflag:$0x3] =	stream.linear.gather [hbm4b:s12+s26], $0x80, $0x38;
	[tilespmem:$0x18600] =	vst v63  }
0x200: {  	s29 =	sand.u32 $0x1FFFFFF0, s19;
	s25 =	sand.u32 $0x1FFFFFF0, s23;
	s30 =	spop (v2sf);
	(v2sf) =	vpush v0, $0xA  }
0x201: {  	s19 =	sadd.s32 $0x10780, s0;
	s6 =	sadd.s32 s3, s25;
	s31 =	spop (v2sf)  }
0x202: {  	[tilespmem:s5], [sflag:$0x3] =	stream.linear.gather [hbm4b:s6+s26], $0x80, $0x38;
	(v2sf) =	vpush v0, $0xB;
	[tilespmem:$0x18600] =	vst v63  }
0x203: {  	s23 =	sadd.s32 $0x10800, s0;
	s29 =	sadd.s32 s3, s29;
	s30 =	sand.u32 $0x1FFFFFF0, s30  }
0x204: {  	(v2sf) =	vpush v0, $0xC;
	[tilespmem:s13], [sflag:$0x3] =	stream.linear.gather [hbm4b:s29+s26], $0x80, $0x38;
	[tilespmem:$0x18600] =	vst v63  }
0x205: {  	s31 =	sand.u32 $0x1FFFFFF0, s31;
	s6 =	sadd.s32 s3, s30;
	s25 =	spop (v2sf)  }
0x206: {  	[tilespmem:s19], [sflag:$0x3] =	stream.linear.gather [hbm4b:s6+s26], $0x80, $0x38;
	(v2sf) =	vpush v0, $0xD;
	[tilespmem:$0x18600] =	vst v63  }
0x207: {  	s29 =	sadd.s32 s3, s31;
	s30 =	sand.u32 $0x1FFFFFF0, s25;
	s31 =	spop (v2sf)  }
0x208: {  	(v2sf) =	vpush v0, $0xE;
	[tilespmem:s23], [sflag:$0x3] =	stream.linear.gather [hbm4b:s29+s26], $0x80, $0x38;
	[tilespmem:$0x18600] =	vst v63  }
0x209: {  	s6 =	sadd.s32 s3, s30;
	s13 =	sand.u32 $0x1FFFFFF0, s31;
	s19 =	spop (v2sf)  }
0x20a: {  	(v2sf) =	vpush v0, $0xF;
	[tilespmem:s21], [sflag:$0x3] =	stream.linear.gather [hbm4b:s6+s26], $0x80, $0x38;
	[tilespmem:$0x18600] =	vst v63  }
0x20b: {  	s23 =	sand.u32 $0x1FFFFFF0, s19;
	s21 =	sadd.s32 s3, s13;
	s25 =	spop (v2sf)  }
0x20c: {  	[tilespmem:s10], [sflag:$0x3] =	stream.linear.gather [hbm4b:s21+s26], $0x80, $0x38;
	[tilespmem:$0x18600] =	vst v63  }
0x20d: {  	s29 =	sadd.s32 s3, s23;
	s30 =	sand.u32 $0x1FFFFFF0, s25;
	s31 =	spop (v2sf)  }
0x20e: {  	[tilespmem:s11], [sflag:$0x3] =	stream.linear.gather [hbm4b:s29+s26], $0x80, $0x38;
	[tilespmem:$0x18600] =	vst v63  }
0x20f: {  	s12 =	sadd.s32 s3, s30;
	s13 =	sand.u32 $0x1FFFFFF0, s31;
	s19 =	spop (v2sf)  }
0x210: {  	[tilespmem:s7], [sflag:$0x3] =	stream.linear.gather [hbm4b:s12+s26], $0x80, $0x38;
	[tilespmem:$0x18600] =	vst v63  }
0x211: {  	s21 =	sadd.s32 s3, s13;
	s23 =	sand.u32 $0x1FFFFFF0, s19;
	s25 =	spop (v2sf)  }
0x212: {  	[tilespmem:s8], [sflag:$0x3] =	stream.linear.gather [hbm4b:s21+s26], $0x80, $0x38;
	[tilespmem:$0x18600] =	vst v63  }
0x213: {  	s29 =	sadd.s32 s3, s23;
	s30 =	sand.u32 $0x1FFFFFF0, s25;
	s31 =	spop (v2sf)  }
0x214: {  	[tilespmem:s9], [sflag:$0x3] =	stream.linear.gather [hbm4b:s29+s26], $0x80, $0x38;
	[tilespmem:$0x18600] =	vst v63  }
0x215: {  	s8 =	sadd.s32 s3, s30;
	s9 =	sand.u32 $0x1FFFFFF0, s31;
	s10 =	spop (v2sf)  }
0x216: {  	[tilespmem:s17], [sflag:$0x3] =	stream.linear.gather [hbm4b:s8+s26], $0x80, $0x38;
	[tilespmem:$0x18600] =	vst v63  }
0x217: {  	s11 =	sadd.s32 s3, s9;
	s12 =	sand.u32 $0x1FFFFFF0, s10;
	s13 =	spop (v2sf)  }
0x218: {  	[tilespmem:s16], [sflag:$0x3] =	stream.linear.gather [hbm4b:s11+s26], $0x80, $0x38;
	[tilespmem:$0x18600] =	vst v63  }
0x219: {  	s17 =	sadd.s32 s3, s12;
	s19 =	sand.u32 $0x1FFFFFF0, s13;
	s21 =	spop (v2sf)  }
0x21a: {  	[tilespmem:s1], [sflag:$0x3] =	stream.linear.gather [hbm4b:s17+s26], $0x80, $0x38;
	[tilespmem:$0x18600] =	vst v63  }
0x21b: {  	s23 =	sadd.s32 $0x10D00, s0;
	s25 =	sadd.s32 s3, s19;
	s29 =	sand.u32 $0x1FFFFFF0, s21  }
0x21c: {  	[tilespmem:s23], [sflag:$0x3] =	stream.linear.gather [hbm4b:s25+s26], $0x80, $0x38;
	[tilespmem:$0x18600] =	vst v63  }
0x21d: {  	s0 =	sadd.s32 $0x10D80, s0;
	s31 =	sand.u32 $0xF0, s26;
	s30 =	sadd.s32 s3, s29  }
0x21e: {  	[tilespmem:s0], [sflag:$0x3] =	stream.linear.gather [hbm4b:s30+s26], $0x80, $0x38;
	[tilespmem:$0x18600] =	vst v63  }
0x21f: {  	v0 =	vld [tilespmem:s31+$0x300];
	_ =	sdelay $0x4  }
0x220: {  	v0 =	vshll.u32 v0, $0x4  }
0x221: {  	(v2sf) =	vpush v0, $0x0  }
0x222: {  	(v2sf) =	vpush v0, $0x2  }
0x223: {  	(v2sf) =	vpush v0, $0x1;
	_ =	sdelay $0x1  }
0x224: {  	(v2sf) =	vpush v0, $0x3  }
0x225: {  	(v2sf) =	vpush v0, $0x4;
	_ =	sdelay $0x2  }
0x226: {  	s28 =	simm.s32 $0x10;
	s25 =	simm.s32 $0x2000  }
.LBB2_12:
0x227: {  	p0 =	sne.s32 s25, $0x1E000;
	(v2sf) =	vpush v0, $0x5;
	s0 =	smov.u32 s25;
	s25 =	sadd.s32 $0x2000, s25  }
0x228: {  	s29 =	sshra.s32 s26, $0x2;
	s26 =	smov.u32 s0  }
0x229: {  	s5 =	sadd.s32 $0x8680, s29;
	(v2sf) =	vpush v0, $0x6  }
0x22a: {  	s6 =	sadd.s32 $0x8600, s29  }
0x22b: {  	s16 =	sadd.s32 $0x8B80, s29;
	s1 =	sadd.s32 $0x8C00, s29;
	s0 =	sadd.s32 $0x8C80, s29;
	(v2sf) =	vpush v0, $0x7  }
0x22c: {  	s21 =	sadd.s32 $0x8A00, s29;
	s19 =	sadd.s32 $0x8A80, s29;
	s17 =	sadd.s32 $0x8B00, s29  }
0x22d: {  	s7 =	sadd.s32 $0x8900, s29;
	s23 =	sadd.s32 $0x8980, s29;
	s8 =	spop (v2sf);
	(v2sf) =	vpush v0, $0x8  }
0x22e: {  	s9 =	sadd.s32 $0x8700, s29;
	s8 =	sand.u32 $0x1FFFFFF0, s8;
	s10 =	spop (v2sf)  }
0x22f: {  	s11 =	sadd.s32 $0x8880, s29;
	s8 =	sadd.s32 s4, s8;
	s12 =	spop (v2sf);
	(v2sf) =	vpush v0, $0x9  }
0x230: {  	[tilespmem:s6], [sflag:$0x2] =	stream.linear.gather [hbm4b:s8+s2], $0x80, $0x38;
	[tilespmem:$0x18600] =	vst v63  }
0x231: {  	s6 =	sand.u32 $0x1FFFFFF0, s12;
	s8 =	sand.u32 $0x1FFFFFF0, s10;
	s10 =	spop (v2sf);
	(v2sf) =	vpush v0, $0xA  }
0x232: {  	s12 =	sadd.s32 $0x8800, s29;
	s6 =	sadd.s32 s4, s6;
	s13 =	spop (v2sf)  }
0x233: {  	[tilespmem:s5], [sflag:$0x2] =	stream.linear.gather [hbm4b:s6+s2], $0x80, $0x38;
	(v2sf) =	vpush v0, $0xB;
	[tilespmem:$0x18600] =	vst v63  }
0x234: {  	s5 =	sadd.s32 s4, s8;
	s6 =	sand.u32 $0x1FFFFFF0, s10;
	s8 =	sand.u32 $0x1FFFFFF0, s13  }
0x235: {  	[tilespmem:s9], [sflag:$0x2] =	stream.linear.gather [hbm4b:s5+s2], $0x80, $0x38;
	(v2sf) =	vpush v0, $0xC;
	[tilespmem:$0x18600] =	vst v63  }
0x236: {  	s6 =	sadd.s32 s4, s6;
	s5 =	sadd.s32 $0x8780, s29;
	s9 =	spop (v2sf)  }
0x237: {  	[tilespmem:s5], [sflag:$0x2] =	stream.linear.gather [hbm4b:s6+s2], $0x80, $0x38;
	(v2sf) =	vpush v0, $0xD;
	[tilespmem:$0x18600] =	vst v63  }
0x238: {  	s5 =	sadd.s32 s4, s8;
	s6 =	sand.u32 $0x1FFFFFF0, s9;
	s8 =	spop (v2sf)  }
0x239: {  	[tilespmem:s12], [sflag:$0x2] =	stream.linear.gather [hbm4b:s5+s2], $0x80, $0x38;
	(v2sf) =	vpush v0, $0xE;
	[tilespmem:$0x18600] =	vst v63  }
0x23a: {  	s5 =	sadd.s32 s4, s6;
	s6 =	sand.u32 $0x1FFFFFF0, s8;
	s8 =	spop (v2sf)  }
0x23b: {  	[tilespmem:s11], [sflag:$0x2] =	stream.linear.gather [hbm4b:s5+s2], $0x80, $0x38;
	(v2sf) =	vpush v0, $0xF;
	[tilespmem:$0x18600] =	vst v63  }
0x23c: {  	s5 =	sadd.s32 s4, s6;
	s6 =	sand.u32 $0x1FFFFFF0, s8;
	s8 =	spop (v2sf)  }
0x23d: {  	[tilespmem:s7], [sflag:$0x2] =	stream.linear.gather [hbm4b:s5+s2], $0x80, $0x38;
	[tilespmem:$0x18600] =	vst v63  }
0x23e: {  	s5 =	sadd.s32 s4, s6;
	s6 =	sand.u32 $0x1FFFFFF0, s8;
	s7 =	spop (v2sf)  }
0x23f: {  	[tilespmem:s23], [sflag:$0x2] =	stream.linear.gather [hbm4b:s5+s2], $0x80, $0x38;
	[tilespmem:$0x18600] =	vst v63  }
0x240: {  	s5 =	sadd.s32 s4, s6;
	s6 =	sand.u32 $0x1FFFFFF0, s7;
	s7 =	spop (v2sf)  }
0x241: {  	[tilespmem:s21], [sflag:$0x2] =	stream.linear.gather [hbm4b:s5+s2], $0x80, $0x38;
	[tilespmem:$0x18600] =	vst v63  }
0x242: {  	s5 =	sadd.s32 s4, s6;
	s6 =	sand.u32 $0x1FFFFFF0, s7;
	s7 =	spop (v2sf)  }
0x243: {  	[tilespmem:s19], [sflag:$0x2] =	stream.linear.gather [hbm4b:s5+s2], $0x80, $0x38;
	[tilespmem:$0x18600] =	vst v63  }
0x244: {  	s5 =	sadd.s32 s4, s6;
	s6 =	sand.u32 $0x1FFFFFF0, s7;
	s7 =	spop (v2sf)  }
0x245: {  	[tilespmem:s17], [sflag:$0x2] =	stream.linear.gather [hbm4b:s5+s2], $0x80, $0x38;
	[tilespmem:$0x18600] =	vst v63  }
0x246: {  	s5 =	sadd.s32 s4, s6;
	s6 =	sand.u32 $0x1FFFFFF0, s7;
	s7 =	spop (v2sf)  }
0x247: {  	[tilespmem:s16], [sflag:$0x2] =	stream.linear.gather [hbm4b:s5+s2], $0x80, $0x38;
	[tilespmem:$0x18600] =	vst v63  }
0x248: {  	s5 =	sadd.s32 s4, s6;
	s6 =	sand.u32 $0x1FFFFFF0, s7;
	s7 =	spop (v2sf)  }
0x249: {  	[tilespmem:s1], [sflag:$0x2] =	stream.linear.gather [hbm4b:s5+s2], $0x80, $0x38;
	[tilespmem:$0x18600] =	vst v63  }
0x24a: {  	s1 =	sadd.s32 s4, s6;
	s5 =	sand.u32 $0x1FFFFFF0, s7;
	s6 =	spop (v2sf)  }
0x24b: {  	[tilespmem:s0], [sflag:$0x2] =	stream.linear.gather [hbm4b:s1+s2], $0x80, $0x38;
	[tilespmem:$0x18600] =	vst v63  }
0x24c: {  	s0 =	sadd.s32 $0x8D00, s29;
	s1 =	sadd.s32 s4, s5;
	s5 =	sand.u32 $0x1FFFFFF0, s6  }
0x24d: {  	[tilespmem:s0], [sflag:$0x2] =	stream.linear.gather [hbm4b:s1+s2], $0x80, $0x38;
	[tilespmem:$0x18600] =	vst v63  }
0x24e: {  	s5 =	sadd.s32 s4, s5;
	s0 =	sand.u32 $0xF0, s28;
	s1 =	sadd.s32 $0x8D80, s29  }
0x24f: {  	[tilespmem:s1], [sflag:$0x2] =	stream.linear.gather [hbm4b:s5+s2], $0x80, $0x38;
	[tilespmem:$0x18600] =	vst v63  }
0x250: {  	v0 =	vld [tilespmem:s0+$0x300];
	_ =	sdelay $0x4  }
0x251: {  	v0 =	vshll.u32 v0, $0x4  }
0x252: {  	(v2sf) =	vpush v0, $0x0  }
0x253: {  	(v2sf) =	vpush v0, $0x2  }
0x254: {  	(v2sf) =	vpush v0, $0x1;
	_ =	sdelay $0x1  }
.Ltmp5:
0x255: {  	(v2sf) =	vpush v0, $0x3;
	(pc) =	sbr.rel @p0 .LBB2_12-.Ltmp5, $2  }
0x256: {  	(v2sf) =	vpush v0, $0x4;
	_ =	sdelay $0x2  }
0x257: {  	s28 =	sadd.s32 $0x10, s28  }
0x258: {  	_ =	sdelay $0x5  }
0x259: {  	s1 =	spop (v2sf)  }
0x25a: {  	s6 =	spop (v2sf);
	(v2sf) =	vpush v0, $0x5;
	_ =	sdelay $0x1  }
0x25b: {  	s11 =	spop (v2sf);
	(v2sf) =	vpush v0, $0x6;
	_ =	sdelay $0x2  }
0x25c: {  	s17 =	spop (v2sf);
	(v2sf) =	vpush v0, $0x7  }
0x25d: {  	s0 =	sshra.s32 s26, $0x2;
	s1 =	sand.u32 $0x1FFFFFF0, s1  }
0x25e: {  	s5 =	sadd.s32 $0x8600, s0;
	s1 =	sadd.s32 s4, s1  }
0x25f: {  	[tilespmem:s5], [sflag:$0x2] =	stream.linear.gather [hbm4b:s1+s2], $0x80, $0x38;
	[tilespmem:$0x18600] =	vst v63  }
0x260: {  	s1 =	sand.u32 $0x1FFFFFF0, s11;
	s21 =	spop (v2sf);
	(v2sf) =	vpush v0, $0x8  }
0x261: {  	s12 =	sadd.s32 $0x8680, s0;
	s13 =	sand.u32 $0x1FFFFFF0, s6;
	s1 =	sadd.s32 s4, s1  }
0x262: {  	[tilespmem:s12], [sflag:$0x2] =	stream.linear.gather [hbm4b:s1+s2], $0x80, $0x38;
	[tilespmem:$0x18600] =	vst v63  }
0x263: {  	s16 =	sadd.s32 $0x8700, s0;
	s1 =	sadd.s32 s4, s13  }
0x264: {  	[tilespmem:s16], [sflag:$0x2] =	stream.linear.gather [hbm4b:s1+s2], $0x80, $0x38;
	[tilespmem:$0x18600] =	vst v63  }
0x265: {  	s1 =	sand.u32 $0x1FFFFFF0, s17  }
0x266: {  	s19 =	sadd.s32 $0x8780, s0;
	s1 =	sadd.s32 s4, s1;
	s25 =	spop (v2sf);
	(v2sf) =	vpush v0, $0x9  }
0x267: {  	[tilespmem:s19], [sflag:$0x2] =	stream.linear.gather [hbm4b:s1+s2], $0x80, $0x38;
	[tilespmem:$0x18600] =	vst v63  }
0x268: {  	s1 =	sand.u32 $0x1FFFFFF0, s21;
	s28 =	spop (v2sf);
	(v2sf) =	vpush v0, $0xA  }
0x269: {  	s23 =	sadd.s32 $0x8800, s0;
	s1 =	sadd.s32 s4, s1  }
0x26a: {  	[tilespmem:s23], [sflag:$0x2] =	stream.linear.gather [hbm4b:s1+s2], $0x80, $0x38;
	[tilespmem:$0x18600] =	vst v63  }
0x26b: {  	s1 =	sand.u32 $0x1FFFFFF0, s25;
	s30 =	spop (v2sf);
	(v2sf) =	vpush v0, $0xB  }
0x26c: {  	s26 =	sadd.s32 $0x8880, s0;
	s1 =	sadd.s32 s4, s1  }
0x26d: {  	[tilespmem:s26], [sflag:$0x2] =	stream.linear.gather [hbm4b:s1+s2], $0x80, $0x38;
	[tilespmem:$0x18600] =	vst v63  }
0x26e: {  	s1 =	sand.u32 $0x1FFFFFF0, s28  }
0x26f: {  	s29 =	sadd.s32 $0x8900, s0;
	s1 =	sadd.s32 s4, s1;
	s5 =	spop (v2sf)  }
0x270: {  	(v2sf) =	vpush v0, $0xC;
	[tilespmem:s29], [sflag:$0x2] =	stream.linear.gather [hbm4b:s1+s2], $0x80, $0x38;
	[tilespmem:$0x18600] =	vst v63  }
0x271: {  	s1 =	sand.u32 $0x1FFFFFF0, s30  }
0x272: {  	s31 =	sadd.s32 $0x8980, s0;
	s1 =	sadd.s32 s4, s1  }
0x273: {  	[tilespmem:s31], [sflag:$0x2] =	stream.linear.gather [hbm4b:s1+s2], $0x80, $0x38;
	[tilespmem:$0x18600] =	vst v63  }
0x274: {  	s1 =	sand.u32 $0x1FFFFFF0, s5  }
0x275: {  	s6 =	sadd.s32 $0x8A00, s0;
	s1 =	sadd.s32 s4, s1;
	s7 =	spop (v2sf);
	(v2sf) =	vpush v0, $0xD  }
0x276: {  	[tilespmem:s6], [sflag:$0x2] =	stream.linear.gather [hbm4b:s1+s2], $0x80, $0x38;
	[tilespmem:$0x18600] =	vst v63  }
0x277: {  	s1 =	sand.u32 $0x1FFFFFF0, s7;
	s9 =	spop (v2sf);
	(v2sf) =	vpush v0, $0xE  }
0x278: {  	s8 =	sadd.s32 $0x8A80, s0;
	s1 =	sadd.s32 s4, s1  }
0x279: {  	[tilespmem:s8], [sflag:$0x2] =	stream.linear.gather [hbm4b:s1+s2], $0x80, $0x38;
	[tilespmem:$0x18600] =	vst v63  }
0x27a: {  	s11 =	spop (v2sf);
	(v2sf) =	vpush v0, $0xF  }
0x27b: {  	s1 =	sand.u32 $0x1FFFFFF0, s9  }
0x27c: {  	s10 =	sadd.s32 $0x8B00, s0;
	s1 =	sadd.s32 s4, s1  }
0x27d: {  	[tilespmem:s10], [sflag:$0x2] =	stream.linear.gather [hbm4b:s1+s2], $0x80, $0x38;
	[tilespmem:$0x18600] =	vst v63  }
0x27e: {  	s1 =	sand.u32 $0x1FFFFFF0, s11  }
0x27f: {  	s12 =	sadd.s32 $0x8B80, s0;
	s13 =	spop (v2sf);
	s1 =	sadd.s32 s4, s1  }
0x280: {  	[tilespmem:s12], [sflag:$0x2] =	stream.linear.gather [hbm4b:s1+s2], $0x80, $0x38;
	[tilespmem:$0x18600] =	vst v63  }
0x281: {  	s1 =	sand.u32 $0x1FFFFFF0, s13  }
0x282: {  	s16 =	sadd.s32 $0x8C00, s0;
	s1 =	sadd.s32 s4, s1  }
0x283: {  	[tilespmem:s16], [sflag:$0x2] =	stream.linear.gather [hbm4b:s1+s2], $0x80, $0x38;
	[tilespmem:$0x18600] =	vst v63  }
0x284: {  	s17 =	spop (v2sf)  }
0x285: {  	s1 =	sand.u32 $0x1FFFFFF0, s17  }
0x286: {  	s19 =	sadd.s32 $0x8C80, s0;
	s21 =	spop (v2sf);
	s1 =	sadd.s32 s4, s1  }
0x287: {  	[tilespmem:s19], [sflag:$0x2] =	stream.linear.gather [hbm4b:s1+s2], $0x80, $0x38;
	[tilespmem:$0x18600] =	vst v63  }
0x288: {  	s1 =	sand.u32 $0x1FFFFFF0, s21  }
0x289: {  	s23 =	sadd.s32 $0x8D00, s0;
	s25 =	spop (v2sf);
	s1 =	sadd.s32 s4, s1  }
0x28a: {  	[tilespmem:s23], [sflag:$0x2] =	stream.linear.gather [hbm4b:s1+s2], $0x80, $0x38;
	[tilespmem:$0x18600] =	vst v63  }
0x28b: {  	s1 =	sand.u32 $0x1FFFFFF0, s25  }
0x28c: {  	s0 =	sadd.s32 $0x8D80, s0;
	s1 =	sadd.s32 s4, s1  }
0x28d: {  	[tilespmem:s0], [sflag:$0x2] =	stream.linear.gather [hbm4b:s1+s2], $0x80, $0x38;
	[tilespmem:$0x18600] =	vst v63  }
0x28e: {  	_ =	swait.ge [sflag:s18], $0x8000  }
0x28f: {  	[sflag:s18] =	ssyncset.done $0x0  }
0x290: {  	s13 =	simm.s32 $0x600;
	s26 =	rddreg [dreg:$0xa];
	[sflag:s18] =	ssyncadd.s32 $0xFFFF8000  }
0x291: {  	[hbm4b:s26+s2] =	stream.linear.scatter [tilespmem:s13], [sflag:$0x4], $0x8000, $0x38;
	[tilespmem:$0x18600] =	vst v63  }
0x292: {  	_ =	swait.ge [sflag:s15], $0x8000  }
0x293: {  	[sflag:s15] =	ssyncset.done $0x0  }
0x294: {  	[sflag:s15] =	ssyncadd.s32 $0xFFFF8000  }
0x295: {  	_ =	swait.ge [sflag:s20], $0x8000  }
0x296: {  	[sflag:s20] =	ssyncset.done $0x0  }
0x297: {  	s29 =	simm.s32 $0x10600;
	s28 =	rddreg [dreg:$0xb];
	[sflag:s20] =	ssyncadd.s32 $0xFFFF8000  }
0x298: {  	[hbm4b:s28+s2] =	stream.linear.scatter [tilespmem:s29], [sflag:$0x4], $0x8000, $0x38;
	[tilespmem:$0x18600] =	vst v63  }
0x299: {  	_ =	swait.ge [sflag:s15], $0x8000  }
0x29a: {  	[sflag:s15] =	ssyncset.done $0x0  }
0x29b: {  	[sflag:s15] =	ssyncadd.s32 $0xFFFF8000  }
0x29c: {  	s24 =	sadd.s32 $0x1, s24;
	_ =	swait.ge [sflag:s22], $0x8000  }
0x29d: {  	p0 =	sne.s32 s24, s14;
	s31 =	simm.s32 $0x8600;
	[sflag:s22] =	ssyncset.done $0x0  }
.Ltmp6:
0x29e: {  	s30 =	rddreg [dreg:$0xc];
	[sflag:s22] =	ssyncadd.s32 $0xFFFF8000;
	(pc) =	sbr.rel @p0 .LBB2_1-.Ltmp6, $4  }
0x29f: {  	[hbm4b:s30+s2] =	stream.linear.scatter [tilespmem:s31], [sflag:$0x4], $0x8000, $0x38;
	[tilespmem:$0x18600] =	vst v63  }
0x2a0: {  	_ =	swait.ge [sflag:s15], $0x8000  }
0x2a1: {  	[sflag:s15] =	ssyncset.done $0x0  }
0x2a2: {  	[sflag:s15] =	ssyncadd.s32 $0xFFFF8000  }
0x2a3: {  	_ =	sfence.sel $0x180000  }
0x2a4: {  	[bflag:$0x0] =	sbarrier.arrive $0xFFFF  }
0x2a5: {  	_ =	strace $0x90000047  }
0x2a6: {  	s0 =	stileid.u32;
	[bflag:$0x2] =	sbarrier.arrive $0xFFFF  }
0x2a7: {  	p0 =	sne.s32 s0, $0x0;
	s0 =	rddreg [dreg:$0x3]  }
0x2a8: {  	s0 =	sadd.s32 @!p0 $0x100000, s0  }
0x2a9: {  	[sflag:s0] =	ssyncadd.tile.s32 @!p0 $0x1;
	_ =	shalt  }
.Lfunc_end2:
_tile_overlayer_lowered:
.L_overlay_start_2:
0x2aa: {  	(tag) =	ssettag $0x2  }
0x2ab: {  	s0 =	rddreg [dreg:$0x0];
	s2 =	stileid.u32  }
0x2ac: {  	s1 =	rddreg [dreg:$0x1];
	p0 =	sne.s32 s2, $0x0  }
0x2ad: {  	s3 =	rddreg [dreg:$0x2];
	[bflag:$0x3] =	sbarrier.arrive $0xFFFF;
	s2 =	simm.s32 @!p0 $0x1C04  }
0x2ae: {  	[timem:s3], [sflag:s2] =	dma.local @!p0 [hbm:s0], s1  }
0x2af: {  	s0 =	simm.s32 @!p0 $0x4  }
0x2b0: {  	_ =	swait.ge @!p0 [sflag:s0], s1  }
0x2b1: {  	s1 =	ssub.s32 @!p0 $0x0, s1;
	[sflag:s0] =	ssyncset.done @!p0 $0x0  }
0x2b2: {  	[sflag:s0] =	ssyncadd.s32 @!p0 s1  }
0x2b3: {  	[bflag:$0x3] =	sbarrier.arrive $0xFFFF  }
0x2b4: {  	_ =	shalt  }

</sc_bundles>
